<compile_context>
chip_gen: v7x
topology: tpu7x:2x2x1
jax: 0.10.2.dev20260603
libtpu: 0.0.44.dev20260713+nightly
codegen_flags: <defaults>
</compile_context>

<pallas_src>
import functools

import jax
import jax.numpy as jnp
from jax import lax
from jax.experimental import pallas as pl
from jax.experimental.pallas import tpu as pltpu
from jax.experimental.pallas import tpu_sc as plsc

_K = 32
_T = 16
_NNZ = 64
_NC = 2
_NS = 16
_NW = _NC * _NS
_SEC = 2048
_UCH = 2
_ICH = 4


def _sc_gather(user_table, item_table, uidx, iidx):
    bu = uidx.shape[0] // _NW
    bi = iidx.shape[0] // _NW
    chu = bu // _UCH
    chi = bi // _ICH
    mesh = plsc.VectorSubcoreMesh(core_axis_name="c", subcore_axis_name="s")

    @functools.partial(
        pl.kernel,
        mesh=mesh,
        out_type=[
            jax.ShapeDtypeStruct((uidx.shape[0], _K), jnp.float32),
            jax.ShapeDtypeStruct((iidx.shape[0], _K), jnp.float32),
        ],
        scratch_types=[
            pltpu.VMEM((max(chu, chi),), jnp.int32),
            pltpu.VMEM((max(chu, chi), _K), jnp.float32),
            pltpu.SemaphoreType.DMA,
        ],
    )
    def gather_kernel(ut_hbm, it_hbm, uq_hbm, iq_hbm, uout_hbm, iout_hbm,
                      idx_v, rows_v, sem):
        wid = lax.axis_index("s") * _NC + lax.axis_index("c")

        def do_chunk(tab, idx_hbm, out_hbm, base, n):
            pltpu.sync_copy(idx_hbm.at[pl.ds(base, n)], idx_v.at[pl.ds(0, n)])

            @pl.loop(0, n, step=16)
            def _(r):
                vec = idx_v[pl.ds(r, 16)]
                for l in range(16):
                    pltpu.async_copy(tab.at[pl.ds(vec[l], 1)],
                                     rows_v.at[pl.ds(r + l, 1)], sem)

            pltpu.make_async_copy(tab.at[pl.ds(0, n)],
                                  rows_v.at[pl.ds(0, n)], sem).wait()
            pltpu.sync_copy(rows_v.at[pl.ds(0, n)],
                            out_hbm.at[pl.ds(base, n)])

        for j in range(_UCH):
            do_chunk(ut_hbm, uq_hbm, uout_hbm, wid * bu + j * chu, chu)
        for j in range(_ICH):
            do_chunk(it_hbm, iq_hbm, iout_hbm, wid * bi + j * chi, chi)

    return gather_kernel(user_table, item_table, uidx, iidx)


def _cbuild_body(wraw_ref, rows_ref, vals_ref, c_ref):
    tag = lax.broadcasted_iota(jnp.int32, (_T, _NNZ), 0)
    S = jnp.where(tag == rows_ref[...], vals_ref[...], jnp.float32(0.0))
    c_ref[...] = lax.dot_general(
        S, wraw_ref[...], (((1,), (0,)), ((), ())),
        preferred_element_type=jnp.float32,
        precision=lax.Precision.HIGHEST)


def _main_body(u_ref, vp_ref, vn_ref, c_ref, z_ref):
    C = c_ref[...]
    dims = (((1,), (1,)), ((), ()))
    mm = functools.partial(lax.dot_general, dimension_numbers=dims,
                           preferred_element_type=jnp.float32,
                           precision=lax.Precision.HIGHEST)
    a = mm(u_ref[...], C)
    b = mm(vp_ref[...] - vn_ref[...], C)
    z_ref[...] = jnp.sum(a * b, axis=1, keepdims=True)


def kernel(samples, neg_item, user_table, item_table, rows, cols, vals):
    B = samples.shape[0]
    user_idx = samples[:, 0]
    item_idx = jnp.concatenate([
        cols, jnp.zeros((_SEC - _NNZ,), dtype=cols.dtype),
        samples[:, 1], neg_item,
    ])
    NI = item_idx.shape[0]

    raw_u, raw_i = _sc_gather(user_table, item_table, user_idx, item_idx)

    C = pl.pallas_call(
        _cbuild_body,
        grid=(1,),
        out_shape=jax.ShapeDtypeStruct((_T, _K), jnp.float32),
        in_specs=[
            pl.BlockSpec((_NNZ, _K), lambda g: (0, 0)),
            pl.BlockSpec((1, _NNZ), lambda g: (0, 0)),
            pl.BlockSpec((1, _NNZ), lambda g: (0, 0)),
        ],
        out_specs=pl.BlockSpec((_T, _K), lambda g: (0, 0)),
    )(raw_i, rows.reshape(1, _NNZ), vals.reshape(1, _NNZ))

    nsec = B // _SEC
    z = pl.pallas_call(
        _main_body,
        grid=(nsec,),
        out_shape=jax.ShapeDtypeStruct((B, 1), jnp.float32),
        in_specs=[
            pl.BlockSpec((_SEC, _K), lambda g: (g, 0)),
            pl.BlockSpec((_SEC, _K), lambda g: (g + 1, 0)),
            pl.BlockSpec((_SEC, _K), lambda g: (g + 1 + nsec, 0)),
            pl.BlockSpec((_T, _K), lambda g: (0, 0)),
        ],
        out_specs=pl.BlockSpec((_SEC, 1), lambda g: (g, 0)),
    )(raw_u, raw_i, raw_i, C)
    return z

# --- scband reference (transcript-rebuilt; emitter-appended) ---
"""Pipeline reference for scband-concept-mf-20633022890501 (READ-ONLY COPY).

The authoritative reference and input builder live on the scoring server;
editing this copy changes nothing except your own understanding.
"""

import jax, jax.numpy as jnp
import numpy as np

NUM_USERS = 1000000
NUM_ITEMS = 1000000
K = 32
B = 16384
T = 16


def _concept_coo():
    # tag t -> items [t*100, t*100+3, t*100+7, t*100+11], weight 1/4 each
    rows = np.repeat(np.arange(T), 4)
    cols = np.array([t * 100 + o for t in range(T) for o in (0, 3, 7, 11)], dtype=np.int32)
    vals = np.full(T * 4, 0.25, dtype=np.float32)
    return jnp.asarray(rows, dtype=jnp.int32), jnp.asarray(cols, dtype=jnp.int32), jnp.asarray(vals)


def setup_inputs(seed: int = 0) -> dict:
    key = jax.random.key(seed)
    k1, k2, k3, k4 = jax.random.split(key, 4)
    samples = jax.random.randint(k1, (B, 2), 0, NUM_ITEMS)
    neg_item = jax.random.randint(k2, (B,), 0, NUM_ITEMS)
    user_table = jax.random.normal(k3, (NUM_USERS, K), dtype=jnp.float32) * 0.01
    item_table = jax.random.normal(k4, (NUM_ITEMS, K), dtype=jnp.float32) * 0.01
    rows, cols, vals = _concept_coo()
    return {"samples": samples, "neg_item": neg_item,
            "user_table": user_table, "item_table": item_table,
            "rows": rows, "cols": cols, "vals": vals}


def reference(samples, neg_item, user_table, item_table, rows, cols, vals):
    # refresh_cache(): C = concept_mat (sparse COO, T x num_items) @ item_table -> (T, k)
    C = jnp.zeros((T, K), dtype=jnp.float32).at[rows].add(vals[:, None] * item_table[cols])
    # normalize_centroid=False, so no normalization
    G = C.T @ C  # (k, k)
    # forward(samples, neg_item) -> forward_z
    u = user_table[samples[:, 0]]       # (B, k) gather
    vp = item_table[samples[:, 1]]      # (B, k) gather
    vn = item_table[neg_item]           # (B, k) gather
    dv = vp - vn
    uG = u @ G
    z = jnp.sum(uG * dv, axis=-1, keepdims=True)  # (B, 1)
    return z

if __name__ == "__main__":
    import jax
    _d = setup_inputs()
    print(jax.jit(kernel)(*tuple(_d.values())))

</pallas_src>

<mosaic_0001>
#map = affine_map<(d0, d1) -> (0, 0)>
#map1 = affine_map<(d0, d1) -> (0)>
module attributes {stable_mosaic.version = 14 : i64} {
  func.func @gather_kernel(%arg0: i32, %arg1: i32, %arg2: memref<1000000x32xf32, #tpu.memory_space<hbm>>, %arg3: memref<1000000x32xf32, #tpu.memory_space<hbm>>, %arg4: memref<16384xi32, #tpu.memory_space<hbm>>, %arg5: memref<34816xi32, #tpu.memory_space<hbm>>, %arg6: memref<16384x32xf32, #tpu.memory_space<hbm>>, %arg7: memref<34816x32xf32, #tpu.memory_space<hbm>>, %arg8: memref<272xi32, #tpu.memory_space<vmem>>, %arg9: memref<272x32xf32, #tpu.memory_space<vmem>>, %arg10: memref<!tpu.dma_semaphore, #tpu.memory_space<semaphore_mem>>) attributes {dimension_semantics = [#tpu.dimension_semantics<core_parallel>, #tpu.dimension_semantics<subcore_parallel>], iteration_bounds = array<i64: 2, 16>, scalar_prefetch = 0 : i64, scratch_operands = 3 : i64, tpu.core_type = #tpu.core_type<sc_vector_subcore>, window_params = [{transform_indices = #map}, {transform_indices = #map}, {transform_indices = #map1}, {transform_indices = #map1}, {transform_indices = #map}, {transform_indices = #map}]} {
    %mul3A = arith.constant 2 : i32
    %mul3A_0 = arith.muli %arg1, %mul3A : i32
    %add3A = arith.addi %mul3A_0, %arg0 : i32
    %mul3A_1 = arith.constant 512 : i32
    %mul3A_2 = arith.muli %add3A, %mul3A_1 : i32
    %add3A_3 = arith.constant 0 : i32
    %add3A_4 = arith.addi %mul3A_2, %add3A_3 : i32
    "tpu.region"() ({
      %run_scoped3A = tpu.sem_alloc : memref<!tpu.dma_semaphore, #tpu.memory_space<semaphore_mem>>
      %dma_start3A = arith.constant 0 : i32
      %dma_start3A_125 = tpu.memref_slice %arg8[%dma_start3A] : memref<272xi32, #tpu.memory_space<vmem>> -> memref<256xi32, #tpu.memory_space<vmem>>
      %dma_start3A_126 = tpu.memref_slice %arg4[%add3A_4] : memref<16384xi32, #tpu.memory_space<hbm>> -> memref<256xi32, #tpu.memory_space<hbm>>
      %dma_start3A_127 = arith.constant 0 : i32
      %dma_start3A_128 = tpu.memref_slice %arg8[%dma_start3A_127] : memref<272xi32, #tpu.memory_space<vmem>> -> memref<256xi32, #tpu.memory_space<vmem>>
      %dma_start3A_129 = tpu.memref_slice %arg4[%add3A_4] : memref<16384xi32, #tpu.memory_space<hbm>> -> memref<256xi32, #tpu.memory_space<hbm>>
      tpu.enqueue_dma source(%dma_start3A_129 : memref<256xi32, #tpu.memory_space<hbm>>) target(%dma_start3A_128 : memref<256xi32, #tpu.memory_space<vmem>>) target_semaphore(%run_scoped3A : memref<!tpu.dma_semaphore, #tpu.memory_space<semaphore_mem>>)
      %dma_wait3A_130 = arith.constant 0 : i32
      %dma_wait3A_131 = tpu.memref_slice %arg8[%dma_wait3A_130] : memref<272xi32, #tpu.memory_space<vmem>> -> memref<256xi32, #tpu.memory_space<vmem>>
      %dma_wait3A_132 = tpu.memref_slice %arg4[%add3A_4] : memref<16384xi32, #tpu.memory_space<hbm>> -> memref<256xi32, #tpu.memory_space<hbm>>
      %dma_wait3A_133 = arith.constant 0 : i32
      %dma_wait3A_134 = tpu.memref_slice %arg8[%dma_wait3A_133] : memref<272xi32, #tpu.memory_space<vmem>> -> memref<256xi32, #tpu.memory_space<vmem>>
      %dma_wait3A_135 = tpu.memref_slice %arg4[%add3A_4] : memref<16384xi32, #tpu.memory_space<hbm>> -> memref<256xi32, #tpu.memory_space<hbm>>
      tpu.wait_dma2 semaphore(%run_scoped3A : memref<!tpu.dma_semaphore, #tpu.memory_space<semaphore_mem>>) src(%dma_wait3A_135 : memref<256xi32, #tpu.memory_space<hbm>>) dst(%dma_wait3A_134 : memref<256xi32, #tpu.memory_space<vmem>>)
      tpu.yield
    }) : () -> ()
    %scan3A = arith.constant 0 : i32
    %scan3A_5 = arith.constant 16 : i32
    %scan3A_6 = arith.addi %scan3A, %scan3A_5 : i32
    %scan3A_7 = arith.constant 1 : i32
    scf.for %scan3A_125 = %scan3A to %scan3A_6 step %scan3A_7  : i32 {
      %mul3A_126 = arith.constant 16 : i32
      %mul3A_127 = arith.muli %scan3A_125, %mul3A_126 : i32
      %add3A_128 = arith.constant 0 : i32
      %add3A_129 = arith.addi %add3A_128, %mul3A_127 : i32
      %get3A = arith.index_cast %add3A_129 : i32 to index
      %get3A_130 = tpu.vector_load %arg8[%get3A] {strides = array<i32>} : memref<272xi32, #tpu.memory_space<vmem>>, vector<16xi32>,
      %get3A_131 = vector.shape_cast %get3A_130 : vector<16xi32> to vector<16xi32>
      %slice3A = vector.extract_strided_slice %get3A_131 {offsets = [0], sizes = [1], strides = [1]} : vector<16xi32> to vector<1xi32>
      %squeeze3A = vector.extract %slice3A[0] : i32 from vector<1xi32>
      %add3A_132 = arith.constant 0 : i32
      %add3A_133 = arith.addi %add3A_129, %add3A_132 : i32
      %dma_start3A = arith.constant 0 : i32
      %dma_start3A_134 = tpu.memref_slice %arg9[%add3A_133, %dma_start3A] : memref<272x32xf32, #tpu.memory_space<vmem>> -> memref<1x32xf32, #tpu.memory_space<vmem>>
      %dma_start3A_135 = arith.constant 0 : i32
      %dma_start3A_136 = tpu.memref_slice %arg2[%squeeze3A, %dma_start3A_135] : memref<1000000x32xf32, #tpu.memory_space<hbm>> -> memref<1x32xf32, #tpu.memory_space<hbm>>
      %dma_start3A_137 = arith.constant 0 : i32
      %dma_start3A_138 = tpu.memref_slice %arg9[%add3A_133, %dma_start3A_137] : memref<272x32xf32, #tpu.memory_space<vmem>> -> memref<1x32xf32, #tpu.memory_space<vmem>>
      %dma_start3A_139 = arith.constant 0 : i32
      %dma_start3A_140 = tpu.memref_slice %arg2[%squeeze3A, %dma_start3A_139] : memref<1000000x32xf32, #tpu.memory_space<hbm>> -> memref<1x32xf32, #tpu.memory_space<hbm>>
      tpu.enqueue_dma source(%dma_start3A_140 : memref<1x32xf32, #tpu.memory_space<hbm>>) target(%dma_start3A_138 : memref<1x32xf32, #tpu.memory_space<vmem>>) target_semaphore(%arg10 : memref<!tpu.dma_semaphore, #tpu.memory_space<semaphore_mem>>)
      %slice3A_141 = vector.extract_strided_slice %get3A_131 {offsets = [1], sizes = [1], strides = [1]} : vector<16xi32> to vector<1xi32>
      %squeeze3A_142 = vector.extract %slice3A_141[0] : i32 from vector<1xi32>
      %add3A_143 = arith.constant 1 : i32
      %add3A_144 = arith.addi %add3A_129, %add3A_143 : i32
      %dma_start3A_145 = arith.constant 0 : i32
      %dma_start3A_146 = tpu.memref_slice %arg9[%add3A_144, %dma_start3A_145] : memref<272x32xf32, #tpu.memory_space<vmem>> -> memref<1x32xf32, #tpu.memory_space<vmem>>
      %dma_start3A_147 = arith.constant 0 : i32
      %dma_start3A_148 = tpu.memref_slice %arg2[%squeeze3A_142, %dma_start3A_147] : memref<1000000x32xf32, #tpu.memory_space<hbm>> -> memref<1x32xf32, #tpu.memory_space<hbm>>
      %dma_start3A_149 = arith.constant 0 : i32
      %dma_start3A_150 = tpu.memref_slice %arg9[%add3A_144, %dma_start3A_149] : memref<272x32xf32, #tpu.memory_space<vmem>> -> memref<1x32xf32, #tpu.memory_space<vmem>>
      %dma_start3A_151 = arith.constant 0 : i32
      %dma_start3A_152 = tpu.memref_slice %arg2[%squeeze3A_142, %dma_start3A_151] : memref<1000000x32xf32, #tpu.memory_space<hbm>> -> memref<1x32xf32, #tpu.memory_space<hbm>>
      tpu.enqueue_dma source(%dma_start3A_152 : memref<1x32xf32, #tpu.memory_space<hbm>>) target(%dma_start3A_150 : memref<1x32xf32, #tpu.memory_space<vmem>>) target_semaphore(%arg10 : memref<!tpu.dma_semaphore, #tpu.memory_space<semaphore_mem>>)
      %slice3A_153 = vector.extract_strided_slice %get3A_131 {offsets = [2], sizes = [1], strides = [1]} : vector<16xi32> to vector<1xi32>
      %squeeze3A_154 = vector.extract %slice3A_153[0] : i32 from vector<1xi32>
      %add3A_155 = arith.constant 2 : i32
      %add3A_156 = arith.addi %add3A_129, %add3A_155 : i32
      %dma_start3A_157 = arith.constant 0 : i32
      %dma_start3A_158 = tpu.memref_slice %arg9[%add3A_156, %dma_start3A_157] : memref<272x32xf32, #tpu.memory_space<vmem>> -> memref<1x32xf32, #tpu.memory_space<vmem>>
      %dma_start3A_159 = arith.constant 0 : i32
      %dma_start3A_160 = tpu.memref_slice %arg2[%squeeze3A_154, %dma_start3A_159] : memref<1000000x32xf32, #tpu.memory_space<hbm>> -> memref<1x32xf32, #tpu.memory_space<hbm>>
      %dma_start3A_161 = arith.constant 0 : i32
      %dma_start3A_162 = tpu.memref_slice %arg9[%add3A_156, %dma_start3A_161] : memref<272x32xf32, #tpu.memory_space<vmem>> -> memref<1x32xf32, #tpu.memory_space<vmem>>
      %dma_start3A_163 = arith.constant 0 : i32
      %dma_start3A_164 = tpu.memref_slice %arg2[%squeeze3A_154, %dma_start3A_163] : memref<1000000x32xf32, #tpu.memory_space<hbm>> -> memref<1x32xf32, #tpu.memory_space<hbm>>
      tpu.enqueue_dma source(%dma_start3A_164 : memref<1x32xf32, #tpu.memory_space<hbm>>) target(%dma_start3A_162 : memref<1x32xf32, #tpu.memory_space<vmem>>) target_semaphore(%arg10 : memref<!tpu.dma_semaphore, #tpu.memory_space<semaphore_mem>>)
      %slice3A_165 = vector.extract_strided_slice %get3A_131 {offsets = [3], sizes = [1], strides = [1]} : vector<16xi32> to vector<1xi32>
      %squeeze3A_166 = vector.extract %slice3A_165[0] : i32 from vector<1xi32>
      %add3A_167 = arith.constant 3 : i32
      %add3A_168 = arith.addi %add3A_129, %add3A_167 : i32
      %dma_start3A_169 = arith.constant 0 : i32
      %dma_start3A_170 = tpu.memref_slice %arg9[%add3A_168, %dma_start3A_169] : memref<272x32xf32, #tpu.memory_space<vmem>> -> memref<1x32xf32, #tpu.memory_space<vmem>>
      %dma_start3A_171 = arith.constant 0 : i32
      %dma_start3A_172 = tpu.memref_slice %arg2[%squeeze3A_166, %dma_start3A_171] : memref<1000000x32xf32, #tpu.memory_space<hbm>> -> memref<1x32xf32, #tpu.memory_space<hbm>>
      %dma_start3A_173 = arith.constant 0 : i32
      %dma_start3A_174 = tpu.memref_slice %arg9[%add3A_168, %dma_start3A_173] : memref<272x32xf32, #tpu.memory_space<vmem>> -> memref<1x32xf32, #tpu.memory_space<vmem>>
      %dma_start3A_175 = arith.constant 0 : i32
      %dma_start3A_176 = tpu.memref_slice %arg2[%squeeze3A_166, %dma_start3A_175] : memref<1000000x32xf32, #tpu.memory_space<hbm>> -> memref<1x32xf32, #tpu.memory_space<hbm>>
      tpu.enqueue_dma source(%dma_start3A_176 : memref<1x32xf32, #tpu.memory_space<hbm>>) target(%dma_start3A_174 : memref<1x32xf32, #tpu.memory_space<vmem>>) target_semaphore(%arg10 : memref<!tpu.dma_semaphore, #tpu.memory_space<semaphore_mem>>)
      %slice3A_177 = vector.extract_strided_slice %get3A_131 {offsets = [4], sizes = [1], strides = [1]} : vector<16xi32> to vector<1xi32>
      %squeeze3A_178 = vector.extract %slice3A_177[0] : i32 from vector<1xi32>
      %add3A_179 = arith.constant 4 : i32
      %add3A_180 = arith.addi %add3A_129, %add3A_179 : i32
      %dma_start3A_181 = arith.constant 0 : i32
      %dma_start3A_182 = tpu.memref_slice %arg9[%add3A_180, %dma_start3A_181] : memref<272x32xf32, #tpu.memory_space<vmem>> -> memref<1x32xf32, #tpu.memory_space<vmem>>
      %dma_start3A_183 = arith.constant 0 : i32
      %dma_start3A_184 = tpu.memref_slice %arg2[%squeeze3A_178, %dma_start3A_183] : memref<1000000x32xf32, #tpu.memory_space<hbm>> -> memref<1x32xf32, #tpu.memory_space<hbm>>
      %dma_start3A_185 = arith.constant 0 : i32
      %dma_start3A_186 = tpu.memref_slice %arg9[%add3A_180, %dma_start3A_185] : memref<272x32xf32, #tpu.memory_space<vmem>> -> memref<1x32xf32, #tpu.memory_space<vmem>>
      %dma_start3A_187 = arith.constant 0 : i32
      %dma_start3A_188 = tpu.memref_slice %arg2[%squeeze3A_178, %dma_start3A_187] : memref<1000000x32xf32, #tpu.memory_space<hbm>> -> memref<1x32xf32, #tpu.memory_space<hbm>>
      tpu.enqueue_dma source(%dma_start3A_188 : memref<1x32xf32, #tpu.memory_space<hbm>>) target(%dma_start3A_186 : memref<1x32xf32, #tpu.memory_space<vmem>>) target_semaphore(%arg10 : memref<!tpu.dma_semaphore, #tpu.memory_space<semaphore_mem>>)
      %slice3A_189 = vector.extract_strided_slice %get3A_131 {offsets = [5], sizes = [1], strides = [1]} : vector<16xi32> to vector<1xi32>
      %squeeze3A_190 = vector.extract %slice3A_189[0] : i32 from vector<1xi32>
      %add3A_191 = arith.constant 5 : i32
      %add3A_192 = arith.addi %add3A_129, %add3A_191 : i32
      %dma_start3A_193 = arith.constant 0 : i32
      %dma_start3A_194 = tpu.memref_slice %arg9[%add3A_192, %dma_start3A_193] : memref<272x32xf32, #tpu.memory_space<vmem>> -> memref<1x32xf32, #tpu.memory_space<vmem>>
      %dma_start3A_195 = arith.constant 0 : i32
      %dma_start3A_196 = tpu.memref_slice %arg2[%squeeze3A_190, %dma_start3A_195] : memref<1000000x32xf32, #tpu.memory_space<hbm>> -> memref<1x32xf32, #tpu.memory_space<hbm>>
      %dma_start3A_197 = arith.constant 0 : i32
      %dma_start3A_198 = tpu.memref_slice %arg9[%add3A_192, %dma_start3A_197] : memref<272x32xf32, #tpu.memory_space<vmem>> -> memref<1x32xf32, #tpu.memory_space<vmem>>
      %dma_start3A_199 = arith.constant 0 : i32
      %dma_start3A_200 = tpu.memref_slice %arg2[%squeeze3A_190, %dma_start3A_199] : memref<1000000x32xf32, #tpu.memory_space<hbm>> -> memref<1x32xf32, #tpu.memory_space<hbm>>
      tpu.enqueue_dma source(%dma_start3A_200 : memref<1x32xf32, #tpu.memory_space<hbm>>) target(%dma_start3A_198 : memref<1x32xf32, #tpu.memory_space<vmem>>) target_semaphore(%arg10 : memref<!tpu.dma_semaphore, #tpu.memory_space<semaphore_mem>>)
      %slice3A_201 = vector.extract_strided_slice %get3A_131 {offsets = [6], sizes = [1], strides = [1]} : vector<16xi32> to vector<1xi32>
      %squeeze3A_202 = vector.extract %slice3A_201[0] : i32 from vector<1xi32>
      %add3A_203 = arith.constant 6 : i32
      %add3A_204 = arith.addi %add3A_129, %add3A_203 : i32
      %dma_start3A_205 = arith.constant 0 : i32
      %dma_start3A_206 = tpu.memref_slice %arg9[%add3A_204, %dma_start3A_205] : memref<272x32xf32, #tpu.memory_space<vmem>> -> memref<1x32xf32, #tpu.memory_space<vmem>>
      %dma_start3A_207 = arith.constant 0 : i32
      %dma_start3A_208 = tpu.memref_slice %arg2[%squeeze3A_202, %dma_start3A_207] : memref<1000000x32xf32, #tpu.memory_space<hbm>> -> memref<1x32xf32, #tpu.memory_space<hbm>>
      %dma_start3A_209 = arith.constant 0 : i32
      %dma_start3A_210 = tpu.memref_slice %arg9[%add3A_204, %dma_start3A_209] : memref<272x32xf32, #tpu.memory_space<vmem>> -> memref<1x32xf32, #tpu.memory_space<vmem>>
      %dma_start3A_211 = arith.constant 0 : i32
      %dma_start3A_212 = tpu.memref_slice %arg2[%squeeze3A_202, %dma_start3A_211] : memref<1000000x32xf32, #tpu.memory_space<hbm>> -> memref<1x32xf32, #tpu.memory_space<hbm>>
      tpu.enqueue_dma source(%dma_start3A_212 : memref<1x32xf32, #tpu.memory_space<hbm>>) target(%dma_start3A_210 : memref<1x32xf32, #tpu.memory_space<vmem>>) target_semaphore(%arg10 : memref<!tpu.dma_semaphore, #tpu.memory_space<semaphore_mem>>)
      %slice3A_213 = vector.extract_strided_slice %get3A_131 {offsets = [7], sizes = [1], strides = [1]} : vector<16xi32> to vector<1xi32>
      %squeeze3A_214 = vector.extract %slice3A_213[0] : i32 from vector<1xi32>
      %add3A_215 = arith.constant 7 : i32
      %add3A_216 = arith.addi %add3A_129, %add3A_215 : i32
      %dma_start3A_217 = arith.constant 0 : i32
      %dma_start3A_218 = tpu.memref_slice %arg9[%add3A_216, %dma_start3A_217] : memref<272x32xf32, #tpu.memory_space<vmem>> -> memref<1x32xf32, #tpu.memory_space<vmem>>
      %dma_start3A_219 = arith.constant 0 : i32
      %dma_start3A_220 = tpu.memref_slice %arg2[%squeeze3A_214, %dma_start3A_219] : memref<1000000x32xf32, #tpu.memory_space<hbm>> -> memref<1x32xf32, #tpu.memory_space<hbm>>
      %dma_start3A_221 = arith.constant 0 : i32
      %dma_start3A_222 = tpu.memref_slice %arg9[%add3A_216, %dma_start3A_221] : memref<272x32xf32, #tpu.memory_space<vmem>> -> memref<1x32xf32, #tpu.memory_space<vmem>>
      %dma_start3A_223 = arith.constant 0 : i32
      %dma_start3A_224 = tpu.memref_slice %arg2[%squeeze3A_214, %dma_start3A_223] : memref<1000000x32xf32, #tpu.memory_space<hbm>> -> memref<1x32xf32, #tpu.memory_space<hbm>>
      tpu.enqueue_dma source(%dma_start3A_224 : memref<1x32xf32, #tpu.memory_space<hbm>>) target(%dma_start3A_222 : memref<1x32xf32, #tpu.memory_space<vmem>>) target_semaphore(%arg10 : memref<!tpu.dma_semaphore, #tpu.memory_space<semaphore_mem>>)
      %slice3A_225 = vector.extract_strided_slice %get3A_131 {offsets = [8], sizes = [1], strides = [1]} : vector<16xi32> to vector<1xi32>
      %squeeze3A_226 = vector.extract %slice3A_225[0] : i32 from vector<1xi32>
      %add3A_227 = arith.constant 8 : i32
      %add3A_228 = arith.addi %add3A_129, %add3A_227 : i32
      %dma_start3A_229 = arith.constant 0 : i32
      %dma_start3A_230 = tpu.memref_slice %arg9[%add3A_228, %dma_start3A_229] : memref<272x32xf32, #tpu.memory_space<vmem>> -> memref<1x32xf32, #tpu.memory_space<vmem>>
      %dma_start3A_231 = arith.constant 0 : i32
      %dma_start3A_232 = tpu.memref_slice %arg2[%squeeze3A_226, %dma_start3A_231] : memref<1000000x32xf32, #tpu.memory_space<hbm>> -> memref<1x32xf32, #tpu.memory_space<hbm>>
      %dma_start3A_233 = arith.constant 0 : i32
      %dma_start3A_234 = tpu.memref_slice %arg9[%add3A_228, %dma_start3A_233] : memref<272x32xf32, #tpu.memory_space<vmem>> -> memref<1x32xf32, #tpu.memory_space<vmem>>
      %dma_start3A_235 = arith.constant 0 : i32
      %dma_start3A_236 = tpu.memref_slice %arg2[%squeeze3A_226, %dma_start3A_235] : memref<1000000x32xf32, #tpu.memory_space<hbm>> -> memref<1x32xf32, #tpu.memory_space<hbm>>
      tpu.enqueue_dma source(%dma_start3A_236 : memref<1x32xf32, #tpu.memory_space<hbm>>) target(%dma_start3A_234 : memref<1x32xf32, #tpu.memory_space<vmem>>) target_semaphore(%arg10 : memref<!tpu.dma_semaphore, #tpu.memory_space<semaphore_mem>>)
      %slice3A_237 = vector.extract_strided_slice %get3A_131 {offsets = [9], sizes = [1], strides = [1]} : vector<16xi32> to vector<1xi32>
      %squeeze3A_238 = vector.extract %slice3A_237[0] : i32 from vector<1xi32>
      %add3A_239 = arith.constant 9 : i32
      %add3A_240 = arith.addi %add3A_129, %add3A_239 : i32
      %dma_start3A_241 = arith.constant 0 : i32
      %dma_start3A_242 = tpu.memref_slice %arg9[%add3A_240, %dma_start3A_241] : memref<272x32xf32, #tpu.memory_space<vmem>> -> memref<1x32xf32, #tpu.memory_space<vmem>>
      %dma_start3A_243 = arith.constant 0 : i32
      %dma_start3A_244 = tpu.memref_slice %arg2[%squeeze3A_238, %dma_start3A_243] : memref<1000000x32xf32, #tpu.memory_space<hbm>> -> memref<1x32xf32, #tpu.memory_space<hbm>>
      %dma_start3A_245 = arith.constant 0 : i32
      %dma_start3A_246 = tpu.memref_slice %arg9[%add3A_240, %dma_start3A_245] : memref<272x32xf32, #tpu.memory_space<vmem>> -> memref<1x32xf32, #tpu.memory_space<vmem>>
      %dma_start3A_247 = arith.constant 0 : i32
      %dma_start3A_248 = tpu.memref_slice %arg2[%squeeze3A_238, %dma_start3A_247] : memref<1000000x32xf32, #tpu.memory_space<hbm>> -> memref<1x32xf32, #tpu.memory_space<hbm>>
      tpu.enqueue_dma source(%dma_start3A_248 : memref<1x32xf32, #tpu.memory_space<hbm>>) target(%dma_start3A_246 : memref<1x32xf32, #tpu.memory_space<vmem>>) target_semaphore(%arg10 : memref<!tpu.dma_semaphore, #tpu.memory_space<semaphore_mem>>)
      %slice3A_249 = vector.extract_strided_slice %get3A_131 {offsets = [10], sizes = [1], strides = [1]} : vector<16xi32> to vector<1xi32>
      %squeeze3A_250 = vector.extract %slice3A_249[0] : i32 from vector<1xi32>
      %add3A_251 = arith.constant 10 : i32
      %add3A_252 = arith.addi %add3A_129, %add3A_251 : i32
      %dma_start3A_253 = arith.constant 0 : i32
      %dma_start3A_254 = tpu.memref_slice %arg9[%add3A_252, %dma_start3A_253] : memref<272x32xf32, #tpu.memory_space<vmem>> -> memref<1x32xf32, #tpu.memory_space<vmem>>
      %dma_start3A_255 = arith.constant 0 : i32
      %dma_start3A_256 = tpu.memref_slice %arg2[%squeeze3A_250, %dma_start3A_255] : memref<1000000x32xf32, #tpu.memory_space<hbm>> -> memref<1x32xf32, #tpu.memory_space<hbm>>
      %dma_start3A_257 = arith.constant 0 : i32
      %dma_start3A_258 = tpu.memref_slice %arg9[%add3A_252, %dma_start3A_257] : memref<272x32xf32, #tpu.memory_space<vmem>> -> memref<1x32xf32, #tpu.memory_space<vmem>>
      %dma_start3A_259 = arith.constant 0 : i32
      %dma_start3A_260 = tpu.memref_slice %arg2[%squeeze3A_250, %dma_start3A_259] : memref<1000000x32xf32, #tpu.memory_space<hbm>> -> memref<1x32xf32, #tpu.memory_space<hbm>>
      tpu.enqueue_dma source(%dma_start3A_260 : memref<1x32xf32, #tpu.memory_space<hbm>>) target(%dma_start3A_258 : memref<1x32xf32, #tpu.memory_space<vmem>>) target_semaphore(%arg10 : memref<!tpu.dma_semaphore, #tpu.memory_space<semaphore_mem>>)
      %slice3A_261 = vector.extract_strided_slice %get3A_131 {offsets = [11], sizes = [1], strides = [1]} : vector<16xi32> to vector<1xi32>
      %squeeze3A_262 = vector.extract %slice3A_261[0] : i32 from vector<1xi32>
      %add3A_263 = arith.constant 11 : i32
      %add3A_264 = arith.addi %add3A_129, %add3A_263 : i32
      %dma_start3A_265 = arith.constant 0 : i32
      %dma_start3A_266 = tpu.memref_slice %arg9[%add3A_264, %dma_start3A_265] : memref<272x32xf32, #tpu.memory_space<vmem>> -> memref<1x32xf32, #tpu.memory_space<vmem>>
      %dma_start3A_267 = arith.constant 0 : i32
      %dma_start3A_268 = tpu.memref_slice %arg2[%squeeze3A_262, %dma_start3A_267] : memref<1000000x32xf32, #tpu.memory_space<hbm>> -> memref<1x32xf32, #tpu.memory_space<hbm>>
      %dma_start3A_269 = arith.constant 0 : i32
      %dma_start3A_270 = tpu.memref_slice %arg9[%add3A_264, %dma_start3A_269] : memref<272x32xf32, #tpu.memory_space<vmem>> -> memref<1x32xf32, #tpu.memory_space<vmem>>
      %dma_start3A_271 = arith.constant 0 : i32
      %dma_start3A_272 = tpu.memref_slice %arg2[%squeeze3A_262, %dma_start3A_271] : memref<1000000x32xf32, #tpu.memory_space<hbm>> -> memref<1x32xf32, #tpu.memory_space<hbm>>
      tpu.enqueue_dma source(%dma_start3A_272 : memref<1x32xf32, #tpu.memory_space<hbm>>) target(%dma_start3A_270 : memref<1x32xf32, #tpu.memory_space<vmem>>) target_semaphore(%arg10 : memref<!tpu.dma_semaphore, #tpu.memory_space<semaphore_mem>>)
      %slice3A_273 = vector.extract_strided_slice %get3A_131 {offsets = [12], sizes = [1], strides = [1]} : vector<16xi32> to vector<1xi32>
      %squeeze3A_274 = vector.extract %slice3A_273[0] : i32 from vector<1xi32>
      %add3A_275 = arith.constant 12 : i32
      %add3A_276 = arith.addi %add3A_129, %add3A_275 : i32
      %dma_start3A_277 = arith.constant 0 : i32
      %dma_start3A_278 = tpu.memref_slice %arg9[%add3A_276, %dma_start3A_277] : memref<272x32xf32, #tpu.memory_space<vmem>> -> memref<1x32xf32, #tpu.memory_space<vmem>>
      %dma_start3A_279 = arith.constant 0 : i32
      %dma_start3A_280 = tpu.memref_slice %arg2[%squeeze3A_274, %dma_start3A_279] : memref<1000000x32xf32, #tpu.memory_space<hbm>> -> memref<1x32xf32, #tpu.memory_space<hbm>>
      %dma_start3A_281 = arith.constant 0 : i32
      %dma_start3A_282 = tpu.memref_slice %arg9[%add3A_276, %dma_start3A_281] : memref<272x32xf32, #tpu.memory_space<vmem>> -> memref<1x32xf32, #tpu.memory_space<vmem>>
      %dma_start3A_283 = arith.constant 0 : i32
      %dma_start3A_284 = tpu.memref_slice %arg2[%squeeze3A_274, %dma_start3A_283] : memref<1000000x32xf32, #tpu.memory_space<hbm>> -> memref<1x32xf32, #tpu.memory_space<hbm>>
      tpu.enqueue_dma source(%dma_start3A_284 : memref<1x32xf32, #tpu.memory_space<hbm>>) target(%dma_start3A_282 : memref<1x32xf32, #tpu.memory_space<vmem>>) target_semaphore(%arg10 : memref<!tpu.dma_semaphore, #tpu.memory_space<semaphore_mem>>)
      %slice3A_285 = vector.extract_strided_slice %get3A_131 {offsets = [13], sizes = [1], strides = [1]} : vector<16xi32> to vector<1xi32>
      %squeeze3A_286 = vector.extract %slice3A_285[0] : i32 from vector<1xi32>
      %add3A_287 = arith.constant 13 : i32
      %add3A_288 = arith.addi %add3A_129, %add3A_287 : i32
      %dma_start3A_289 = arith.constant 0 : i32
      %dma_start3A_290 = tpu.memref_slice %arg9[%add3A_288, %dma_start3A_289] : memref<272x32xf32, #tpu.memory_space<vmem>> -> memref<1x32xf32, #tpu.memory_space<vmem>>
      %dma_start3A_291 = arith.constant 0 : i32
      %dma_start3A_292 = tpu.memref_slice %arg2[%squeeze3A_286, %dma_start3A_291] : memref<1000000x32xf32, #tpu.memory_space<hbm>> -> memref<1x32xf32, #tpu.memory_space<hbm>>
      %dma_start3A_293 = arith.constant 0 : i32
      %dma_start3A_294 = tpu.memref_slice %arg9[%add3A_288, %dma_start3A_293] : memref<272x32xf32, #tpu.memory_space<vmem>> -> memref<1x32xf32, #tpu.memory_space<vmem>>
      %dma_start3A_295 = arith.constant 0 : i32
      %dma_start3A_296 = tpu.memref_slice %arg2[%squeeze3A_286, %dma_start3A_295] : memref<1000000x32xf32, #tpu.memory_space<hbm>> -> memref<1x32xf32, #tpu.memory_space<hbm>>
      tpu.enqueue_dma source(%dma_start3A_296 : memref<1x32xf32, #tpu.memory_space<hbm>>) target(%dma_start3A_294 : memref<1x32xf32, #tpu.memory_space<vmem>>) target_semaphore(%arg10 : memref<!tpu.dma_semaphore, #tpu.memory_space<semaphore_mem>>)
      %slice3A_297 = vector.extract_strided_slice %get3A_131 {offsets = [14], sizes = [1], strides = [1]} : vector<16xi32> to vector<1xi32>
      %squeeze3A_298 = vector.extract %slice3A_297[0] : i32 from vector<1xi32>
      %add3A_299 = arith.constant 14 : i32
      %add3A_300 = arith.addi %add3A_129, %add3A_299 : i32
      %dma_start3A_301 = arith.constant 0 : i32
      %dma_start3A_302 = tpu.memref_slice %arg9[%add3A_300, %dma_start3A_301] : memref<272x32xf32, #tpu.memory_space<vmem>> -> memref<1x32xf32, #tpu.memory_space<vmem>>
      %dma_start3A_303 = arith.constant 0 : i32
      %dma_start3A_304 = tpu.memref_slice %arg2[%squeeze3A_298, %dma_start3A_303] : memref<1000000x32xf32, #tpu.memory_space<hbm>> -> memref<1x32xf32, #tpu.memory_space<hbm>>
      %dma_start3A_305 = arith.constant 0 : i32
      %dma_start3A_306 = tpu.memref_slice %arg9[%add3A_300, %dma_start3A_305] : memref<272x32xf32, #tpu.memory_space<vmem>> -> memref<1x32xf32, #tpu.memory_space<vmem>>
      %dma_start3A_307 = arith.constant 0 : i32
      %dma_start3A_308 = tpu.memref_slice %arg2[%squeeze3A_298, %dma_start3A_307] : memref<1000000x32xf32, #tpu.memory_space<hbm>> -> memref<1x32xf32, #tpu.memory_space<hbm>>
      tpu.enqueue_dma source(%dma_start3A_308 : memref<1x32xf32, #tpu.memory_space<hbm>>) target(%dma_start3A_306 : memref<1x32xf32, #tpu.memory_space<vmem>>) target_semaphore(%arg10 : memref<!tpu.dma_semaphore, #tpu.memory_space<semaphore_mem>>)
      %slice3A_309 = vector.extract_strided_slice %get3A_131 {offsets = [15], sizes = [1], strides = [1]} : vector<16xi32> to vector<1xi32>
      %squeeze3A_310 = vector.extract %slice3A_309[0] : i32 from vector<1xi32>
      %add3A_311 = arith.constant 15 : i32
      %add3A_312 = arith.addi %add3A_129, %add3A_311 : i32
      %dma_start3A_313 = arith.constant 0 : i32
      %dma_start3A_314 = tpu.memref_slice %arg9[%add3A_312, %dma_start3A_313] : memref<272x32xf32, #tpu.memory_space<vmem>> -> memref<1x32xf32, #tpu.memory_space<vmem>>
      %dma_start3A_315 = arith.constant 0 : i32
      %dma_start3A_316 = tpu.memref_slice %arg2[%squeeze3A_310, %dma_start3A_315] : memref<1000000x32xf32, #tpu.memory_space<hbm>> -> memref<1x32xf32, #tpu.memory_space<hbm>>
      %dma_start3A_317 = arith.constant 0 : i32
      %dma_start3A_318 = tpu.memref_slice %arg9[%add3A_312, %dma_start3A_317] : memref<272x32xf32, #tpu.memory_space<vmem>> -> memref<1x32xf32, #tpu.memory_space<vmem>>
      %dma_start3A_319 = arith.constant 0 : i32
      %dma_start3A_320 = tpu.memref_slice %arg2[%squeeze3A_310, %dma_start3A_319] : memref<1000000x32xf32, #tpu.memory_space<hbm>> -> memref<1x32xf32, #tpu.memory_space<hbm>>
      tpu.enqueue_dma source(%dma_start3A_320 : memref<1x32xf32, #tpu.memory_space<hbm>>) target(%dma_start3A_318 : memref<1x32xf32, #tpu.memory_space<vmem>>) target_semaphore(%arg10 : memref<!tpu.dma_semaphore, #tpu.memory_space<semaphore_mem>>)
    }
    %scan3A_8 = arith.constant 16 : i32
    %dma_wait3A = arith.constant 0 : i32
    %dma_wait3A_9 = arith.constant 0 : i32
    %dma_wait3A_10 = tpu.memref_slice %arg9[%dma_wait3A, %dma_wait3A_9] : memref<272x32xf32, #tpu.memory_space<vmem>> -> memref<256x32xf32, #tpu.memory_space<vmem>>
    %dma_wait3A_11 = arith.constant 0 : i32
    %dma_wait3A_12 = arith.constant 0 : i32
    %dma_wait3A_13 = tpu.memref_slice %arg2[%dma_wait3A_11, %dma_wait3A_12] : memref<1000000x32xf32, #tpu.memory_space<hbm>> -> memref<256x32xf32, #tpu.memory_space<hbm>>
    %dma_wait3A_14 = arith.constant 0 : i32
    %dma_wait3A_15 = arith.constant 0 : i32
    %dma_wait3A_16 = tpu.memref_slice %arg9[%dma_wait3A_14, %dma_wait3A_15] : memref<272x32xf32, #tpu.memory_space<vmem>> -> memref<256x32xf32, #tpu.memory_space<vmem>>
    %dma_wait3A_17 = arith.constant 0 : i32
    %dma_wait3A_18 = arith.constant 0 : i32
    %dma_wait3A_19 = tpu.memref_slice %arg2[%dma_wait3A_17, %dma_wait3A_18] : memref<1000000x32xf32, #tpu.memory_space<hbm>> -> memref<256x32xf32, #tpu.memory_space<hbm>>
    tpu.wait_dma2 semaphore(%arg10 : memref<!tpu.dma_semaphore, #tpu.memory_space<semaphore_mem>>) src(%dma_wait3A_19 : memref<256x32xf32, #tpu.memory_space<hbm>>) dst(%dma_wait3A_16 : memref<256x32xf32, #tpu.memory_space<vmem>>)
    "tpu.region"() ({
      %run_scoped3A = tpu.sem_alloc : memref<!tpu.dma_semaphore, #tpu.memory_space<semaphore_mem>>
      %dma_start3A = arith.constant 0 : i32
      %dma_start3A_125 = arith.constant 0 : i32
      %dma_start3A_126 = tpu.memref_slice %arg9[%dma_start3A, %dma_start3A_125] : memref<272x32xf32, #tpu.memory_space<vmem>> -> memref<256x32xf32, #tpu.memory_space<vmem>>
      %dma_start3A_127 = arith.constant 0 : i32
      %dma_start3A_128 = tpu.memref_slice %arg6[%add3A_4, %dma_start3A_127] : memref<16384x32xf32, #tpu.memory_space<hbm>> -> memref<256x32xf32, #tpu.memory_space<hbm>>
      %dma_start3A_129 = arith.constant 0 : i32
      %dma_start3A_130 = tpu.memref_slice %arg6[%add3A_4, %dma_start3A_129] : memref<16384x32xf32, #tpu.memory_space<hbm>> -> memref<256x32xf32, #tpu.memory_space<hbm>>
      %dma_start3A_131 = arith.constant 0 : i32
      %dma_start3A_132 = arith.constant 0 : i32
      %dma_start3A_133 = tpu.memref_slice %arg9[%dma_start3A_131, %dma_start3A_132] : memref<272x32xf32, #tpu.memory_space<vmem>> -> memref<256x32xf32, #tpu.memory_space<vmem>>
      tpu.enqueue_dma source(%dma_start3A_133 : memref<256x32xf32, #tpu.memory_space<vmem>>) target(%dma_start3A_130 : memref<256x32xf32, #tpu.memory_space<hbm>>) target_semaphore(%run_scoped3A : memref<!tpu.dma_semaphore, #tpu.memory_space<semaphore_mem>>)
      %dma_wait3A_134 = arith.constant 0 : i32
      %dma_wait3A_135 = arith.constant 0 : i32
      %dma_wait3A_136 = tpu.memref_slice %arg9[%dma_wait3A_134, %dma_wait3A_135] : memref<272x32xf32, #tpu.memory_space<vmem>> -> memref<256x32xf32, #tpu.memory_space<vmem>>
      %dma_wait3A_137 = arith.constant 0 : i32
      %dma_wait3A_138 = tpu.memref_slice %arg6[%add3A_4, %dma_wait3A_137] : memref<16384x32xf32, #tpu.memory_space<hbm>> -> memref<256x32xf32, #tpu.memory_space<hbm>>
      %dma_wait3A_139 = arith.constant 0 : i32
      %dma_wait3A_140 = tpu.memref_slice %arg6[%add3A_4, %dma_wait3A_139] : memref<16384x32xf32, #tpu.memory_space<hbm>> -> memref<256x32xf32, #tpu.memory_space<hbm>>
      %dma_wait3A_141 = arith.constant 0 : i32
      %dma_wait3A_142 = arith.constant 0 : i32
      %dma_wait3A_143 = tpu.memref_slice %arg9[%dma_wait3A_141, %dma_wait3A_142] : memref<272x32xf32, #tpu.memory_space<vmem>> -> memref<256x32xf32, #tpu.memory_space<vmem>>
      tpu.wait_dma2 semaphore(%run_scoped3A : memref<!tpu.dma_semaphore, #tpu.memory_space<semaphore_mem>>) src(%dma_wait3A_143 : memref<256x32xf32, #tpu.memory_space<vmem>>) dst(%dma_wait3A_140 : memref<256x32xf32, #tpu.memory_space<hbm>>)
      tpu.yield
    }) : () -> ()
    %mul3A_20 = arith.constant 512 : i32
    %mul3A_21 = arith.muli %add3A, %mul3A_20 : i32
    %add3A_22 = arith.constant 256 : i32
    %add3A_23 = arith.addi %mul3A_21, %add3A_22 : i32
    "tpu.region"() ({
      %run_scoped3A = tpu.sem_alloc : memref<!tpu.dma_semaphore, #tpu.memory_space<semaphore_mem>>
      %dma_start3A = arith.constant 0 : i32
      %dma_start3A_125 = tpu.memref_slice %arg8[%dma_start3A] : memref<272xi32, #tpu.memory_space<vmem>> -> memref<256xi32, #tpu.memory_space<vmem>>
      %dma_start3A_126 = tpu.memref_slice %arg4[%add3A_23] : memref<16384xi32, #tpu.memory_space<hbm>> -> memref<256xi32, #tpu.memory_space<hbm>>
      %dma_start3A_127 = arith.constant 0 : i32
      %dma_start3A_128 = tpu.memref_slice %arg8[%dma_start3A_127] : memref<272xi32, #tpu.memory_space<vmem>> -> memref<256xi32, #tpu.memory_space<vmem>>
      %dma_start3A_129 = tpu.memref_slice %arg4[%add3A_23] : memref<16384xi32, #tpu.memory_space<hbm>> -> memref<256xi32, #tpu.memory_space<hbm>>
      tpu.enqueue_dma source(%dma_start3A_129 : memref<256xi32, #tpu.memory_space<hbm>>) target(%dma_start3A_128 : memref<256xi32, #tpu.memory_space<vmem>>) target_semaphore(%run_scoped3A : memref<!tpu.dma_semaphore, #tpu.memory_space<semaphore_mem>>)
      %dma_wait3A_130 = arith.constant 0 : i32
      %dma_wait3A_131 = tpu.memref_slice %arg8[%dma_wait3A_130] : memref<272xi32, #tpu.memory_space<vmem>> -> memref<256xi32, #tpu.memory_space<vmem>>
      %dma_wait3A_132 = tpu.memref_slice %arg4[%add3A_23] : memref<16384xi32, #tpu.memory_space<hbm>> -> memref<256xi32, #tpu.memory_space<hbm>>
      %dma_wait3A_133 = arith.constant 0 : i32
      %dma_wait3A_134 = tpu.memref_slice %arg8[%dma_wait3A_133] : memref<272xi32, #tpu.memory_space<vmem>> -> memref<256xi32, #tpu.memory_space<vmem>>
      %dma_wait3A_135 = tpu.memref_slice %arg4[%add3A_23] : memref<16384xi32, #tpu.memory_space<hbm>> -> memref<256xi32, #tpu.memory_space<hbm>>
      tpu.wait_dma2 semaphore(%run_scoped3A : memref<!tpu.dma_semaphore, #tpu.memory_space<semaphore_mem>>) src(%dma_wait3A_135 : memref<256xi32, #tpu.memory_space<hbm>>) dst(%dma_wait3A_134 : memref<256xi32, #tpu.memory_space<vmem>>)
      tpu.yield
    }) : () -> ()
    %scan3A_24 = arith.constant 0 : i32
    %scan3A_25 = arith.constant 16 : i32
    %scan3A_26 = arith.addi %scan3A_24, %scan3A_25 : i32
    %scan3A_27 = arith.constant 1 : i32
    scf.for %scan3A_125 = %scan3A_24 to %scan3A_26 step %scan3A_27  : i32 {
      %mul3A_126 = arith.constant 16 : i32
      %mul3A_127 = arith.muli %scan3A_125, %mul3A_126 : i32
      %add3A_128 = arith.constant 0 : i32
      %add3A_129 = arith.addi %add3A_128, %mul3A_127 : i32
      %get3A = arith.index_cast %add3A_129 : i32 to index
      %get3A_130 = tpu.vector_load %arg8[%get3A] {strides = array<i32>} : memref<272xi32, #tpu.memory_space<vmem>>, vector<16xi32>,
      %get3A_131 = vector.shape_cast %get3A_130 : vector<16xi32> to vector<16xi32>
      %slice3A = vector.extract_strided_slice %get3A_131 {offsets = [0], sizes = [1], strides = [1]} : vector<16xi32> to vector<1xi32>
      %squeeze3A = vector.extract %slice3A[0] : i32 from vector<1xi32>
      %add3A_132 = arith.constant 0 : i32
      %add3A_133 = arith.addi %add3A_129, %add3A_132 : i32
      %dma_start3A = arith.constant 0 : i32
      %dma_start3A_134 = tpu.memref_slice %arg9[%add3A_133, %dma_start3A] : memref<272x32xf32, #tpu.memory_space<vmem>> -> memref<1x32xf32, #tpu.memory_space<vmem>>
      %dma_start3A_135 = arith.constant 0 : i32
      %dma_start3A_136 = tpu.memref_slice %arg2[%squeeze3A, %dma_start3A_135] : memref<1000000x32xf32, #tpu.memory_space<hbm>> -> memref<1x32xf32, #tpu.memory_space<hbm>>
      %dma_start3A_137 = arith.constant 0 : i32
      %dma_start3A_138 = tpu.memref_slice %arg9[%add3A_133, %dma_start3A_137] : memref<272x32xf32, #tpu.memory_space<vmem>> -> memref<1x32xf32, #tpu.memory_space<vmem>>
      %dma_start3A_139 = arith.constant 0 : i32
      %dma_start3A_140 = tpu.memref_slice %arg2[%squeeze3A, %dma_start3A_139] : memref<1000000x32xf32, #tpu.memory_space<hbm>> -> memref<1x32xf32, #tpu.memory_space<hbm>>
      tpu.enqueue_dma source(%dma_start3A_140 : memref<1x32xf32, #tpu.memory_space<hbm>>) target(%dma_start3A_138 : memref<1x32xf32, #tpu.memory_space<vmem>>) target_semaphore(%arg10 : memref<!tpu.dma_semaphore, #tpu.memory_space<semaphore_mem>>)
      %slice3A_141 = vector.extract_strided_slice %get3A_131 {offsets = [1], sizes = [1], strides = [1]} : vector<16xi32> to vector<1xi32>
      %squeeze3A_142 = vector.extract %slice3A_141[0] : i32 from vector<1xi32>
      %add3A_143 = arith.constant 1 : i32
      %add3A_144 = arith.addi %add3A_129, %add3A_143 : i32
      %dma_start3A_145 = arith.constant 0 : i32
      %dma_start3A_146 = tpu.memref_slice %arg9[%add3A_144, %dma_start3A_145] : memref<272x32xf32, #tpu.memory_space<vmem>> -> memref<1x32xf32, #tpu.memory_space<vmem>>
      %dma_start3A_147 = arith.constant 0 : i32
      %dma_start3A_148 = tpu.memref_slice %arg2[%squeeze3A_142, %dma_start3A_147] : memref<1000000x32xf32, #tpu.memory_space<hbm>> -> memref<1x32xf32, #tpu.memory_space<hbm>>
      %dma_start3A_149 = arith.constant 0 : i32
      %dma_start3A_150 = tpu.memref_slice %arg9[%add3A_144, %dma_start3A_149] : memref<272x32xf32, #tpu.memory_space<vmem>> -> memref<1x32xf32, #tpu.memory_space<vmem>>
      %dma_start3A_151 = arith.constant 0 : i32
      %dma_start3A_152 = tpu.memref_slice %arg2[%squeeze3A_142, %dma_start3A_151] : memref<1000000x32xf32, #tpu.memory_space<hbm>> -> memref<1x32xf32, #tpu.memory_space<hbm>>
      tpu.enqueue_dma source(%dma_start3A_152 : memref<1x32xf32, #tpu.memory_space<hbm>>) target(%dma_start3A_150 : memref<1x32xf32, #tpu.memory_space<vmem>>) target_semaphore(%arg10 : memref<!tpu.dma_semaphore, #tpu.memory_space<semaphore_mem>>)
      %slice3A_153 = vector.extract_strided_slice %get3A_131 {offsets = [2], sizes = [1], strides = [1]} : vector<16xi32> to vector<1xi32>
      %squeeze3A_154 = vector.extract %slice3A_153[0] : i32 from vector<1xi32>
      %add3A_155 = arith.constant 2 : i32
      %add3A_156 = arith.addi %add3A_129, %add3A_155 : i32
      %dma_start3A_157 = arith.constant 0 : i32
      %dma_start3A_158 = tpu.memref_slice %arg9[%add3A_156, %dma_start3A_157] : memref<272x32xf32, #tpu.memory_space<vmem>> -> memref<1x32xf32, #tpu.memory_space<vmem>>
      %dma_start3A_159 = arith.constant 0 : i32
      %dma_start3A_160 = tpu.memref_slice %arg2[%squeeze3A_154, %dma_start3A_159] : memref<1000000x32xf32, #tpu.memory_space<hbm>> -> memref<1x32xf32, #tpu.memory_space<hbm>>
      %dma_start3A_161 = arith.constant 0 : i32
      %dma_start3A_162 = tpu.memref_slice %arg9[%add3A_156, %dma_start3A_161] : memref<272x32xf32, #tpu.memory_space<vmem>> -> memref<1x32xf32, #tpu.memory_space<vmem>>
      %dma_start3A_163 = arith.constant 0 : i32
      %dma_start3A_164 = tpu.memref_slice %arg2[%squeeze3A_154, %dma_start3A_163] : memref<1000000x32xf32, #tpu.memory_space<hbm>> -> memref<1x32xf32, #tpu.memory_space<hbm>>
      tpu.enqueue_dma source(%dma_start3A_164 : memref<1x32xf32, #tpu.memory_space<hbm>>) target(%dma_start3A_162 : memref<1x32xf32, #tpu.memory_space<vmem>>) target_semaphore(%arg10 : memref<!tpu.dma_semaphore, #tpu.memory_space<semaphore_mem>>)
      %slice3A_165 = vector.extract_strided_slice %get3A_131 {offsets = [3], sizes = [1], strides = [1]} : vector<16xi32> to vector<1xi32>
      %squeeze3A_166 = vector.extract %slice3A_165[0] : i32 from vector<1xi32>
      %add3A_167 = arith.constant 3 : i32
      %add3A_168 = arith.addi %add3A_129, %add3A_167 : i32
      %dma_start3A_169 = arith.constant 0 : i32
      %dma_start3A_170 = tpu.memref_slice %arg9[%add3A_168, %dma_start3A_169] : memref<272x32xf32, #tpu.memory_space<vmem>> -> memref<1x32xf32, #tpu.memory_space<vmem>>
      %dma_start3A_171 = arith.constant 0 : i32
      %dma_start3A_172 = tpu.memref_slice %arg2[%squeeze3A_166, %dma_start3A_171] : memref<1000000x32xf32, #tpu.memory_space<hbm>> -> memref<1x32xf32, #tpu.memory_space<hbm>>
      %dma_start3A_173 = arith.constant 0 : i32
      %dma_start3A_174 = tpu.memref_slice %arg9[%add3A_168, %dma_start3A_173] : memref<272x32xf32, #tpu.memory_space<vmem>> -> memref<1x32xf32, #tpu.memory_space<vmem>>
      %dma_start3A_175 = arith.constant 0 : i32
      %dma_start3A_176 = tpu.memref_slice %arg2[%squeeze3A_166, %dma_start3A_175] : memref<1000000x32xf32, #tpu.memory_space<hbm>> -> memref<1x32xf32, #tpu.memory_space<hbm>>
      tpu.enqueue_dma source(%dma_start3A_176 : memref<1x32xf32, #tpu.memory_space<hbm>>) target(%dma_start3A_174 : memref<1x32xf32, #tpu.memory_space<vmem>>) target_semaphore(%arg10 : memref<!tpu.dma_semaphore, #tpu.memory_space<semaphore_mem>>)
      %slice3A_177 = vector.extract_strided_slice %get3A_131 {offsets = [4], sizes = [1], strides = [1]} : vector<16xi32> to vector<1xi32>
      %squeeze3A_178 = vector.extract %slice3A_177[0] : i32 from vector<1xi32>
      %add3A_179 = arith.constant 4 : i32
      %add3A_180 = arith.addi %add3A_129, %add3A_179 : i32
      %dma_start3A_181 = arith.constant 0 : i32
      %dma_start3A_182 = tpu.memref_slice %arg9[%add3A_180, %dma_start3A_181] : memref<272x32xf32, #tpu.memory_space<vmem>> -> memref<1x32xf32, #tpu.memory_space<vmem>>
      %dma_start3A_183 = arith.constant 0 : i32
      %dma_start3A_184 = tpu.memref_slice %arg2[%squeeze3A_178, %dma_start3A_183] : memref<1000000x32xf32, #tpu.memory_space<hbm>> -> memref<1x32xf32, #tpu.memory_space<hbm>>
      %dma_start3A_185 = arith.constant 0 : i32
      %dma_start3A_186 = tpu.memref_slice %arg9[%add3A_180, %dma_start3A_185] : memref<272x32xf32, #tpu.memory_space<vmem>> -> memref<1x32xf32, #tpu.memory_space<vmem>>
      %dma_start3A_187 = arith.constant 0 : i32
      %dma_start3A_188 = tpu.memref_slice %arg2[%squeeze3A_178, %dma_start3A_187] : memref<1000000x32xf32, #tpu.memory_space<hbm>> -> memref<1x32xf32, #tpu.memory_space<hbm>>
      tpu.enqueue_dma source(%dma_start3A_188 : memref<1x32xf32, #tpu.memory_space<hbm>>) target(%dma_start3A_186 : memref<1x32xf32, #tpu.memory_space<vmem>>) target_semaphore(%arg10 : memref<!tpu.dma_semaphore, #tpu.memory_space<semaphore_mem>>)
      %slice3A_189 = vector.extract_strided_slice %get3A_131 {offsets = [5], sizes = [1], strides = [1]} : vector<16xi32> to vector<1xi32>
      %squeeze3A_190 = vector.extract %slice3A_189[0] : i32 from vector<1xi32>
      %add3A_191 = arith.constant 5 : i32
      %add3A_192 = arith.addi %add3A_129, %add3A_191 : i32
      %dma_start3A_193 = arith.constant 0 : i32
      %dma_start3A_194 = tpu.memref_slice %arg9[%add3A_192, %dma_start3A_193] : memref<272x32xf32, #tpu.memory_space<vmem>> -> memref<1x32xf32, #tpu.memory_space<vmem>>
      %dma_start3A_195 = arith.constant 0 : i32
      %dma_start3A_196 = tpu.memref_slice %arg2[%squeeze3A_190, %dma_start3A_195] : memref<1000000x32xf32, #tpu.memory_space<hbm>> -> memref<1x32xf32, #tpu.memory_space<hbm>>
      %dma_start3A_197 = arith.constant 0 : i32
      %dma_start3A_198 = tpu.memref_slice %arg9[%add3A_192, %dma_start3A_197] : memref<272x32xf32, #tpu.memory_space<vmem>> -> memref<1x32xf32, #tpu.memory_space<vmem>>
      %dma_start3A_199 = arith.constant 0 : i32
      %dma_start3A_200 = tpu.memref_slice %arg2[%squeeze3A_190, %dma_start3A_199] : memref<1000000x32xf32, #tpu.memory_space<hbm>> -> memref<1x32xf32, #tpu.memory_space<hbm>>
      tpu.enqueue_dma source(%dma_start3A_200 : memref<1x32xf32, #tpu.memory_space<hbm>>) target(%dma_start3A_198 : memref<1x32xf32, #tpu.memory_space<vmem>>) target_semaphore(%arg10 : memref<!tpu.dma_semaphore, #tpu.memory_space<semaphore_mem>>)
      %slice3A_201 = vector.extract_strided_slice %get3A_131 {offsets = [6], sizes = [1], strides = [1]} : vector<16xi32> to vector<1xi32>
      %squeeze3A_202 = vector.extract %slice3A_201[0] : i32 from vector<1xi32>
      %add3A_203 = arith.constant 6 : i32
      %add3A_204 = arith.addi %add3A_129, %add3A_203 : i32
      %dma_start3A_205 = arith.constant 0 : i32
      %dma_start3A_206 = tpu.memref_slice %arg9[%add3A_204, %dma_start3A_205] : memref<272x32xf32, #tpu.memory_space<vmem>> -> memref<1x32xf32, #tpu.memory_space<vmem>>
      %dma_start3A_207 = arith.constant 0 : i32
      %dma_start3A_208 = tpu.memref_slice %arg2[%squeeze3A_202, %dma_start3A_207] : memref<1000000x32xf32, #tpu.memory_space<hbm>> -> memref<1x32xf32, #tpu.memory_space<hbm>>
      %dma_start3A_209 = arith.constant 0 : i32
      %dma_start3A_210 = tpu.memref_slice %arg9[%add3A_204, %dma_start3A_209] : memref<272x32xf32, #tpu.memory_space<vmem>> -> memref<1x32xf32, #tpu.memory_space<vmem>>
      %dma_start3A_211 = arith.constant 0 : i32
      %dma_start3A_212 = tpu.memref_slice %arg2[%squeeze3A_202, %dma_start3A_211] : memref<1000000x32xf32, #tpu.memory_space<hbm>> -> memref<1x32xf32, #tpu.memory_space<hbm>>
      tpu.enqueue_dma source(%dma_start3A_212 : memref<1x32xf32, #tpu.memory_space<hbm>>) target(%dma_start3A_210 : memref<1x32xf32, #tpu.memory_space<vmem>>) target_semaphore(%arg10 : memref<!tpu.dma_semaphore, #tpu.memory_space<semaphore_mem>>)
      %slice3A_213 = vector.extract_strided_slice %get3A_131 {offsets = [7], sizes = [1], strides = [1]} : vector<16xi32> to vector<1xi32>
      %squeeze3A_214 = vector.extract %slice3A_213[0] : i32 from vector<1xi32>
      %add3A_215 = arith.constant 7 : i32
      %add3A_216 = arith.addi %add3A_129, %add3A_215 : i32
      %dma_start3A_217 = arith.constant 0 : i32
      %dma_start3A_218 = tpu.memref_slice %arg9[%add3A_216, %dma_start3A_217] : memref<272x32xf32, #tpu.memory_space<vmem>> -> memref<1x32xf32, #tpu.memory_space<vmem>>
      %dma_start3A_219 = arith.constant 0 : i32
      %dma_start3A_220 = tpu.memref_slice %arg2[%squeeze3A_214, %dma_start3A_219] : memref<1000000x32xf32, #tpu.memory_space<hbm>> -> memref<1x32xf32, #tpu.memory_space<hbm>>
      %dma_start3A_221 = arith.constant 0 : i32
      %dma_start3A_222 = tpu.memref_slice %arg9[%add3A_216, %dma_start3A_221] : memref<272x32xf32, #tpu.memory_space<vmem>> -> memref<1x32xf32, #tpu.memory_space<vmem>>
      %dma_start3A_223 = arith.constant 0 : i32
      %dma_start3A_224 = tpu.memref_slice %arg2[%squeeze3A_214, %dma_start3A_223] : memref<1000000x32xf32, #tpu.memory_space<hbm>> -> memref<1x32xf32, #tpu.memory_space<hbm>>
      tpu.enqueue_dma source(%dma_start3A_224 : memref<1x32xf32, #tpu.memory_space<hbm>>) target(%dma_start3A_222 : memref<1x32xf32, #tpu.memory_space<vmem>>) target_semaphore(%arg10 : memref<!tpu.dma_semaphore, #tpu.memory_space<semaphore_mem>>)
      %slice3A_225 = vector.extract_strided_slice %get3A_131 {offsets = [8], sizes = [1], strides = [1]} : vector<16xi32> to vector<1xi32>
      %squeeze3A_226 = vector.extract %slice3A_225[0] : i32 from vector<1xi32>
      %add3A_227 = arith.constant 8 : i32
      %add3A_228 = arith.addi %add3A_129, %add3A_227 : i32
      %dma_start3A_229 = arith.constant 0 : i32
      %dma_start3A_230 = tpu.memref_slice %arg9[%add3A_228, %dma_start3A_229] : memref<272x32xf32, #tpu.memory_space<vmem>> -> memref<1x32xf32, #tpu.memory_space<vmem>>
      %dma_start3A_231 = arith.constant 0 : i32
      %dma_start3A_232 = tpu.memref_slice %arg2[%squeeze3A_226, %dma_start3A_231] : memref<1000000x32xf32, #tpu.memory_space<hbm>> -> memref<1x32xf32, #tpu.memory_space<hbm>>
      %dma_start3A_233 = arith.constant 0 : i32
      %dma_start3A_234 = tpu.memref_slice %arg9[%add3A_228, %dma_start3A_233] : memref<272x32xf32, #tpu.memory_space<vmem>> -> memref<1x32xf32, #tpu.memory_space<vmem>>
      %dma_start3A_235 = arith.constant 0 : i32
      %dma_start3A_236 = tpu.memref_slice %arg2[%squeeze3A_226, %dma_start3A_235] : memref<1000000x32xf32, #tpu.memory_space<hbm>> -> memref<1x32xf32, #tpu.memory_space<hbm>>
      tpu.enqueue_dma source(%dma_start3A_236 : memref<1x32xf32, #tpu.memory_space<hbm>>) target(%dma_start3A_234 : memref<1x32xf32, #tpu.memory_space<vmem>>) target_semaphore(%arg10 : memref<!tpu.dma_semaphore, #tpu.memory_space<semaphore_mem>>)
      %slice3A_237 = vector.extract_strided_slice %get3A_131 {offsets = [9], sizes = [1], strides = [1]} : vector<16xi32> to vector<1xi32>
      %squeeze3A_238 = vector.extract %slice3A_237[0] : i32 from vector<1xi32>
      %add3A_239 = arith.constant 9 : i32
      %add3A_240 = arith.addi %add3A_129, %add3A_239 : i32
      %dma_start3A_241 = arith.constant 0 : i32
      %dma_start3A_242 = tpu.memref_slice %arg9[%add3A_240, %dma_start3A_241] : memref<272x32xf32, #tpu.memory_space<vmem>> -> memref<1x32xf32, #tpu.memory_space<vmem>>
      %dma_start3A_243 = arith.constant 0 : i32
      %dma_start3A_244 = tpu.memref_slice %arg2[%squeeze3A_238, %dma_start3A_243] : memref<1000000x32xf32, #tpu.memory_space<hbm>> -> memref<1x32xf32, #tpu.memory_space<hbm>>
      %dma_start3A_245 = arith.constant 0 : i32
      %dma_start3A_246 = tpu.memref_slice %arg9[%add3A_240, %dma_start3A_245] : memref<272x32xf32, #tpu.memory_space<vmem>> -> memref<1x32xf32, #tpu.memory_space<vmem>>
      %dma_start3A_247 = arith.constant 0 : i32
      %dma_start3A_248 = tpu.memref_slice %arg2[%squeeze3A_238, %dma_start3A_247] : memref<1000000x32xf32, #tpu.memory_space<hbm>> -> memref<1x32xf32, #tpu.memory_space<hbm>>
      tpu.enqueue_dma source(%dma_start3A_248 : memref<1x32xf32, #tpu.memory_space<hbm>>) target(%dma_start3A_246 : memref<1x32xf32, #tpu.memory_space<vmem>>) target_semaphore(%arg10 : memref<!tpu.dma_semaphore, #tpu.memory_space<semaphore_mem>>)
      %slice3A_249 = vector.extract_strided_slice %get3A_131 {offsets = [10], sizes = [1], strides = [1]} : vector<16xi32> to vector<1xi32>
      %squeeze3A_250 = vector.extract %slice3A_249[0] : i32 from vector<1xi32>
      %add3A_251 = arith.constant 10 : i32
      %add3A_252 = arith.addi %add3A_129, %add3A_251 : i32
      %dma_start3A_253 = arith.constant 0 : i32
      %dma_start3A_254 = tpu.memref_slice %arg9[%add3A_252, %dma_start3A_253] : memref<272x32xf32, #tpu.memory_space<vmem>> -> memref<1x32xf32, #tpu.memory_space<vmem>>
      %dma_start3A_255 = arith.constant 0 : i32
      %dma_start3A_256 = tpu.memref_slice %arg2[%squeeze3A_250, %dma_start3A_255] : memref<1000000x32xf32, #tpu.memory_space<hbm>> -> memref<1x32xf32, #tpu.memory_space<hbm>>
      %dma_start3A_257 = arith.constant 0 : i32
      %dma_start3A_258 = tpu.memref_slice %arg9[%add3A_252, %dma_start3A_257] : memref<272x32xf32, #tpu.memory_space<vmem>> -> memref<1x32xf32, #tpu.memory_space<vmem>>
      %dma_start3A_259 = arith.constant 0 : i32
      %dma_start3A_260 = tpu.memref_slice %arg2[%squeeze3A_250, %dma_start3A_259] : memref<1000000x32xf32, #tpu.memory_space<hbm>> -> memref<1x32xf32, #tpu.memory_space<hbm>>
      tpu.enqueue_dma source(%dma_start3A_260 : memref<1x32xf32, #tpu.memory_space<hbm>>) target(%dma_start3A_258 : memref<1x32xf32, #tpu.memory_space<vmem>>) target_semaphore(%arg10 : memref<!tpu.dma_semaphore, #tpu.memory_space<semaphore_mem>>)
      %slice3A_261 = vector.extract_strided_slice %get3A_131 {offsets = [11], sizes = [1], strides = [1]} : vector<16xi32> to vector<1xi32>
      %squeeze3A_262 = vector.extract %slice3A_261[0] : i32 from vector<1xi32>
      %add3A_263 = arith.constant 11 : i32
      %add3A_264 = arith.addi %add3A_129, %add3A_263 : i32
      %dma_start3A_265 = arith.constant 0 : i32
      %dma_start3A_266 = tpu.memref_slice %arg9[%add3A_264, %dma_start3A_265] : memref<272x32xf32, #tpu.memory_space<vmem>> -> memref<1x32xf32, #tpu.memory_space<vmem>>
      %dma_start3A_267 = arith.constant 0 : i32
      %dma_start3A_268 = tpu.memref_slice %arg2[%squeeze3A_262, %dma_start3A_267] : memref<1000000x32xf32, #tpu.memory_space<hbm>> -> memref<1x32xf32, #tpu.memory_space<hbm>>
      %dma_start3A_269 = arith.constant 0 : i32
      %dma_start3A_270 = tpu.memref_slice %arg9[%add3A_264, %dma_start3A_269] : memref<272x32xf32, #tpu.memory_space<vmem>> -> memref<1x32xf32, #tpu.memory_space<vmem>>
      %dma_start3A_271 = arith.constant 0 : i32
      %dma_start3A_272 = tpu.memref_slice %arg2[%squeeze3A_262, %dma_start3A_271] : memref<1000000x32xf32, #tpu.memory_space<hbm>> -> memref<1x32xf32, #tpu.memory_space<hbm>>
      tpu.enqueue_dma source(%dma_start3A_272 : memref<1x32xf32, #tpu.memory_space<hbm>>) target(%dma_start3A_270 : memref<1x32xf32, #tpu.memory_space<vmem>>) target_semaphore(%arg10 : memref<!tpu.dma_semaphore, #tpu.memory_space<semaphore_mem>>)
      %slice3A_273 = vector.extract_strided_slice %get3A_131 {offsets = [12], sizes = [1], strides = [1]} : vector<16xi32> to vector<1xi32>
      %squeeze3A_274 = vector.extract %slice3A_273[0] : i32 from vector<1xi32>
      %add3A_275 = arith.constant 12 : i32
      %add3A_276 = arith.addi %add3A_129, %add3A_275 : i32
      %dma_start3A_277 = arith.constant 0 : i32
      %dma_start3A_278 = tpu.memref_slice %arg9[%add3A_276, %dma_start3A_277] : memref<272x32xf32, #tpu.memory_space<vmem>> -> memref<1x32xf32, #tpu.memory_space<vmem>>
      %dma_start3A_279 = arith.constant 0 : i32
      %dma_start3A_280 = tpu.memref_slice %arg2[%squeeze3A_274, %dma_start3A_279] : memref<1000000x32xf32, #tpu.memory_space<hbm>> -> memref<1x32xf32, #tpu.memory_space<hbm>>
      %dma_start3A_281 = arith.constant 0 : i32
      %dma_start3A_282 = tpu.memref_slice %arg9[%add3A_276, %dma_start3A_281] : memref<272x32xf32, #tpu.memory_space<vmem>> -> memref<1x32xf32, #tpu.memory_space<vmem>>
      %dma_start3A_283 = arith.constant 0 : i32
      %dma_start3A_284 = tpu.memref_slice %arg2[%squeeze3A_274, %dma_start3A_283] : memref<1000000x32xf32, #tpu.memory_space<hbm>> -> memref<1x32xf32, #tpu.memory_space<hbm>>
      tpu.enqueue_dma source(%dma_start3A_284 : memref<1x32xf32, #tpu.memory_space<hbm>>) target(%dma_start3A_282 : memref<1x32xf32, #tpu.memory_space<vmem>>) target_semaphore(%arg10 : memref<!tpu.dma_semaphore, #tpu.memory_space<semaphore_mem>>)
      %slice3A_285 = vector.extract_strided_slice %get3A_131 {offsets = [13], sizes = [1], strides = [1]} : vector<16xi32> to vector<1xi32>
      %squeeze3A_286 = vector.extract %slice3A_285[0] : i32 from vector<1xi32>
      %add3A_287 = arith.constant 13 : i32
      %add3A_288 = arith.addi %add3A_129, %add3A_287 : i32
      %dma_start3A_289 = arith.constant 0 : i32
      %dma_start3A_290 = tpu.memref_slice %arg9[%add3A_288, %dma_start3A_289] : memref<272x32xf32, #tpu.memory_space<vmem>> -> memref<1x32xf32, #tpu.memory_space<vmem>>
      %dma_start3A_291 = arith.constant 0 : i32
      %dma_start3A_292 = tpu.memref_slice %arg2[%squeeze3A_286, %dma_start3A_291] : memref<1000000x32xf32, #tpu.memory_space<hbm>> -> memref<1x32xf32, #tpu.memory_space<hbm>>
      %dma_start3A_293 = arith.constant 0 : i32
      %dma_start3A_294 = tpu.memref_slice %arg9[%add3A_288, %dma_start3A_293] : memref<272x32xf32, #tpu.memory_space<vmem>> -> memref<1x32xf32, #tpu.memory_space<vmem>>
      %dma_start3A_295 = arith.constant 0 : i32
      %dma_start3A_296 = tpu.memref_slice %arg2[%squeeze3A_286, %dma_start3A_295] : memref<1000000x32xf32, #tpu.memory_space<hbm>> -> memref<1x32xf32, #tpu.memory_space<hbm>>
      tpu.enqueue_dma source(%dma_start3A_296 : memref<1x32xf32, #tpu.memory_space<hbm>>) target(%dma_start3A_294 : memref<1x32xf32, #tpu.memory_space<vmem>>) target_semaphore(%arg10 : memref<!tpu.dma_semaphore, #tpu.memory_space<semaphore_mem>>)
      %slice3A_297 = vector.extract_strided_slice %get3A_131 {offsets = [14], sizes = [1], strides = [1]} : vector<16xi32> to vector<1xi32>
      %squeeze3A_298 = vector.extract %slice3A_297[0] : i32 from vector<1xi32>
      %add3A_299 = arith.constant 14 : i32
      %add3A_300 = arith.addi %add3A_129, %add3A_299 : i32
      %dma_start3A_301 = arith.constant 0 : i32
      %dma_start3A_302 = tpu.memref_slice %arg9[%add3A_300, %dma_start3A_301] : memref<272x32xf32, #tpu.memory_space<vmem>> -> memref<1x32xf32, #tpu.memory_space<vmem>>
      %dma_start3A_303 = arith.constant 0 : i32
      %dma_start3A_304 = tpu.memref_slice %arg2[%squeeze3A_298, %dma_start3A_303] : memref<1000000x32xf32, #tpu.memory_space<hbm>> -> memref<1x32xf32, #tpu.memory_space<hbm>>
      %dma_start3A_305 = arith.constant 0 : i32
      %dma_start3A_306 = tpu.memref_slice %arg9[%add3A_300, %dma_start3A_305] : memref<272x32xf32, #tpu.memory_space<vmem>> -> memref<1x32xf32, #tpu.memory_space<vmem>>
      %dma_start3A_307 = arith.constant 0 : i32
      %dma_start3A_308 = tpu.memref_slice %arg2[%squeeze3A_298, %dma_start3A_307] : memref<1000000x32xf32, #tpu.memory_space<hbm>> -> memref<1x32xf32, #tpu.memory_space<hbm>>
      tpu.enqueue_dma source(%dma_start3A_308 : memref<1x32xf32, #tpu.memory_space<hbm>>) target(%dma_start3A_306 : memref<1x32xf32, #tpu.memory_space<vmem>>) target_semaphore(%arg10 : memref<!tpu.dma_semaphore, #tpu.memory_space<semaphore_mem>>)
      %slice3A_309 = vector.extract_strided_slice %get3A_131 {offsets = [15], sizes = [1], strides = [1]} : vector<16xi32> to vector<1xi32>
      %squeeze3A_310 = vector.extract %slice3A_309[0] : i32 from vector<1xi32>
      %add3A_311 = arith.constant 15 : i32
      %add3A_312 = arith.addi %add3A_129, %add3A_311 : i32
      %dma_start3A_313 = arith.constant 0 : i32
      %dma_start3A_314 = tpu.memref_slice %arg9[%add3A_312, %dma_start3A_313] : memref<272x32xf32, #tpu.memory_space<vmem>> -> memref<1x32xf32, #tpu.memory_space<vmem>>
      %dma_start3A_315 = arith.constant 0 : i32
      %dma_start3A_316 = tpu.memref_slice %arg2[%squeeze3A_310, %dma_start3A_315] : memref<1000000x32xf32, #tpu.memory_space<hbm>> -> memref<1x32xf32, #tpu.memory_space<hbm>>
      %dma_start3A_317 = arith.constant 0 : i32
      %dma_start3A_318 = tpu.memref_slice %arg9[%add3A_312, %dma_start3A_317] : memref<272x32xf32, #tpu.memory_space<vmem>> -> memref<1x32xf32, #tpu.memory_space<vmem>>
      %dma_start3A_319 = arith.constant 0 : i32
      %dma_start3A_320 = tpu.memref_slice %arg2[%squeeze3A_310, %dma_start3A_319] : memref<1000000x32xf32, #tpu.memory_space<hbm>> -> memref<1x32xf32, #tpu.memory_space<hbm>>
      tpu.enqueue_dma source(%dma_start3A_320 : memref<1x32xf32, #tpu.memory_space<hbm>>) target(%dma_start3A_318 : memref<1x32xf32, #tpu.memory_space<vmem>>) target_semaphore(%arg10 : memref<!tpu.dma_semaphore, #tpu.memory_space<semaphore_mem>>)
    }
    %scan3A_28 = arith.constant 16 : i32
    %dma_wait3A_29 = arith.constant 0 : i32
    %dma_wait3A_30 = arith.constant 0 : i32
    %dma_wait3A_31 = tpu.memref_slice %arg9[%dma_wait3A_29, %dma_wait3A_30] : memref<272x32xf32, #tpu.memory_space<vmem>> -> memref<256x32xf32, #tpu.memory_space<vmem>>
    %dma_wait3A_32 = arith.constant 0 : i32
    %dma_wait3A_33 = arith.constant 0 : i32
    %dma_wait3A_34 = tpu.memref_slice %arg2[%dma_wait3A_32, %dma_wait3A_33] : memref<1000000x32xf32, #tpu.memory_space<hbm>> -> memref<256x32xf32, #tpu.memory_space<hbm>>
    %dma_wait3A_35 = arith.constant 0 : i32
    %dma_wait3A_36 = arith.constant 0 : i32
    %dma_wait3A_37 = tpu.memref_slice %arg9[%dma_wait3A_35, %dma_wait3A_36] : memref<272x32xf32, #tpu.memory_space<vmem>> -> memref<256x32xf32, #tpu.memory_space<vmem>>
    %dma_wait3A_38 = arith.constant 0 : i32
    %dma_wait3A_39 = arith.constant 0 : i32
    %dma_wait3A_40 = tpu.memref_slice %arg2[%dma_wait3A_38, %dma_wait3A_39] : memref<1000000x32xf32, #tpu.memory_space<hbm>> -> memref<256x32xf32, #tpu.memory_space<hbm>>
    tpu.wait_dma2 semaphore(%arg10 : memref<!tpu.dma_semaphore, #tpu.memory_space<semaphore_mem>>) src(%dma_wait3A_40 : memref<256x32xf32, #tpu.memory_space<hbm>>) dst(%dma_wait3A_37 : memref<256x32xf32, #tpu.memory_space<vmem>>)
    "tpu.region"() ({
      %run_scoped3A = tpu.sem_alloc : memref<!tpu.dma_semaphore, #tpu.memory_space<semaphore_mem>>
      %dma_start3A = arith.constant 0 : i32
      %dma_start3A_125 = arith.constant 0 : i32
      %dma_start3A_126 = tpu.memref_slice %arg9[%dma_start3A, %dma_start3A_125] : memref<272x32xf32, #tpu.memory_space<vmem>> -> memref<256x32xf32, #tpu.memory_space<vmem>>
      %dma_start3A_127 = arith.constant 0 : i32
      %dma_start3A_128 = tpu.memref_slice %arg6[%add3A_23, %dma_start3A_127] : memref<16384x32xf32, #tpu.memory_space<hbm>> -> memref<256x32xf32, #tpu.memory_space<hbm>>
      %dma_start3A_129 = arith.constant 0 : i32
      %dma_start3A_130 = tpu.memref_slice %arg6[%add3A_23, %dma_start3A_129] : memref<16384x32xf32, #tpu.memory_space<hbm>> -> memref<256x32xf32, #tpu.memory_space<hbm>>
      %dma_start3A_131 = arith.constant 0 : i32
      %dma_start3A_132 = arith.constant 0 : i32
      %dma_start3A_133 = tpu.memref_slice %arg9[%dma_start3A_131, %dma_start3A_132] : memref<272x32xf32, #tpu.memory_space<vmem>> -> memref<256x32xf32, #tpu.memory_space<vmem>>
      tpu.enqueue_dma source(%dma_start3A_133 : memref<256x32xf32, #tpu.memory_space<vmem>>) target(%dma_start3A_130 : memref<256x32xf32, #tpu.memory_space<hbm>>) target_semaphore(%run_scoped3A : memref<!tpu.dma_semaphore, #tpu.memory_space<semaphore_mem>>)
      %dma_wait3A_134 = arith.constant 0 : i32
      %dma_wait3A_135 = arith.constant 0 : i32
      %dma_wait3A_136 = tpu.memref_slice %arg9[%dma_wait3A_134, %dma_wait3A_135] : memref<272x32xf32, #tpu.memory_space<vmem>> -> memref<256x32xf32, #tpu.memory_space<vmem>>
      %dma_wait3A_137 = arith.constant 0 : i32
      %dma_wait3A_138 = tpu.memref_slice %arg6[%add3A_23, %dma_wait3A_137] : memref<16384x32xf32, #tpu.memory_space<hbm>> -> memref<256x32xf32, #tpu.memory_space<hbm>>
      %dma_wait3A_139 = arith.constant 0 : i32
      %dma_wait3A_140 = tpu.memref_slice %arg6[%add3A_23, %dma_wait3A_139] : memref<16384x32xf32, #tpu.memory_space<hbm>> -> memref<256x32xf32, #tpu.memory_space<hbm>>
      %dma_wait3A_141 = arith.constant 0 : i32
      %dma_wait3A_142 = arith.constant 0 : i32
      %dma_wait3A_143 = tpu.memref_slice %arg9[%dma_wait3A_141, %dma_wait3A_142] : memref<272x32xf32, #tpu.memory_space<vmem>> -> memref<256x32xf32, #tpu.memory_space<vmem>>
      tpu.wait_dma2 semaphore(%run_scoped3A : memref<!tpu.dma_semaphore, #tpu.memory_space<semaphore_mem>>) src(%dma_wait3A_143 : memref<256x32xf32, #tpu.memory_space<vmem>>) dst(%dma_wait3A_140 : memref<256x32xf32, #tpu.memory_space<hbm>>)
      tpu.yield
    }) : () -> ()
    %mul3A_41 = arith.constant 1088 : i32
    %mul3A_42 = arith.muli %add3A, %mul3A_41 : i32
    %add3A_43 = arith.constant 0 : i32
    %add3A_44 = arith.addi %mul3A_42, %add3A_43 : i32
    "tpu.region"() ({
      %run_scoped3A = tpu.sem_alloc : memref<!tpu.dma_semaphore, #tpu.memory_space<semaphore_mem>>
      %dma_start3A = arith.constant 0 : i32
      %dma_start3A_125 = tpu.memref_slice %arg8[%dma_start3A] : memref<272xi32, #tpu.memory_space<vmem>> -> memref<272xi32, #tpu.memory_space<vmem>>
      %dma_start3A_126 = tpu.memref_slice %arg5[%add3A_44] : memref<34816xi32, #tpu.memory_space<hbm>> -> memref<272xi32, #tpu.memory_space<hbm>>
      %dma_start3A_127 = arith.constant 0 : i32
      %dma_start3A_128 = tpu.memref_slice %arg8[%dma_start3A_127] : memref<272xi32, #tpu.memory_space<vmem>> -> memref<272xi32, #tpu.memory_space<vmem>>
      %dma_start3A_129 = tpu.memref_slice %arg5[%add3A_44] : memref<34816xi32, #tpu.memory_space<hbm>> -> memref<272xi32, #tpu.memory_space<hbm>>
      tpu.enqueue_dma source(%dma_start3A_129 : memref<272xi32, #tpu.memory_space<hbm>>) target(%dma_start3A_128 : memref<272xi32, #tpu.memory_space<vmem>>) target_semaphore(%run_scoped3A : memref<!tpu.dma_semaphore, #tpu.memory_space<semaphore_mem>>)
      %dma_wait3A_130 = arith.constant 0 : i32
      %dma_wait3A_131 = tpu.memref_slice %arg8[%dma_wait3A_130] : memref<272xi32, #tpu.memory_space<vmem>> -> memref<272xi32, #tpu.memory_space<vmem>>
      %dma_wait3A_132 = tpu.memref_slice %arg5[%add3A_44] : memref<34816xi32, #tpu.memory_space<hbm>> -> memref<272xi32, #tpu.memory_space<hbm>>
      %dma_wait3A_133 = arith.constant 0 : i32
      %dma_wait3A_134 = tpu.memref_slice %arg8[%dma_wait3A_133] : memref<272xi32, #tpu.memory_space<vmem>> -> memref<272xi32, #tpu.memory_space<vmem>>
      %dma_wait3A_135 = tpu.memref_slice %arg5[%add3A_44] : memref<34816xi32, #tpu.memory_space<hbm>> -> memref<272xi32, #tpu.memory_space<hbm>>
      tpu.wait_dma2 semaphore(%run_scoped3A : memref<!tpu.dma_semaphore, #tpu.memory_space<semaphore_mem>>) src(%dma_wait3A_135 : memref<272xi32, #tpu.memory_space<hbm>>) dst(%dma_wait3A_134 : memref<272xi32, #tpu.memory_space<vmem>>)
      tpu.yield
    }) : () -> ()
    %scan3A_45 = arith.constant 0 : i32
    %scan3A_46 = arith.constant 17 : i32
    %scan3A_47 = arith.addi %scan3A_45, %scan3A_46 : i32
    %scan3A_48 = arith.constant 1 : i32
    scf.for %scan3A_125 = %scan3A_45 to %scan3A_47 step %scan3A_48  : i32 {
      %mul3A_126 = arith.constant 16 : i32
      %mul3A_127 = arith.muli %scan3A_125, %mul3A_126 : i32
      %add3A_128 = arith.constant 0 : i32
      %add3A_129 = arith.addi %add3A_128, %mul3A_127 : i32
      %get3A = arith.index_cast %add3A_129 : i32 to index
      %get3A_130 = tpu.vector_load %arg8[%get3A] {strides = array<i32>} : memref<272xi32, #tpu.memory_space<vmem>>, vector<16xi32>,
      %get3A_131 = vector.shape_cast %get3A_130 : vector<16xi32> to vector<16xi32>
      %slice3A = vector.extract_strided_slice %get3A_131 {offsets = [0], sizes = [1], strides = [1]} : vector<16xi32> to vector<1xi32>
      %squeeze3A = vector.extract %slice3A[0] : i32 from vector<1xi32>
      %add3A_132 = arith.constant 0 : i32
      %add3A_133 = arith.addi %add3A_129, %add3A_132 : i32
      %dma_start3A = arith.constant 0 : i32
      %dma_start3A_134 = tpu.memref_slice %arg9[%add3A_133, %dma_start3A] : memref<272x32xf32, #tpu.memory_space<vmem>> -> memref<1x32xf32, #tpu.memory_space<vmem>>
      %dma_start3A_135 = arith.constant 0 : i32
      %dma_start3A_136 = tpu.memref_slice %arg3[%squeeze3A, %dma_start3A_135] : memref<1000000x32xf32, #tpu.memory_space<hbm>> -> memref<1x32xf32, #tpu.memory_space<hbm>>
      %dma_start3A_137 = arith.constant 0 : i32
      %dma_start3A_138 = tpu.memref_slice %arg9[%add3A_133, %dma_start3A_137] : memref<272x32xf32, #tpu.memory_space<vmem>> -> memref<1x32xf32, #tpu.memory_space<vmem>>
      %dma_start3A_139 = arith.constant 0 : i32
      %dma_start3A_140 = tpu.memref_slice %arg3[%squeeze3A, %dma_start3A_139] : memref<1000000x32xf32, #tpu.memory_space<hbm>> -> memref<1x32xf32, #tpu.memory_space<hbm>>
      tpu.enqueue_dma source(%dma_start3A_140 : memref<1x32xf32, #tpu.memory_space<hbm>>) target(%dma_start3A_138 : memref<1x32xf32, #tpu.memory_space<vmem>>) target_semaphore(%arg10 : memref<!tpu.dma_semaphore, #tpu.memory_space<semaphore_mem>>)
      %slice3A_141 = vector.extract_strided_slice %get3A_131 {offsets = [1], sizes = [1], strides = [1]} : vector<16xi32> to vector<1xi32>
      %squeeze3A_142 = vector.extract %slice3A_141[0] : i32 from vector<1xi32>
      %add3A_143 = arith.constant 1 : i32
      %add3A_144 = arith.addi %add3A_129, %add3A_143 : i32
      %dma_start3A_145 = arith.constant 0 : i32
      %dma_start3A_146 = tpu.memref_slice %arg9[%add3A_144, %dma_start3A_145] : memref<272x32xf32, #tpu.memory_space<vmem>> -> memref<1x32xf32, #tpu.memory_space<vmem>>
      %dma_start3A_147 = arith.constant 0 : i32
      %dma_start3A_148 = tpu.memref_slice %arg3[%squeeze3A_142, %dma_start3A_147] : memref<1000000x32xf32, #tpu.memory_space<hbm>> -> memref<1x32xf32, #tpu.memory_space<hbm>>
      %dma_start3A_149 = arith.constant 0 : i32
      %dma_start3A_150 = tpu.memref_slice %arg9[%add3A_144, %dma_start3A_149] : memref<272x32xf32, #tpu.memory_space<vmem>> -> memref<1x32xf32, #tpu.memory_space<vmem>>
      %dma_start3A_151 = arith.constant 0 : i32
      %dma_start3A_152 = tpu.memref_slice %arg3[%squeeze3A_142, %dma_start3A_151] : memref<1000000x32xf32, #tpu.memory_space<hbm>> -> memref<1x32xf32, #tpu.memory_space<hbm>>
      tpu.enqueue_dma source(%dma_start3A_152 : memref<1x32xf32, #tpu.memory_space<hbm>>) target(%dma_start3A_150 : memref<1x32xf32, #tpu.memory_space<vmem>>) target_semaphore(%arg10 : memref<!tpu.dma_semaphore, #tpu.memory_space<semaphore_mem>>)
      %slice3A_153 = vector.extract_strided_slice %get3A_131 {offsets = [2], sizes = [1], strides = [1]} : vector<16xi32> to vector<1xi32>
      %squeeze3A_154 = vector.extract %slice3A_153[0] : i32 from vector<1xi32>
      %add3A_155 = arith.constant 2 : i32
      %add3A_156 = arith.addi %add3A_129, %add3A_155 : i32
      %dma_start3A_157 = arith.constant 0 : i32
      %dma_start3A_158 = tpu.memref_slice %arg9[%add3A_156, %dma_start3A_157] : memref<272x32xf32, #tpu.memory_space<vmem>> -> memref<1x32xf32, #tpu.memory_space<vmem>>
      %dma_start3A_159 = arith.constant 0 : i32
      %dma_start3A_160 = tpu.memref_slice %arg3[%squeeze3A_154, %dma_start3A_159] : memref<1000000x32xf32, #tpu.memory_space<hbm>> -> memref<1x32xf32, #tpu.memory_space<hbm>>
      %dma_start3A_161 = arith.constant 0 : i32
      %dma_start3A_162 = tpu.memref_slice %arg9[%add3A_156, %dma_start3A_161] : memref<272x32xf32, #tpu.memory_space<vmem>> -> memref<1x32xf32, #tpu.memory_space<vmem>>
      %dma_start3A_163 = arith.constant 0 : i32
      %dma_start3A_164 = tpu.memref_slice %arg3[%squeeze3A_154, %dma_start3A_163] : memref<1000000x32xf32, #tpu.memory_space<hbm>> -> memref<1x32xf32, #tpu.memory_space<hbm>>
      tpu.enqueue_dma source(%dma_start3A_164 : memref<1x32xf32, #tpu.memory_space<hbm>>) target(%dma_start3A_162 : memref<1x32xf32, #tpu.memory_space<vmem>>) target_semaphore(%arg10 : memref<!tpu.dma_semaphore, #tpu.memory_space<semaphore_mem>>)
      %slice3A_165 = vector.extract_strided_slice %get3A_131 {offsets = [3], sizes = [1], strides = [1]} : vector<16xi32> to vector<1xi32>
      %squeeze3A_166 = vector.extract %slice3A_165[0] : i32 from vector<1xi32>
      %add3A_167 = arith.constant 3 : i32
      %add3A_168 = arith.addi %add3A_129, %add3A_167 : i32
      %dma_start3A_169 = arith.constant 0 : i32
      %dma_start3A_170 = tpu.memref_slice %arg9[%add3A_168, %dma_start3A_169] : memref<272x32xf32, #tpu.memory_space<vmem>> -> memref<1x32xf32, #tpu.memory_space<vmem>>
      %dma_start3A_171 = arith.constant 0 : i32
      %dma_start3A_172 = tpu.memref_slice %arg3[%squeeze3A_166, %dma_start3A_171] : memref<1000000x32xf32, #tpu.memory_space<hbm>> -> memref<1x32xf32, #tpu.memory_space<hbm>>
      %dma_start3A_173 = arith.constant 0 : i32
      %dma_start3A_174 = tpu.memref_slice %arg9[%add3A_168, %dma_start3A_173] : memref<272x32xf32, #tpu.memory_space<vmem>> -> memref<1x32xf32, #tpu.memory_space<vmem>>
      %dma_start3A_175 = arith.constant 0 : i32
      %dma_start3A_176 = tpu.memref_slice %arg3[%squeeze3A_166, %dma_start3A_175] : memref<1000000x32xf32, #tpu.memory_space<hbm>> -> memref<1x32xf32, #tpu.memory_space<hbm>>
      tpu.enqueue_dma source(%dma_start3A_176 : memref<1x32xf32, #tpu.memory_space<hbm>>) target(%dma_start3A_174 : memref<1x32xf32, #tpu.memory_space<vmem>>) target_semaphore(%arg10 : memref<!tpu.dma_semaphore, #tpu.memory_space<semaphore_mem>>)
      %slice3A_177 = vector.extract_strided_slice %get3A_131 {offsets = [4], sizes = [1], strides = [1]} : vector<16xi32> to vector<1xi32>
      %squeeze3A_178 = vector.extract %slice3A_177[0] : i32 from vector<1xi32>
      %add3A_179 = arith.constant 4 : i32
      %add3A_180 = arith.addi %add3A_129, %add3A_179 : i32
      %dma_start3A_181 = arith.constant 0 : i32
      %dma_start3A_182 = tpu.memref_slice %arg9[%add3A_180, %dma_start3A_181] : memref<272x32xf32, #tpu.memory_space<vmem>> -> memref<1x32xf32, #tpu.memory_space<vmem>>
      %dma_start3A_183 = arith.constant 0 : i32
      %dma_start3A_184 = tpu.memref_slice %arg3[%squeeze3A_178, %dma_start3A_183] : memref<1000000x32xf32, #tpu.memory_space<hbm>> -> memref<1x32xf32, #tpu.memory_space<hbm>>
      %dma_start3A_185 = arith.constant 0 : i32
      %dma_start3A_186 = tpu.memref_slice %arg9[%add3A_180, %dma_start3A_185] : memref<272x32xf32, #tpu.memory_space<vmem>> -> memref<1x32xf32, #tpu.memory_space<vmem>>
      %dma_start3A_187 = arith.constant 0 : i32
      %dma_start3A_188 = tpu.memref_slice %arg3[%squeeze3A_178, %dma_start3A_187] : memref<1000000x32xf32, #tpu.memory_space<hbm>> -> memref<1x32xf32, #tpu.memory_space<hbm>>
      tpu.enqueue_dma source(%dma_start3A_188 : memref<1x32xf32, #tpu.memory_space<hbm>>) target(%dma_start3A_186 : memref<1x32xf32, #tpu.memory_space<vmem>>) target_semaphore(%arg10 : memref<!tpu.dma_semaphore, #tpu.memory_space<semaphore_mem>>)
      %slice3A_189 = vector.extract_strided_slice %get3A_131 {offsets = [5], sizes = [1], strides = [1]} : vector<16xi32> to vector<1xi32>
      %squeeze3A_190 = vector.extract %slice3A_189[0] : i32 from vector<1xi32>
      %add3A_191 = arith.constant 5 : i32
      %add3A_192 = arith.addi %add3A_129, %add3A_191 : i32
      %dma_start3A_193 = arith.constant 0 : i32
      %dma_start3A_194 = tpu.memref_slice %arg9[%add3A_192, %dma_start3A_193] : memref<272x32xf32, #tpu.memory_space<vmem>> -> memref<1x32xf32, #tpu.memory_space<vmem>>
      %dma_start3A_195 = arith.constant 0 : i32
      %dma_start3A_196 = tpu.memref_slice %arg3[%squeeze3A_190, %dma_start3A_195] : memref<1000000x32xf32, #tpu.memory_space<hbm>> -> memref<1x32xf32, #tpu.memory_space<hbm>>
      %dma_start3A_197 = arith.constant 0 : i32
      %dma_start3A_198 = tpu.memref_slice %arg9[%add3A_192, %dma_start3A_197] : memref<272x32xf32, #tpu.memory_space<vmem>> -> memref<1x32xf32, #tpu.memory_space<vmem>>
      %dma_start3A_199 = arith.constant 0 : i32
      %dma_start3A_200 = tpu.memref_slice %arg3[%squeeze3A_190, %dma_start3A_199] : memref<1000000x32xf32, #tpu.memory_space<hbm>> -> memref<1x32xf32, #tpu.memory_space<hbm>>
      tpu.enqueue_dma source(%dma_start3A_200 : memref<1x32xf32, #tpu.memory_space<hbm>>) target(%dma_start3A_198 : memref<1x32xf32, #tpu.memory_space<vmem>>) target_semaphore(%arg10 : memref<!tpu.dma_semaphore, #tpu.memory_space<semaphore_mem>>)
      %slice3A_201 = vector.extract_strided_slice %get3A_131 {offsets = [6], sizes = [1], strides = [1]} : vector<16xi32> to vector<1xi32>
      %squeeze3A_202 = vector.extract %slice3A_201[0] : i32 from vector<1xi32>
      %add3A_203 = arith.constant 6 : i32
      %add3A_204 = arith.addi %add3A_129, %add3A_203 : i32
      %dma_start3A_205 = arith.constant 0 : i32
      %dma_start3A_206 = tpu.memref_slice %arg9[%add3A_204, %dma_start3A_205] : memref<272x32xf32, #tpu.memory_space<vmem>> -> memref<1x32xf32, #tpu.memory_space<vmem>>
      %dma_start3A_207 = arith.constant 0 : i32
      %dma_start3A_208 = tpu.memref_slice %arg3[%squeeze3A_202, %dma_start3A_207] : memref<1000000x32xf32, #tpu.memory_space<hbm>> -> memref<1x32xf32, #tpu.memory_space<hbm>>
      %dma_start3A_209 = arith.constant 0 : i32
      %dma_start3A_210 = tpu.memref_slice %arg9[%add3A_204, %dma_start3A_209] : memref<272x32xf32, #tpu.memory_space<vmem>> -> memref<1x32xf32, #tpu.memory_space<vmem>>
      %dma_start3A_211 = arith.constant 0 : i32
      %dma_start3A_212 = tpu.memref_slice %arg3[%squeeze3A_202, %dma_start3A_211] : memref<1000000x32xf32, #tpu.memory_space<hbm>> -> memref<1x32xf32, #tpu.memory_space<hbm>>
      tpu.enqueue_dma source(%dma_start3A_212 : memref<1x32xf32, #tpu.memory_space<hbm>>) target(%dma_start3A_210 : memref<1x32xf32, #tpu.memory_space<vmem>>) target_semaphore(%arg10 : memref<!tpu.dma_semaphore, #tpu.memory_space<semaphore_mem>>)
      %slice3A_213 = vector.extract_strided_slice %get3A_131 {offsets = [7], sizes = [1], strides = [1]} : vector<16xi32> to vector<1xi32>
      %squeeze3A_214 = vector.extract %slice3A_213[0] : i32 from vector<1xi32>
      %add3A_215 = arith.constant 7 : i32
      %add3A_216 = arith.addi %add3A_129, %add3A_215 : i32
      %dma_start3A_217 = arith.constant 0 : i32
      %dma_start3A_218 = tpu.memref_slice %arg9[%add3A_216, %dma_start3A_217] : memref<272x32xf32, #tpu.memory_space<vmem>> -> memref<1x32xf32, #tpu.memory_space<vmem>>
      %dma_start3A_219 = arith.constant 0 : i32
      %dma_start3A_220 = tpu.memref_slice %arg3[%squeeze3A_214, %dma_start3A_219] : memref<1000000x32xf32, #tpu.memory_space<hbm>> -> memref<1x32xf32, #tpu.memory_space<hbm>>
      %dma_start3A_221 = arith.constant 0 : i32
      %dma_start3A_222 = tpu.memref_slice %arg9[%add3A_216, %dma_start3A_221] : memref<272x32xf32, #tpu.memory_space<vmem>> -> memref<1x32xf32, #tpu.memory_space<vmem>>
      %dma_start3A_223 = arith.constant 0 : i32
      %dma_start3A_224 = tpu.memref_slice %arg3[%squeeze3A_214, %dma_start3A_223] : memref<1000000x32xf32, #tpu.memory_space<hbm>> -> memref<1x32xf32, #tpu.memory_space<hbm>>
      tpu.enqueue_dma source(%dma_start3A_224 : memref<1x32xf32, #tpu.memory_space<hbm>>) target(%dma_start3A_222 : memref<1x32xf32, #tpu.memory_space<vmem>>) target_semaphore(%arg10 : memref<!tpu.dma_semaphore, #tpu.memory_space<semaphore_mem>>)
      %slice3A_225 = vector.extract_strided_slice %get3A_131 {offsets = [8], sizes = [1], strides = [1]} : vector<16xi32> to vector<1xi32>
      %squeeze3A_226 = vector.extract %slice3A_225[0] : i32 from vector<1xi32>
      %add3A_227 = arith.constant 8 : i32
      %add3A_228 = arith.addi %add3A_129, %add3A_227 : i32
      %dma_start3A_229 = arith.constant 0 : i32
      %dma_start3A_230 = tpu.memref_slice %arg9[%add3A_228, %dma_start3A_229] : memref<272x32xf32, #tpu.memory_space<vmem>> -> memref<1x32xf32, #tpu.memory_space<vmem>>
      %dma_start3A_231 = arith.constant 0 : i32
      %dma_start3A_232 = tpu.memref_slice %arg3[%squeeze3A_226, %dma_start3A_231] : memref<1000000x32xf32, #tpu.memory_space<hbm>> -> memref<1x32xf32, #tpu.memory_space<hbm>>
      %dma_start3A_233 = arith.constant 0 : i32
      %dma_start3A_234 = tpu.memref_slice %arg9[%add3A_228, %dma_start3A_233] : memref<272x32xf32, #tpu.memory_space<vmem>> -> memref<1x32xf32, #tpu.memory_space<vmem>>
      %dma_start3A_235 = arith.constant 0 : i32
      %dma_start3A_236 = tpu.memref_slice %arg3[%squeeze3A_226, %dma_start3A_235] : memref<1000000x32xf32, #tpu.memory_space<hbm>> -> memref<1x32xf32, #tpu.memory_space<hbm>>
      tpu.enqueue_dma source(%dma_start3A_236 : memref<1x32xf32, #tpu.memory_space<hbm>>) target(%dma_start3A_234 : memref<1x32xf32, #tpu.memory_space<vmem>>) target_semaphore(%arg10 : memref<!tpu.dma_semaphore, #tpu.memory_space<semaphore_mem>>)
      %slice3A_237 = vector.extract_strided_slice %get3A_131 {offsets = [9], sizes = [1], strides = [1]} : vector<16xi32> to vector<1xi32>
      %squeeze3A_238 = vector.extract %slice3A_237[0] : i32 from vector<1xi32>
      %add3A_239 = arith.constant 9 : i32
      %add3A_240 = arith.addi %add3A_129, %add3A_239 : i32
      %dma_start3A_241 = arith.constant 0 : i32
      %dma_start3A_242 = tpu.memref_slice %arg9[%add3A_240, %dma_start3A_241] : memref<272x32xf32, #tpu.memory_space<vmem>> -> memref<1x32xf32, #tpu.memory_space<vmem>>
      %dma_start3A_243 = arith.constant 0 : i32
      %dma_start3A_244 = tpu.memref_slice %arg3[%squeeze3A_238, %dma_start3A_243] : memref<1000000x32xf32, #tpu.memory_space<hbm>> -> memref<1x32xf32, #tpu.memory_space<hbm>>
      %dma_start3A_245 = arith.constant 0 : i32
      %dma_start3A_246 = tpu.memref_slice %arg9[%add3A_240, %dma_start3A_245] : memref<272x32xf32, #tpu.memory_space<vmem>> -> memref<1x32xf32, #tpu.memory_space<vmem>>
      %dma_start3A_247 = arith.constant 0 : i32
      %dma_start3A_248 = tpu.memref_slice %arg3[%squeeze3A_238, %dma_start3A_247] : memref<1000000x32xf32, #tpu.memory_space<hbm>> -> memref<1x32xf32, #tpu.memory_space<hbm>>
      tpu.enqueue_dma source(%dma_start3A_248 : memref<1x32xf32, #tpu.memory_space<hbm>>) target(%dma_start3A_246 : memref<1x32xf32, #tpu.memory_space<vmem>>) target_semaphore(%arg10 : memref<!tpu.dma_semaphore, #tpu.memory_space<semaphore_mem>>)
      %slice3A_249 = vector.extract_strided_slice %get3A_131 {offsets = [10], sizes = [1], strides = [1]} : vector<16xi32> to vector<1xi32>
      %squeeze3A_250 = vector.extract %slice3A_249[0] : i32 from vector<1xi32>
      %add3A_251 = arith.constant 10 : i32
      %add3A_252 = arith.addi %add3A_129, %add3A_251 : i32
      %dma_start3A_253 = arith.constant 0 : i32
      %dma_start3A_254 = tpu.memref_slice %arg9[%add3A_252, %dma_start3A_253] : memref<272x32xf32, #tpu.memory_space<vmem>> -> memref<1x32xf32, #tpu.memory_space<vmem>>
      %dma_start3A_255 = arith.constant 0 : i32
      %dma_start3A_256 = tpu.memref_slice %arg3[%squeeze3A_250, %dma_start3A_255] : memref<1000000x32xf32, #tpu.memory_space<hbm>> -> memref<1x32xf32, #tpu.memory_space<hbm>>
      %dma_start3A_257 = arith.constant 0 : i32
      %dma_start3A_258 = tpu.memref_slice %arg9[%add3A_252, %dma_start3A_257] : memref<272x32xf32, #tpu.memory_space<vmem>> -> memref<1x32xf32, #tpu.memory_space<vmem>>
      %dma_start3A_259 = arith.constant 0 : i32
      %dma_start3A_260 = tpu.memref_slice %arg3[%squeeze3A_250, %dma_start3A_259] : memref<1000000x32xf32, #tpu.memory_space<hbm>> -> memref<1x32xf32, #tpu.memory_space<hbm>>
      tpu.enqueue_dma source(%dma_start3A_260 : memref<1x32xf32, #tpu.memory_space<hbm>>) target(%dma_start3A_258 : memref<1x32xf32, #tpu.memory_space<vmem>>) target_semaphore(%arg10 : memref<!tpu.dma_semaphore, #tpu.memory_space<semaphore_mem>>)
      %slice3A_261 = vector.extract_strided_slice %get3A_131 {offsets = [11], sizes = [1], strides = [1]} : vector<16xi32> to vector<1xi32>
      %squeeze3A_262 = vector.extract %slice3A_261[0] : i32 from vector<1xi32>
      %add3A_263 = arith.constant 11 : i32
      %add3A_264 = arith.addi %add3A_129, %add3A_263 : i32
      %dma_start3A_265 = arith.constant 0 : i32
      %dma_start3A_266 = tpu.memref_slice %arg9[%add3A_264, %dma_start3A_265] : memref<272x32xf32, #tpu.memory_space<vmem>> -> memref<1x32xf32, #tpu.memory_space<vmem>>
      %dma_start3A_267 = arith.constant 0 : i32
      %dma_start3A_268 = tpu.memref_slice %arg3[%squeeze3A_262, %dma_start3A_267] : memref<1000000x32xf32, #tpu.memory_space<hbm>> -> memref<1x32xf32, #tpu.memory_space<hbm>>
      %dma_start3A_269 = arith.constant 0 : i32
      %dma_start3A_270 = tpu.memref_slice %arg9[%add3A_264, %dma_start3A_269] : memref<272x32xf32, #tpu.memory_space<vmem>> -> memref<1x32xf32, #tpu.memory_space<vmem>>
      %dma_start3A_271 = arith.constant 0 : i32
      %dma_start3A_272 = tpu.memref_slice %arg3[%squeeze3A_262, %dma_start3A_271] : memref<1000000x32xf32, #tpu.memory_space<hbm>> -> memref<1x32xf32, #tpu.memory_space<hbm>>
      tpu.enqueue_dma source(%dma_start3A_272 : memref<1x32xf32, #tpu.memory_space<hbm>>) target(%dma_start3A_270 : memref<1x32xf32, #tpu.memory_space<vmem>>) target_semaphore(%arg10 : memref<!tpu.dma_semaphore, #tpu.memory_space<semaphore_mem>>)
      %slice3A_273 = vector.extract_strided_slice %get3A_131 {offsets = [12], sizes = [1], strides = [1]} : vector<16xi32> to vector<1xi32>
      %squeeze3A_274 = vector.extract %slice3A_273[0] : i32 from vector<1xi32>
      %add3A_275 = arith.constant 12 : i32
      %add3A_276 = arith.addi %add3A_129, %add3A_275 : i32
      %dma_start3A_277 = arith.constant 0 : i32
      %dma_start3A_278 = tpu.memref_slice %arg9[%add3A_276, %dma_start3A_277] : memref<272x32xf32, #tpu.memory_space<vmem>> -> memref<1x32xf32, #tpu.memory_space<vmem>>
      %dma_start3A_279 = arith.constant 0 : i32
      %dma_start3A_280 = tpu.memref_slice %arg3[%squeeze3A_274, %dma_start3A_279] : memref<1000000x32xf32, #tpu.memory_space<hbm>> -> memref<1x32xf32, #tpu.memory_space<hbm>>
      %dma_start3A_281 = arith.constant 0 : i32
      %dma_start3A_282 = tpu.memref_slice %arg9[%add3A_276, %dma_start3A_281] : memref<272x32xf32, #tpu.memory_space<vmem>> -> memref<1x32xf32, #tpu.memory_space<vmem>>
      %dma_start3A_283 = arith.constant 0 : i32
      %dma_start3A_284 = tpu.memref_slice %arg3[%squeeze3A_274, %dma_start3A_283] : memref<1000000x32xf32, #tpu.memory_space<hbm>> -> memref<1x32xf32, #tpu.memory_space<hbm>>
      tpu.enqueue_dma source(%dma_start3A_284 : memref<1x32xf32, #tpu.memory_space<hbm>>) target(%dma_start3A_282 : memref<1x32xf32, #tpu.memory_space<vmem>>) target_semaphore(%arg10 : memref<!tpu.dma_semaphore, #tpu.memory_space<semaphore_mem>>)
      %slice3A_285 = vector.extract_strided_slice %get3A_131 {offsets = [13], sizes = [1], strides = [1]} : vector<16xi32> to vector<1xi32>
      %squeeze3A_286 = vector.extract %slice3A_285[0] : i32 from vector<1xi32>
      %add3A_287 = arith.constant 13 : i32
      %add3A_288 = arith.addi %add3A_129, %add3A_287 : i32
      %dma_start3A_289 = arith.constant 0 : i32
      %dma_start3A_290 = tpu.memref_slice %arg9[%add3A_288, %dma_start3A_289] : memref<272x32xf32, #tpu.memory_space<vmem>> -> memref<1x32xf32, #tpu.memory_space<vmem>>
      %dma_start3A_291 = arith.constant 0 : i32
      %dma_start3A_292 = tpu.memref_slice %arg3[%squeeze3A_286, %dma_start3A_291] : memref<1000000x32xf32, #tpu.memory_space<hbm>> -> memref<1x32xf32, #tpu.memory_space<hbm>>
      %dma_start3A_293 = arith.constant 0 : i32
      %dma_start3A_294 = tpu.memref_slice %arg9[%add3A_288, %dma_start3A_293] : memref<272x32xf32, #tpu.memory_space<vmem>> -> memref<1x32xf32, #tpu.memory_space<vmem>>
      %dma_start3A_295 = arith.constant 0 : i32
      %dma_start3A_296 = tpu.memref_slice %arg3[%squeeze3A_286, %dma_start3A_295] : memref<1000000x32xf32, #tpu.memory_space<hbm>> -> memref<1x32xf32, #tpu.memory_space<hbm>>
      tpu.enqueue_dma source(%dma_start3A_296 : memref<1x32xf32, #tpu.memory_space<hbm>>) target(%dma_start3A_294 : memref<1x32xf32, #tpu.memory_space<vmem>>) target_semaphore(%arg10 : memref<!tpu.dma_semaphore, #tpu.memory_space<semaphore_mem>>)
      %slice3A_297 = vector.extract_strided_slice %get3A_131 {offsets = [14], sizes = [1], strides = [1]} : vector<16xi32> to vector<1xi32>
      %squeeze3A_298 = vector.extract %slice3A_297[0] : i32 from vector<1xi32>
      %add3A_299 = arith.constant 14 : i32
      %add3A_300 = arith.addi %add3A_129, %add3A_299 : i32
      %dma_start3A_301 = arith.constant 0 : i32
      %dma_start3A_302 = tpu.memref_slice %arg9[%add3A_300, %dma_start3A_301] : memref<272x32xf32, #tpu.memory_space<vmem>> -> memref<1x32xf32, #tpu.memory_space<vmem>>
      %dma_start3A_303 = arith.constant 0 : i32
      %dma_start3A_304 = tpu.memref_slice %arg3[%squeeze3A_298, %dma_start3A_303] : memref<1000000x32xf32, #tpu.memory_space<hbm>> -> memref<1x32xf32, #tpu.memory_space<hbm>>
      %dma_start3A_305 = arith.constant 0 : i32
      %dma_start3A_306 = tpu.memref_slice %arg9[%add3A_300, %dma_start3A_305] : memref<272x32xf32, #tpu.memory_space<vmem>> -> memref<1x32xf32, #tpu.memory_space<vmem>>
      %dma_start3A_307 = arith.constant 0 : i32
      %dma_start3A_308 = tpu.memref_slice %arg3[%squeeze3A_298, %dma_start3A_307] : memref<1000000x32xf32, #tpu.memory_space<hbm>> -> memref<1x32xf32, #tpu.memory_space<hbm>>
      tpu.enqueue_dma source(%dma_start3A_308 : memref<1x32xf32, #tpu.memory_space<hbm>>) target(%dma_start3A_306 : memref<1x32xf32, #tpu.memory_space<vmem>>) target_semaphore(%arg10 : memref<!tpu.dma_semaphore, #tpu.memory_space<semaphore_mem>>)
      %slice3A_309 = vector.extract_strided_slice %get3A_131 {offsets = [15], sizes = [1], strides = [1]} : vector<16xi32> to vector<1xi32>
      %squeeze3A_310 = vector.extract %slice3A_309[0] : i32 from vector<1xi32>
      %add3A_311 = arith.constant 15 : i32
      %add3A_312 = arith.addi %add3A_129, %add3A_311 : i32
      %dma_start3A_313 = arith.constant 0 : i32
      %dma_start3A_314 = tpu.memref_slice %arg9[%add3A_312, %dma_start3A_313] : memref<272x32xf32, #tpu.memory_space<vmem>> -> memref<1x32xf32, #tpu.memory_space<vmem>>
      %dma_start3A_315 = arith.constant 0 : i32
      %dma_start3A_316 = tpu.memref_slice %arg3[%squeeze3A_310, %dma_start3A_315] : memref<1000000x32xf32, #tpu.memory_space<hbm>> -> memref<1x32xf32, #tpu.memory_space<hbm>>
      %dma_start3A_317 = arith.constant 0 : i32
      %dma_start3A_318 = tpu.memref_slice %arg9[%add3A_312, %dma_start3A_317] : memref<272x32xf32, #tpu.memory_space<vmem>> -> memref<1x32xf32, #tpu.memory_space<vmem>>
      %dma_start3A_319 = arith.constant 0 : i32
      %dma_start3A_320 = tpu.memref_slice %arg3[%squeeze3A_310, %dma_start3A_319] : memref<1000000x32xf32, #tpu.memory_space<hbm>> -> memref<1x32xf32, #tpu.memory_space<hbm>>
      tpu.enqueue_dma source(%dma_start3A_320 : memref<1x32xf32, #tpu.memory_space<hbm>>) target(%dma_start3A_318 : memref<1x32xf32, #tpu.memory_space<vmem>>) target_semaphore(%arg10 : memref<!tpu.dma_semaphore, #tpu.memory_space<semaphore_mem>>)
    }
    %scan3A_49 = arith.constant 17 : i32
    %dma_wait3A_50 = arith.constant 0 : i32
    %dma_wait3A_51 = arith.constant 0 : i32
    %dma_wait3A_52 = tpu.memref_slice %arg9[%dma_wait3A_50, %dma_wait3A_51] : memref<272x32xf32, #tpu.memory_space<vmem>> -> memref<272x32xf32, #tpu.memory_space<vmem>>
    %dma_wait3A_53 = arith.constant 0 : i32
    %dma_wait3A_54 = arith.constant 0 : i32
    %dma_wait3A_55 = tpu.memref_slice %arg3[%dma_wait3A_53, %dma_wait3A_54] : memref<1000000x32xf32, #tpu.memory_space<hbm>> -> memref<272x32xf32, #tpu.memory_space<hbm>>
    %dma_wait3A_56 = arith.constant 0 : i32
    %dma_wait3A_57 = arith.constant 0 : i32
    %dma_wait3A_58 = tpu.memref_slice %arg9[%dma_wait3A_56, %dma_wait3A_57] : memref<272x32xf32, #tpu.memory_space<vmem>> -> memref<272x32xf32, #tpu.memory_space<vmem>>
    %dma_wait3A_59 = arith.constant 0 : i32
    %dma_wait3A_60 = arith.constant 0 : i32
    %dma_wait3A_61 = tpu.memref_slice %arg3[%dma_wait3A_59, %dma_wait3A_60] : memref<1000000x32xf32, #tpu.memory_space<hbm>> -> memref<272x32xf32, #tpu.memory_space<hbm>>
    tpu.wait_dma2 semaphore(%arg10 : memref<!tpu.dma_semaphore, #tpu.memory_space<semaphore_mem>>) src(%dma_wait3A_61 : memref<272x32xf32, #tpu.memory_space<hbm>>) dst(%dma_wait3A_58 : memref<272x32xf32, #tpu.memory_space<vmem>>)
    "tpu.region"() ({
      %run_scoped3A = tpu.sem_alloc : memref<!tpu.dma_semaphore, #tpu.memory_space<semaphore_mem>>
      %dma_start3A = arith.constant 0 : i32
      %dma_start3A_125 = arith.constant 0 : i32
      %dma_start3A_126 = tpu.memref_slice %arg9[%dma_start3A, %dma_start3A_125] : memref<272x32xf32, #tpu.memory_space<vmem>> -> memref<272x32xf32, #tpu.memory_space<vmem>>
      %dma_start3A_127 = arith.constant 0 : i32
      %dma_start3A_128 = tpu.memref_slice %arg7[%add3A_44, %dma_start3A_127] : memref<34816x32xf32, #tpu.memory_space<hbm>> -> memref<272x32xf32, #tpu.memory_space<hbm>>
      %dma_start3A_129 = arith.constant 0 : i32
      %dma_start3A_130 = tpu.memref_slice %arg7[%add3A_44, %dma_start3A_129] : memref<34816x32xf32, #tpu.memory_space<hbm>> -> memref<272x32xf32, #tpu.memory_space<hbm>>
      %dma_start3A_131 = arith.constant 0 : i32
      %dma_start3A_132 = arith.constant 0 : i32
      %dma_start3A_133 = tpu.memref_slice %arg9[%dma_start3A_131, %dma_start3A_132] : memref<272x32xf32, #tpu.memory_space<vmem>> -> memref<272x32xf32, #tpu.memory_space<vmem>>
      tpu.enqueue_dma source(%dma_start3A_133 : memref<272x32xf32, #tpu.memory_space<vmem>>) target(%dma_start3A_130 : memref<272x32xf32, #tpu.memory_space<hbm>>) target_semaphore(%run_scoped3A : memref<!tpu.dma_semaphore, #tpu.memory_space<semaphore_mem>>)
      %dma_wait3A_134 = arith.constant 0 : i32
      %dma_wait3A_135 = arith.constant 0 : i32
      %dma_wait3A_136 = tpu.memref_slice %arg9[%dma_wait3A_134, %dma_wait3A_135] : memref<272x32xf32, #tpu.memory_space<vmem>> -> memref<272x32xf32, #tpu.memory_space<vmem>>
      %dma_wait3A_137 = arith.constant 0 : i32
      %dma_wait3A_138 = tpu.memref_slice %arg7[%add3A_44, %dma_wait3A_137] : memref<34816x32xf32, #tpu.memory_space<hbm>> -> memref<272x32xf32, #tpu.memory_space<hbm>>
      %dma_wait3A_139 = arith.constant 0 : i32
      %dma_wait3A_140 = tpu.memref_slice %arg7[%add3A_44, %dma_wait3A_139] : memref<34816x32xf32, #tpu.memory_space<hbm>> -> memref<272x32xf32, #tpu.memory_space<hbm>>
      %dma_wait3A_141 = arith.constant 0 : i32
      %dma_wait3A_142 = arith.constant 0 : i32
      %dma_wait3A_143 = tpu.memref_slice %arg9[%dma_wait3A_141, %dma_wait3A_142] : memref<272x32xf32, #tpu.memory_space<vmem>> -> memref<272x32xf32, #tpu.memory_space<vmem>>
      tpu.wait_dma2 semaphore(%run_scoped3A : memref<!tpu.dma_semaphore, #tpu.memory_space<semaphore_mem>>) src(%dma_wait3A_143 : memref<272x32xf32, #tpu.memory_space<vmem>>) dst(%dma_wait3A_140 : memref<272x32xf32, #tpu.memory_space<hbm>>)
      tpu.yield
    }) : () -> ()
    %mul3A_62 = arith.constant 1088 : i32
    %mul3A_63 = arith.muli %add3A, %mul3A_62 : i32
    %add3A_64 = arith.constant 272 : i32
    %add3A_65 = arith.addi %mul3A_63, %add3A_64 : i32
    "tpu.region"() ({
      %run_scoped3A = tpu.sem_alloc : memref<!tpu.dma_semaphore, #tpu.memory_space<semaphore_mem>>
      %dma_start3A = arith.constant 0 : i32
      %dma_start3A_125 = tpu.memref_slice %arg8[%dma_start3A] : memref<272xi32, #tpu.memory_space<vmem>> -> memref<272xi32, #tpu.memory_space<vmem>>
      %dma_start3A_126 = tpu.memref_slice %arg5[%add3A_65] : memref<34816xi32, #tpu.memory_space<hbm>> -> memref<272xi32, #tpu.memory_space<hbm>>
      %dma_start3A_127 = arith.constant 0 : i32
      %dma_start3A_128 = tpu.memref_slice %arg8[%dma_start3A_127] : memref<272xi32, #tpu.memory_space<vmem>> -> memref<272xi32, #tpu.memory_space<vmem>>
      %dma_start3A_129 = tpu.memref_slice %arg5[%add3A_65] : memref<34816xi32, #tpu.memory_space<hbm>> -> memref<272xi32, #tpu.memory_space<hbm>>
      tpu.enqueue_dma source(%dma_start3A_129 : memref<272xi32, #tpu.memory_space<hbm>>) target(%dma_start3A_128 : memref<272xi32, #tpu.memory_space<vmem>>) target_semaphore(%run_scoped3A : memref<!tpu.dma_semaphore, #tpu.memory_space<semaphore_mem>>)
      %dma_wait3A_130 = arith.constant 0 : i32
      %dma_wait3A_131 = tpu.memref_slice %arg8[%dma_wait3A_130] : memref<272xi32, #tpu.memory_space<vmem>> -> memref<272xi32, #tpu.memory_space<vmem>>
      %dma_wait3A_132 = tpu.memref_slice %arg5[%add3A_65] : memref<34816xi32, #tpu.memory_space<hbm>> -> memref<272xi32, #tpu.memory_space<hbm>>
      %dma_wait3A_133 = arith.constant 0 : i32
      %dma_wait3A_134 = tpu.memref_slice %arg8[%dma_wait3A_133] : memref<272xi32, #tpu.memory_space<vmem>> -> memref<272xi32, #tpu.memory_space<vmem>>
      %dma_wait3A_135 = tpu.memref_slice %arg5[%add3A_65] : memref<34816xi32, #tpu.memory_space<hbm>> -> memref<272xi32, #tpu.memory_space<hbm>>
      tpu.wait_dma2 semaphore(%run_scoped3A : memref<!tpu.dma_semaphore, #tpu.memory_space<semaphore_mem>>) src(%dma_wait3A_135 : memref<272xi32, #tpu.memory_space<hbm>>) dst(%dma_wait3A_134 : memref<272xi32, #tpu.memory_space<vmem>>)
      tpu.yield
    }) : () -> ()
    %scan3A_66 = arith.constant 0 : i32
    %scan3A_67 = arith.constant 17 : i32
    %scan3A_68 = arith.addi %scan3A_66, %scan3A_67 : i32
    %scan3A_69 = arith.constant 1 : i32
    scf.for %scan3A_125 = %scan3A_66 to %scan3A_68 step %scan3A_69  : i32 {
      %mul3A_126 = arith.constant 16 : i32
      %mul3A_127 = arith.muli %scan3A_125, %mul3A_126 : i32
      %add3A_128 = arith.constant 0 : i32
      %add3A_129 = arith.addi %add3A_128, %mul3A_127 : i32
      %get3A = arith.index_cast %add3A_129 : i32 to index
      %get3A_130 = tpu.vector_load %arg8[%get3A] {strides = array<i32>} : memref<272xi32, #tpu.memory_space<vmem>>, vector<16xi32>,
      %get3A_131 = vector.shape_cast %get3A_130 : vector<16xi32> to vector<16xi32>
      %slice3A = vector.extract_strided_slice %get3A_131 {offsets = [0], sizes = [1], strides = [1]} : vector<16xi32> to vector<1xi32>
      %squeeze3A = vector.extract %slice3A[0] : i32 from vector<1xi32>
      %add3A_132 = arith.constant 0 : i32
      %add3A_133 = arith.addi %add3A_129, %add3A_132 : i32
      %dma_start3A = arith.constant 0 : i32
      %dma_start3A_134 = tpu.memref_slice %arg9[%add3A_133, %dma_start3A] : memref<272x32xf32, #tpu.memory_space<vmem>> -> memref<1x32xf32, #tpu.memory_space<vmem>>
      %dma_start3A_135 = arith.constant 0 : i32
      %dma_start3A_136 = tpu.memref_slice %arg3[%squeeze3A, %dma_start3A_135] : memref<1000000x32xf32, #tpu.memory_space<hbm>> -> memref<1x32xf32, #tpu.memory_space<hbm>>
      %dma_start3A_137 = arith.constant 0 : i32
      %dma_start3A_138 = tpu.memref_slice %arg9[%add3A_133, %dma_start3A_137] : memref<272x32xf32, #tpu.memory_space<vmem>> -> memref<1x32xf32, #tpu.memory_space<vmem>>
      %dma_start3A_139 = arith.constant 0 : i32
      %dma_start3A_140 = tpu.memref_slice %arg3[%squeeze3A, %dma_start3A_139] : memref<1000000x32xf32, #tpu.memory_space<hbm>> -> memref<1x32xf32, #tpu.memory_space<hbm>>
      tpu.enqueue_dma source(%dma_start3A_140 : memref<1x32xf32, #tpu.memory_space<hbm>>) target(%dma_start3A_138 : memref<1x32xf32, #tpu.memory_space<vmem>>) target_semaphore(%arg10 : memref<!tpu.dma_semaphore, #tpu.memory_space<semaphore_mem>>)
      %slice3A_141 = vector.extract_strided_slice %get3A_131 {offsets = [1], sizes = [1], strides = [1]} : vector<16xi32> to vector<1xi32>
      %squeeze3A_142 = vector.extract %slice3A_141[0] : i32 from vector<1xi32>
      %add3A_143 = arith.constant 1 : i32
      %add3A_144 = arith.addi %add3A_129, %add3A_143 : i32
      %dma_start3A_145 = arith.constant 0 : i32
      %dma_start3A_146 = tpu.memref_slice %arg9[%add3A_144, %dma_start3A_145] : memref<272x32xf32, #tpu.memory_space<vmem>> -> memref<1x32xf32, #tpu.memory_space<vmem>>
      %dma_start3A_147 = arith.constant 0 : i32
      %dma_start3A_148 = tpu.memref_slice %arg3[%squeeze3A_142, %dma_start3A_147] : memref<1000000x32xf32, #tpu.memory_space<hbm>> -> memref<1x32xf32, #tpu.memory_space<hbm>>
      %dma_start3A_149 = arith.constant 0 : i32
      %dma_start3A_150 = tpu.memref_slice %arg9[%add3A_144, %dma_start3A_149] : memref<272x32xf32, #tpu.memory_space<vmem>> -> memref<1x32xf32, #tpu.memory_space<vmem>>
      %dma_start3A_151 = arith.constant 0 : i32
      %dma_start3A_152 = tpu.memref_slice %arg3[%squeeze3A_142, %dma_start3A_151] : memref<1000000x32xf32, #tpu.memory_space<hbm>> -> memref<1x32xf32, #tpu.memory_space<hbm>>
      tpu.enqueue_dma source(%dma_start3A_152 : memref<1x32xf32, #tpu.memory_space<hbm>>) target(%dma_start3A_150 : memref<1x32xf32, #tpu.memory_space<vmem>>) target_semaphore(%arg10 : memref<!tpu.dma_semaphore, #tpu.memory_space<semaphore_mem>>)
      %slice3A_153 = vector.extract_strided_slice %get3A_131 {offsets = [2], sizes = [1], strides = [1]} : vector<16xi32> to vector<1xi32>
      %squeeze3A_154 = vector.extract %slice3A_153[0] : i32 from vector<1xi32>
      %add3A_155 = arith.constant 2 : i32
      %add3A_156 = arith.addi %add3A_129, %add3A_155 : i32
      %dma_start3A_157 = arith.constant 0 : i32
      %dma_start3A_158 = tpu.memref_slice %arg9[%add3A_156, %dma_start3A_157] : memref<272x32xf32, #tpu.memory_space<vmem>> -> memref<1x32xf32, #tpu.memory_space<vmem>>
      %dma_start3A_159 = arith.constant 0 : i32
      %dma_start3A_160 = tpu.memref_slice %arg3[%squeeze3A_154, %dma_start3A_159] : memref<1000000x32xf32, #tpu.memory_space<hbm>> -> memref<1x32xf32, #tpu.memory_space<hbm>>
      %dma_start3A_161 = arith.constant 0 : i32
      %dma_start3A_162 = tpu.memref_slice %arg9[%add3A_156, %dma_start3A_161] : memref<272x32xf32, #tpu.memory_space<vmem>> -> memref<1x32xf32, #tpu.memory_space<vmem>>
      %dma_start3A_163 = arith.constant 0 : i32
      %dma_start3A_164 = tpu.memref_slice %arg3[%squeeze3A_154, %dma_start3A_163] : memref<1000000x32xf32, #tpu.memory_space<hbm>> -> memref<1x32xf32, #tpu.memory_space<hbm>>
      tpu.enqueue_dma source(%dma_start3A_164 : memref<1x32xf32, #tpu.memory_space<hbm>>) target(%dma_start3A_162 : memref<1x32xf32, #tpu.memory_space<vmem>>) target_semaphore(%arg10 : memref<!tpu.dma_semaphore, #tpu.memory_space<semaphore_mem>>)
      %slice3A_165 = vector.extract_strided_slice %get3A_131 {offsets = [3], sizes = [1], strides = [1]} : vector<16xi32> to vector<1xi32>
      %squeeze3A_166 = vector.extract %slice3A_165[0] : i32 from vector<1xi32>
      %add3A_167 = arith.constant 3 : i32
      %add3A_168 = arith.addi %add3A_129, %add3A_167 : i32
      %dma_start3A_169 = arith.constant 0 : i32
      %dma_start3A_170 = tpu.memref_slice %arg9[%add3A_168, %dma_start3A_169] : memref<272x32xf32, #tpu.memory_space<vmem>> -> memref<1x32xf32, #tpu.memory_space<vmem>>
      %dma_start3A_171 = arith.constant 0 : i32
      %dma_start3A_172 = tpu.memref_slice %arg3[%squeeze3A_166, %dma_start3A_171] : memref<1000000x32xf32, #tpu.memory_space<hbm>> -> memref<1x32xf32, #tpu.memory_space<hbm>>
      %dma_start3A_173 = arith.constant 0 : i32
      %dma_start3A_174 = tpu.memref_slice %arg9[%add3A_168, %dma_start3A_173] : memref<272x32xf32, #tpu.memory_space<vmem>> -> memref<1x32xf32, #tpu.memory_space<vmem>>
      %dma_start3A_175 = arith.constant 0 : i32
      %dma_start3A_176 = tpu.memref_slice %arg3[%squeeze3A_166, %dma_start3A_175] : memref<1000000x32xf32, #tpu.memory_space<hbm>> -> memref<1x32xf32, #tpu.memory_space<hbm>>
      tpu.enqueue_dma source(%dma_start3A_176 : memref<1x32xf32, #tpu.memory_space<hbm>>) target(%dma_start3A_174 : memref<1x32xf32, #tpu.memory_space<vmem>>) target_semaphore(%arg10 : memref<!tpu.dma_semaphore, #tpu.memory_space<semaphore_mem>>)
      %slice3A_177 = vector.extract_strided_slice %get3A_131 {offsets = [4], sizes = [1], strides = [1]} : vector<16xi32> to vector<1xi32>
      %squeeze3A_178 = vector.extract %slice3A_177[0] : i32 from vector<1xi32>
      %add3A_179 = arith.constant 4 : i32
      %add3A_180 = arith.addi %add3A_129, %add3A_179 : i32
      %dma_start3A_181 = arith.constant 0 : i32
      %dma_start3A_182 = tpu.memref_slice %arg9[%add3A_180, %dma_start3A_181] : memref<272x32xf32, #tpu.memory_space<vmem>> -> memref<1x32xf32, #tpu.memory_space<vmem>>
      %dma_start3A_183 = arith.constant 0 : i32
      %dma_start3A_184 = tpu.memref_slice %arg3[%squeeze3A_178, %dma_start3A_183] : memref<1000000x32xf32, #tpu.memory_space<hbm>> -> memref<1x32xf32, #tpu.memory_space<hbm>>
      %dma_start3A_185 = arith.constant 0 : i32
      %dma_start3A_186 = tpu.memref_slice %arg9[%add3A_180, %dma_start3A_185] : memref<272x32xf32, #tpu.memory_space<vmem>> -> memref<1x32xf32, #tpu.memory_space<vmem>>
      %dma_start3A_187 = arith.constant 0 : i32
      %dma_start3A_188 = tpu.memref_slice %arg3[%squeeze3A_178, %dma_start3A_187] : memref<1000000x32xf32, #tpu.memory_space<hbm>> -> memref<1x32xf32, #tpu.memory_space<hbm>>
      tpu.enqueue_dma source(%dma_start3A_188 : memref<1x32xf32, #tpu.memory_space<hbm>>) target(%dma_start3A_186 : memref<1x32xf32, #tpu.memory_space<vmem>>) target_semaphore(%arg10 : memref<!tpu.dma_semaphore, #tpu.memory_space<semaphore_mem>>)
      %slice3A_189 = vector.extract_strided_slice %get3A_131 {offsets = [5], sizes = [1], strides = [1]} : vector<16xi32> to vector<1xi32>
      %squeeze3A_190 = vector.extract %slice3A_189[0] : i32 from vector<1xi32>
      %add3A_191 = arith.constant 5 : i32
      %add3A_192 = arith.addi %add3A_129, %add3A_191 : i32
      %dma_start3A_193 = arith.constant 0 : i32
      %dma_start3A_194 = tpu.memref_slice %arg9[%add3A_192, %dma_start3A_193] : memref<272x32xf32, #tpu.memory_space<vmem>> -> memref<1x32xf32, #tpu.memory_space<vmem>>
      %dma_start3A_195 = arith.constant 0 : i32
      %dma_start3A_196 = tpu.memref_slice %arg3[%squeeze3A_190, %dma_start3A_195] : memref<1000000x32xf32, #tpu.memory_space<hbm>> -> memref<1x32xf32, #tpu.memory_space<hbm>>
      %dma_start3A_197 = arith.constant 0 : i32
      %dma_start3A_198 = tpu.memref_slice %arg9[%add3A_192, %dma_start3A_197] : memref<272x32xf32, #tpu.memory_space<vmem>> -> memref<1x32xf32, #tpu.memory_space<vmem>>
      %dma_start3A_199 = arith.constant 0 : i32
      %dma_start3A_200 = tpu.memref_slice %arg3[%squeeze3A_190, %dma_start3A_199] : memref<1000000x32xf32, #tpu.memory_space<hbm>> -> memref<1x32xf32, #tpu.memory_space<hbm>>
      tpu.enqueue_dma source(%dma_start3A_200 : memref<1x32xf32, #tpu.memory_space<hbm>>) target(%dma_start3A_198 : memref<1x32xf32, #tpu.memory_space<vmem>>) target_semaphore(%arg10 : memref<!tpu.dma_semaphore, #tpu.memory_space<semaphore_mem>>)
      %slice3A_201 = vector.extract_strided_slice %get3A_131 {offsets = [6], sizes = [1], strides = [1]} : vector<16xi32> to vector<1xi32>
      %squeeze3A_202 = vector.extract %slice3A_201[0] : i32 from vector<1xi32>
      %add3A_203 = arith.constant 6 : i32
      %add3A_204 = arith.addi %add3A_129, %add3A_203 : i32
      %dma_start3A_205 = arith.constant 0 : i32
      %dma_start3A_206 = tpu.memref_slice %arg9[%add3A_204, %dma_start3A_205] : memref<272x32xf32, #tpu.memory_space<vmem>> -> memref<1x32xf32, #tpu.memory_space<vmem>>
      %dma_start3A_207 = arith.constant 0 : i32
      %dma_start3A_208 = tpu.memref_slice %arg3[%squeeze3A_202, %dma_start3A_207] : memref<1000000x32xf32, #tpu.memory_space<hbm>> -> memref<1x32xf32, #tpu.memory_space<hbm>>
      %dma_start3A_209 = arith.constant 0 : i32
      %dma_start3A_210 = tpu.memref_slice %arg9[%add3A_204, %dma_start3A_209] : memref<272x32xf32, #tpu.memory_space<vmem>> -> memref<1x32xf32, #tpu.memory_space<vmem>>
      %dma_start3A_211 = arith.constant 0 : i32
      %dma_start3A_212 = tpu.memref_slice %arg3[%squeeze3A_202, %dma_start3A_211] : memref<1000000x32xf32, #tpu.memory_space<hbm>> -> memref<1x32xf32, #tpu.memory_space<hbm>>
      tpu.enqueue_dma source(%dma_start3A_212 : memref<1x32xf32, #tpu.memory_space<hbm>>) target(%dma_start3A_210 : memref<1x32xf32, #tpu.memory_space<vmem>>) target_semaphore(%arg10 : memref<!tpu.dma_semaphore, #tpu.memory_space<semaphore_mem>>)
      %slice3A_213 = vector.extract_strided_slice %get3A_131 {offsets = [7], sizes = [1], strides = [1]} : vector<16xi32> to vector<1xi32>
      %squeeze3A_214 = vector.extract %slice3A_213[0] : i32 from vector<1xi32>
      %add3A_215 = arith.constant 7 : i32
      %add3A_216 = arith.addi %add3A_129, %add3A_215 : i32
      %dma_start3A_217 = arith.constant 0 : i32
      %dma_start3A_218 = tpu.memref_slice %arg9[%add3A_216, %dma_start3A_217] : memref<272x32xf32, #tpu.memory_space<vmem>> -> memref<1x32xf32, #tpu.memory_space<vmem>>
      %dma_start3A_219 = arith.constant 0 : i32
      %dma_start3A_220 = tpu.memref_slice %arg3[%squeeze3A_214, %dma_start3A_219] : memref<1000000x32xf32, #tpu.memory_space<hbm>> -> memref<1x32xf32, #tpu.memory_space<hbm>>
      %dma_start3A_221 = arith.constant 0 : i32
      %dma_start3A_222 = tpu.memref_slice %arg9[%add3A_216, %dma_start3A_221] : memref<272x32xf32, #tpu.memory_space<vmem>> -> memref<1x32xf32, #tpu.memory_space<vmem>>
      %dma_start3A_223 = arith.constant 0 : i32
      %dma_start3A_224 = tpu.memref_slice %arg3[%squeeze3A_214, %dma_start3A_223] : memref<1000000x32xf32, #tpu.memory_space<hbm>> -> memref<1x32xf32, #tpu.memory_space<hbm>>
      tpu.enqueue_dma source(%dma_start3A_224 : memref<1x32xf32, #tpu.memory_space<hbm>>) target(%dma_start3A_222 : memref<1x32xf32, #tpu.memory_space<vmem>>) target_semaphore(%arg10 : memref<!tpu.dma_semaphore, #tpu.memory_space<semaphore_mem>>)
      %slice3A_225 = vector.extract_strided_slice %get3A_131 {offsets = [8], sizes = [1], strides = [1]} : vector<16xi32> to vector<1xi32>
      %squeeze3A_226 = vector.extract %slice3A_225[0] : i32 from vector<1xi32>
      %add3A_227 = arith.constant 8 : i32
      %add3A_228 = arith.addi %add3A_129, %add3A_227 : i32
      %dma_start3A_229 = arith.constant 0 : i32
      %dma_start3A_230 = tpu.memref_slice %arg9[%add3A_228, %dma_start3A_229] : memref<272x32xf32, #tpu.memory_space<vmem>> -> memref<1x32xf32, #tpu.memory_space<vmem>>
      %dma_start3A_231 = arith.constant 0 : i32
      %dma_start3A_232 = tpu.memref_slice %arg3[%squeeze3A_226, %dma_start3A_231] : memref<1000000x32xf32, #tpu.memory_space<hbm>> -> memref<1x32xf32, #tpu.memory_space<hbm>>
      %dma_start3A_233 = arith.constant 0 : i32
      %dma_start3A_234 = tpu.memref_slice %arg9[%add3A_228, %dma_start3A_233] : memref<272x32xf32, #tpu.memory_space<vmem>> -> memref<1x32xf32, #tpu.memory_space<vmem>>
      %dma_start3A_235 = arith.constant 0 : i32
      %dma_start3A_236 = tpu.memref_slice %arg3[%squeeze3A_226, %dma_start3A_235] : memref<1000000x32xf32, #tpu.memory_space<hbm>> -> memref<1x32xf32, #tpu.memory_space<hbm>>
      tpu.enqueue_dma source(%dma_start3A_236 : memref<1x32xf32, #tpu.memory_space<hbm>>) target(%dma_start3A_234 : memref<1x32xf32, #tpu.memory_space<vmem>>) target_semaphore(%arg10 : memref<!tpu.dma_semaphore, #tpu.memory_space<semaphore_mem>>)
      %slice3A_237 = vector.extract_strided_slice %get3A_131 {offsets = [9], sizes = [1], strides = [1]} : vector<16xi32> to vector<1xi32>
      %squeeze3A_238 = vector.extract %slice3A_237[0] : i32 from vector<1xi32>
      %add3A_239 = arith.constant 9 : i32
      %add3A_240 = arith.addi %add3A_129, %add3A_239 : i32
      %dma_start3A_241 = arith.constant 0 : i32
      %dma_start3A_242 = tpu.memref_slice %arg9[%add3A_240, %dma_start3A_241] : memref<272x32xf32, #tpu.memory_space<vmem>> -> memref<1x32xf32, #tpu.memory_space<vmem>>
      %dma_start3A_243 = arith.constant 0 : i32
      %dma_start3A_244 = tpu.memref_slice %arg3[%squeeze3A_238, %dma_start3A_243] : memref<1000000x32xf32, #tpu.memory_space<hbm>> -> memref<1x32xf32, #tpu.memory_space<hbm>>
      %dma_start3A_245 = arith.constant 0 : i32
      %dma_start3A_246 = tpu.memref_slice %arg9[%add3A_240, %dma_start3A_245] : memref<272x32xf32, #tpu.memory_space<vmem>> -> memref<1x32xf32, #tpu.memory_space<vmem>>
      %dma_start3A_247 = arith.constant 0 : i32
      %dma_start3A_248 = tpu.memref_slice %arg3[%squeeze3A_238, %dma_start3A_247] : memref<1000000x32xf32, #tpu.memory_space<hbm>> -> memref<1x32xf32, #tpu.memory_space<hbm>>
      tpu.enqueue_dma source(%dma_start3A_248 : memref<1x32xf32, #tpu.memory_space<hbm>>) target(%dma_start3A_246 : memref<1x32xf32, #tpu.memory_space<vmem>>) target_semaphore(%arg10 : memref<!tpu.dma_semaphore, #tpu.memory_space<semaphore_mem>>)
      %slice3A_249 = vector.extract_strided_slice %get3A_131 {offsets = [10], sizes = [1], strides = [1]} : vector<16xi32> to vector<1xi32>
      %squeeze3A_250 = vector.extract %slice3A_249[0] : i32 from vector<1xi32>
      %add3A_251 = arith.constant 10 : i32
      %add3A_252 = arith.addi %add3A_129, %add3A_251 : i32
      %dma_start3A_253 = arith.constant 0 : i32
      %dma_start3A_254 = tpu.memref_slice %arg9[%add3A_252, %dma_start3A_253] : memref<272x32xf32, #tpu.memory_space<vmem>> -> memref<1x32xf32, #tpu.memory_space<vmem>>
      %dma_start3A_255 = arith.constant 0 : i32
      %dma_start3A_256 = tpu.memref_slice %arg3[%squeeze3A_250, %dma_start3A_255] : memref<1000000x32xf32, #tpu.memory_space<hbm>> -> memref<1x32xf32, #tpu.memory_space<hbm>>
      %dma_start3A_257 = arith.constant 0 : i32
      %dma_start3A_258 = tpu.memref_slice %arg9[%add3A_252, %dma_start3A_257] : memref<272x32xf32, #tpu.memory_space<vmem>> -> memref<1x32xf32, #tpu.memory_space<vmem>>
      %dma_start3A_259 = arith.constant 0 : i32
      %dma_start3A_260 = tpu.memref_slice %arg3[%squeeze3A_250, %dma_start3A_259] : memref<1000000x32xf32, #tpu.memory_space<hbm>> -> memref<1x32xf32, #tpu.memory_space<hbm>>
      tpu.enqueue_dma source(%dma_start3A_260 : memref<1x32xf32, #tpu.memory_space<hbm>>) target(%dma_start3A_258 : memref<1x32xf32, #tpu.memory_space<vmem>>) target_semaphore(%arg10 : memref<!tpu.dma_semaphore, #tpu.memory_space<semaphore_mem>>)
      %slice3A_261 = vector.extract_strided_slice %get3A_131 {offsets = [11], sizes = [1], strides = [1]} : vector<16xi32> to vector<1xi32>
      %squeeze3A_262 = vector.extract %slice3A_261[0] : i32 from vector<1xi32>
      %add3A_263 = arith.constant 11 : i32
      %add3A_264 = arith.addi %add3A_129, %add3A_263 : i32
      %dma_start3A_265 = arith.constant 0 : i32
      %dma_start3A_266 = tpu.memref_slice %arg9[%add3A_264, %dma_start3A_265] : memref<272x32xf32, #tpu.memory_space<vmem>> -> memref<1x32xf32, #tpu.memory_space<vmem>>
      %dma_start3A_267 = arith.constant 0 : i32
      %dma_start3A_268 = tpu.memref_slice %arg3[%squeeze3A_262, %dma_start3A_267] : memref<1000000x32xf32, #tpu.memory_space<hbm>> -> memref<1x32xf32, #tpu.memory_space<hbm>>
      %dma_start3A_269 = arith.constant 0 : i32
      %dma_start3A_270 = tpu.memref_slice %arg9[%add3A_264, %dma_start3A_269] : memref<272x32xf32, #tpu.memory_space<vmem>> -> memref<1x32xf32, #tpu.memory_space<vmem>>
      %dma_start3A_271 = arith.constant 0 : i32
      %dma_start3A_272 = tpu.memref_slice %arg3[%squeeze3A_262, %dma_start3A_271] : memref<1000000x32xf32, #tpu.memory_space<hbm>> -> memref<1x32xf32, #tpu.memory_space<hbm>>
      tpu.enqueue_dma source(%dma_start3A_272 : memref<1x32xf32, #tpu.memory_space<hbm>>) target(%dma_start3A_270 : memref<1x32xf32, #tpu.memory_space<vmem>>) target_semaphore(%arg10 : memref<!tpu.dma_semaphore, #tpu.memory_space<semaphore_mem>>)
      %slice3A_273 = vector.extract_strided_slice %get3A_131 {offsets = [12], sizes = [1], strides = [1]} : vector<16xi32> to vector<1xi32>
      %squeeze3A_274 = vector.extract %slice3A_273[0] : i32 from vector<1xi32>
      %add3A_275 = arith.constant 12 : i32
      %add3A_276 = arith.addi %add3A_129, %add3A_275 : i32
      %dma_start3A_277 = arith.constant 0 : i32
      %dma_start3A_278 = tpu.memref_slice %arg9[%add3A_276, %dma_start3A_277] : memref<272x32xf32, #tpu.memory_space<vmem>> -> memref<1x32xf32, #tpu.memory_space<vmem>>
      %dma_start3A_279 = arith.constant 0 : i32
      %dma_start3A_280 = tpu.memref_slice %arg3[%squeeze3A_274, %dma_start3A_279] : memref<1000000x32xf32, #tpu.memory_space<hbm>> -> memref<1x32xf32, #tpu.memory_space<hbm>>
      %dma_start3A_281 = arith.constant 0 : i32
      %dma_start3A_282 = tpu.memref_slice %arg9[%add3A_276, %dma_start3A_281] : memref<272x32xf32, #tpu.memory_space<vmem>> -> memref<1x32xf32, #tpu.memory_space<vmem>>
      %dma_start3A_283 = arith.constant 0 : i32
      %dma_start3A_284 = tpu.memref_slice %arg3[%squeeze3A_274, %dma_start3A_283] : memref<1000000x32xf32, #tpu.memory_space<hbm>> -> memref<1x32xf32, #tpu.memory_space<hbm>>
      tpu.enqueue_dma source(%dma_start3A_284 : memref<1x32xf32, #tpu.memory_space<hbm>>) target(%dma_start3A_282 : memref<1x32xf32, #tpu.memory_space<vmem>>) target_semaphore(%arg10 : memref<!tpu.dma_semaphore, #tpu.memory_space<semaphore_mem>>)
      %slice3A_285 = vector.extract_strided_slice %get3A_131 {offsets = [13], sizes = [1], strides = [1]} : vector<16xi32> to vector<1xi32>
      %squeeze3A_286 = vector.extract %slice3A_285[0] : i32 from vector<1xi32>
      %add3A_287 = arith.constant 13 : i32
      %add3A_288 = arith.addi %add3A_129, %add3A_287 : i32
      %dma_start3A_289 = arith.constant 0 : i32
      %dma_start3A_290 = tpu.memref_slice %arg9[%add3A_288, %dma_start3A_289] : memref<272x32xf32, #tpu.memory_space<vmem>> -> memref<1x32xf32, #tpu.memory_space<vmem>>
      %dma_start3A_291 = arith.constant 0 : i32
      %dma_start3A_292 = tpu.memref_slice %arg3[%squeeze3A_286, %dma_start3A_291] : memref<1000000x32xf32, #tpu.memory_space<hbm>> -> memref<1x32xf32, #tpu.memory_space<hbm>>
      %dma_start3A_293 = arith.constant 0 : i32
      %dma_start3A_294 = tpu.memref_slice %arg9[%add3A_288, %dma_start3A_293] : memref<272x32xf32, #tpu.memory_space<vmem>> -> memref<1x32xf32, #tpu.memory_space<vmem>>
      %dma_start3A_295 = arith.constant 0 : i32
      %dma_start3A_296 = tpu.memref_slice %arg3[%squeeze3A_286, %dma_start3A_295] : memref<1000000x32xf32, #tpu.memory_space<hbm>> -> memref<1x32xf32, #tpu.memory_space<hbm>>
      tpu.enqueue_dma source(%dma_start3A_296 : memref<1x32xf32, #tpu.memory_space<hbm>>) target(%dma_start3A_294 : memref<1x32xf32, #tpu.memory_space<vmem>>) target_semaphore(%arg10 : memref<!tpu.dma_semaphore, #tpu.memory_space<semaphore_mem>>)
      %slice3A_297 = vector.extract_strided_slice %get3A_131 {offsets = [14], sizes = [1], strides = [1]} : vector<16xi32> to vector<1xi32>
      %squeeze3A_298 = vector.extract %slice3A_297[0] : i32 from vector<1xi32>
      %add3A_299 = arith.constant 14 : i32
      %add3A_300 = arith.addi %add3A_129, %add3A_299 : i32
      %dma_start3A_301 = arith.constant 0 : i32
      %dma_start3A_302 = tpu.memref_slice %arg9[%add3A_300, %dma_start3A_301] : memref<272x32xf32, #tpu.memory_space<vmem>> -> memref<1x32xf32, #tpu.memory_space<vmem>>
      %dma_start3A_303 = arith.constant 0 : i32
      %dma_start3A_304 = tpu.memref_slice %arg3[%squeeze3A_298, %dma_start3A_303] : memref<1000000x32xf32, #tpu.memory_space<hbm>> -> memref<1x32xf32, #tpu.memory_space<hbm>>
      %dma_start3A_305 = arith.constant 0 : i32
      %dma_start3A_306 = tpu.memref_slice %arg9[%add3A_300, %dma_start3A_305] : memref<272x32xf32, #tpu.memory_space<vmem>> -> memref<1x32xf32, #tpu.memory_space<vmem>>
      %dma_start3A_307 = arith.constant 0 : i32
      %dma_start3A_308 = tpu.memref_slice %arg3[%squeeze3A_298, %dma_start3A_307] : memref<1000000x32xf32, #tpu.memory_space<hbm>> -> memref<1x32xf32, #tpu.memory_space<hbm>>
      tpu.enqueue_dma source(%dma_start3A_308 : memref<1x32xf32, #tpu.memory_space<hbm>>) target(%dma_start3A_306 : memref<1x32xf32, #tpu.memory_space<vmem>>) target_semaphore(%arg10 : memref<!tpu.dma_semaphore, #tpu.memory_space<semaphore_mem>>)
      %slice3A_309 = vector.extract_strided_slice %get3A_131 {offsets = [15], sizes = [1], strides = [1]} : vector<16xi32> to vector<1xi32>
      %squeeze3A_310 = vector.extract %slice3A_309[0] : i32 from vector<1xi32>
      %add3A_311 = arith.constant 15 : i32
      %add3A_312 = arith.addi %add3A_129, %add3A_311 : i32
      %dma_start3A_313 = arith.constant 0 : i32
      %dma_start3A_314 = tpu.memref_slice %arg9[%add3A_312, %dma_start3A_313] : memref<272x32xf32, #tpu.memory_space<vmem>> -> memref<1x32xf32, #tpu.memory_space<vmem>>
      %dma_start3A_315 = arith.constant 0 : i32
      %dma_start3A_316 = tpu.memref_slice %arg3[%squeeze3A_310, %dma_start3A_315] : memref<1000000x32xf32, #tpu.memory_space<hbm>> -> memref<1x32xf32, #tpu.memory_space<hbm>>
      %dma_start3A_317 = arith.constant 0 : i32
      %dma_start3A_318 = tpu.memref_slice %arg9[%add3A_312, %dma_start3A_317] : memref<272x32xf32, #tpu.memory_space<vmem>> -> memref<1x32xf32, #tpu.memory_space<vmem>>
      %dma_start3A_319 = arith.constant 0 : i32
      %dma_start3A_320 = tpu.memref_slice %arg3[%squeeze3A_310, %dma_start3A_319] : memref<1000000x32xf32, #tpu.memory_space<hbm>> -> memref<1x32xf32, #tpu.memory_space<hbm>>
      tpu.enqueue_dma source(%dma_start3A_320 : memref<1x32xf32, #tpu.memory_space<hbm>>) target(%dma_start3A_318 : memref<1x32xf32, #tpu.memory_space<vmem>>) target_semaphore(%arg10 : memref<!tpu.dma_semaphore, #tpu.memory_space<semaphore_mem>>)
    }
    %scan3A_70 = arith.constant 17 : i32
    %dma_wait3A_71 = arith.constant 0 : i32
    %dma_wait3A_72 = arith.constant 0 : i32
    %dma_wait3A_73 = tpu.memref_slice %arg9[%dma_wait3A_71, %dma_wait3A_72] : memref<272x32xf32, #tpu.memory_space<vmem>> -> memref<272x32xf32, #tpu.memory_space<vmem>>
    %dma_wait3A_74 = arith.constant 0 : i32
    %dma_wait3A_75 = arith.constant 0 : i32
    %dma_wait3A_76 = tpu.memref_slice %arg3[%dma_wait3A_74, %dma_wait3A_75] : memref<1000000x32xf32, #tpu.memory_space<hbm>> -> memref<272x32xf32, #tpu.memory_space<hbm>>
    %dma_wait3A_77 = arith.constant 0 : i32
    %dma_wait3A_78 = arith.constant 0 : i32
    %dma_wait3A_79 = tpu.memref_slice %arg9[%dma_wait3A_77, %dma_wait3A_78] : memref<272x32xf32, #tpu.memory_space<vmem>> -> memref<272x32xf32, #tpu.memory_space<vmem>>
    %dma_wait3A_80 = arith.constant 0 : i32
    %dma_wait3A_81 = arith.constant 0 : i32
    %dma_wait3A_82 = tpu.memref_slice %arg3[%dma_wait3A_80, %dma_wait3A_81] : memref<1000000x32xf32, #tpu.memory_space<hbm>> -> memref<272x32xf32, #tpu.memory_space<hbm>>
    tpu.wait_dma2 semaphore(%arg10 : memref<!tpu.dma_semaphore, #tpu.memory_space<semaphore_mem>>) src(%dma_wait3A_82 : memref<272x32xf32, #tpu.memory_space<hbm>>) dst(%dma_wait3A_79 : memref<272x32xf32, #tpu.memory_space<vmem>>)
    "tpu.region"() ({
      %run_scoped3A = tpu.sem_alloc : memref<!tpu.dma_semaphore, #tpu.memory_space<semaphore_mem>>
      %dma_start3A = arith.constant 0 : i32
      %dma_start3A_125 = arith.constant 0 : i32
      %dma_start3A_126 = tpu.memref_slice %arg9[%dma_start3A, %dma_start3A_125] : memref<272x32xf32, #tpu.memory_space<vmem>> -> memref<272x32xf32, #tpu.memory_space<vmem>>
      %dma_start3A_127 = arith.constant 0 : i32
      %dma_start3A_128 = tpu.memref_slice %arg7[%add3A_65, %dma_start3A_127] : memref<34816x32xf32, #tpu.memory_space<hbm>> -> memref<272x32xf32, #tpu.memory_space<hbm>>
      %dma_start3A_129 = arith.constant 0 : i32
      %dma_start3A_130 = tpu.memref_slice %arg7[%add3A_65, %dma_start3A_129] : memref<34816x32xf32, #tpu.memory_space<hbm>> -> memref<272x32xf32, #tpu.memory_space<hbm>>
      %dma_start3A_131 = arith.constant 0 : i32
      %dma_start3A_132 = arith.constant 0 : i32
      %dma_start3A_133 = tpu.memref_slice %arg9[%dma_start3A_131, %dma_start3A_132] : memref<272x32xf32, #tpu.memory_space<vmem>> -> memref<272x32xf32, #tpu.memory_space<vmem>>
      tpu.enqueue_dma source(%dma_start3A_133 : memref<272x32xf32, #tpu.memory_space<vmem>>) target(%dma_start3A_130 : memref<272x32xf32, #tpu.memory_space<hbm>>) target_semaphore(%run_scoped3A : memref<!tpu.dma_semaphore, #tpu.memory_space<semaphore_mem>>)
      %dma_wait3A_134 = arith.constant 0 : i32
      %dma_wait3A_135 = arith.constant 0 : i32
      %dma_wait3A_136 = tpu.memref_slice %arg9[%dma_wait3A_134, %dma_wait3A_135] : memref<272x32xf32, #tpu.memory_space<vmem>> -> memref<272x32xf32, #tpu.memory_space<vmem>>
      %dma_wait3A_137 = arith.constant 0 : i32
      %dma_wait3A_138 = tpu.memref_slice %arg7[%add3A_65, %dma_wait3A_137] : memref<34816x32xf32, #tpu.memory_space<hbm>> -> memref<272x32xf32, #tpu.memory_space<hbm>>
      %dma_wait3A_139 = arith.constant 0 : i32
      %dma_wait3A_140 = tpu.memref_slice %arg7[%add3A_65, %dma_wait3A_139] : memref<34816x32xf32, #tpu.memory_space<hbm>> -> memref<272x32xf32, #tpu.memory_space<hbm>>
      %dma_wait3A_141 = arith.constant 0 : i32
      %dma_wait3A_142 = arith.constant 0 : i32
      %dma_wait3A_143 = tpu.memref_slice %arg9[%dma_wait3A_141, %dma_wait3A_142] : memref<272x32xf32, #tpu.memory_space<vmem>> -> memref<272x32xf32, #tpu.memory_space<vmem>>
      tpu.wait_dma2 semaphore(%run_scoped3A : memref<!tpu.dma_semaphore, #tpu.memory_space<semaphore_mem>>) src(%dma_wait3A_143 : memref<272x32xf32, #tpu.memory_space<vmem>>) dst(%dma_wait3A_140 : memref<272x32xf32, #tpu.memory_space<hbm>>)
      tpu.yield
    }) : () -> ()
    %mul3A_83 = arith.constant 1088 : i32
    %mul3A_84 = arith.muli %add3A, %mul3A_83 : i32
    %add3A_85 = arith.constant 544 : i32
    %add3A_86 = arith.addi %mul3A_84, %add3A_85 : i32
    "tpu.region"() ({
      %run_scoped3A = tpu.sem_alloc : memref<!tpu.dma_semaphore, #tpu.memory_space<semaphore_mem>>
      %dma_start3A = arith.constant 0 : i32
      %dma_start3A_125 = tpu.memref_slice %arg8[%dma_start3A] : memref<272xi32, #tpu.memory_space<vmem>> -> memref<272xi32, #tpu.memory_space<vmem>>
      %dma_start3A_126 = tpu.memref_slice %arg5[%add3A_86] : memref<34816xi32, #tpu.memory_space<hbm>> -> memref<272xi32, #tpu.memory_space<hbm>>
      %dma_start3A_127 = arith.constant 0 : i32
      %dma_start3A_128 = tpu.memref_slice %arg8[%dma_start3A_127] : memref<272xi32, #tpu.memory_space<vmem>> -> memref<272xi32, #tpu.memory_space<vmem>>
      %dma_start3A_129 = tpu.memref_slice %arg5[%add3A_86] : memref<34816xi32, #tpu.memory_space<hbm>> -> memref<272xi32, #tpu.memory_space<hbm>>
      tpu.enqueue_dma source(%dma_start3A_129 : memref<272xi32, #tpu.memory_space<hbm>>) target(%dma_start3A_128 : memref<272xi32, #tpu.memory_space<vmem>>) target_semaphore(%run_scoped3A : memref<!tpu.dma_semaphore, #tpu.memory_space<semaphore_mem>>)
      %dma_wait3A_130 = arith.constant 0 : i32
      %dma_wait3A_131 = tpu.memref_slice %arg8[%dma_wait3A_130] : memref<272xi32, #tpu.memory_space<vmem>> -> memref<272xi32, #tpu.memory_space<vmem>>
      %dma_wait3A_132 = tpu.memref_slice %arg5[%add3A_86] : memref<34816xi32, #tpu.memory_space<hbm>> -> memref<272xi32, #tpu.memory_space<hbm>>
      %dma_wait3A_133 = arith.constant 0 : i32
      %dma_wait3A_134 = tpu.memref_slice %arg8[%dma_wait3A_133] : memref<272xi32, #tpu.memory_space<vmem>> -> memref<272xi32, #tpu.memory_space<vmem>>
      %dma_wait3A_135 = tpu.memref_slice %arg5[%add3A_86] : memref<34816xi32, #tpu.memory_space<hbm>> -> memref<272xi32, #tpu.memory_space<hbm>>
      tpu.wait_dma2 semaphore(%run_scoped3A : memref<!tpu.dma_semaphore, #tpu.memory_space<semaphore_mem>>) src(%dma_wait3A_135 : memref<272xi32, #tpu.memory_space<hbm>>) dst(%dma_wait3A_134 : memref<272xi32, #tpu.memory_space<vmem>>)
      tpu.yield
    }) : () -> ()
    %scan3A_87 = arith.constant 0 : i32
    %scan3A_88 = arith.constant 17 : i32
    %scan3A_89 = arith.addi %scan3A_87, %scan3A_88 : i32
    %scan3A_90 = arith.constant 1 : i32
    scf.for %scan3A_125 = %scan3A_87 to %scan3A_89 step %scan3A_90  : i32 {
      %mul3A_126 = arith.constant 16 : i32
      %mul3A_127 = arith.muli %scan3A_125, %mul3A_126 : i32
      %add3A_128 = arith.constant 0 : i32
      %add3A_129 = arith.addi %add3A_128, %mul3A_127 : i32
      %get3A = arith.index_cast %add3A_129 : i32 to index
      %get3A_130 = tpu.vector_load %arg8[%get3A] {strides = array<i32>} : memref<272xi32, #tpu.memory_space<vmem>>, vector<16xi32>,
      %get3A_131 = vector.shape_cast %get3A_130 : vector<16xi32> to vector<16xi32>
      %slice3A = vector.extract_strided_slice %get3A_131 {offsets = [0], sizes = [1], strides = [1]} : vector<16xi32> to vector<1xi32>
      %squeeze3A = vector.extract %slice3A[0] : i32 from vector<1xi32>
      %add3A_132 = arith.constant 0 : i32
      %add3A_133 = arith.addi %add3A_129, %add3A_132 : i32
      %dma_start3A = arith.constant 0 : i32
      %dma_start3A_134 = tpu.memref_slice %arg9[%add3A_133, %dma_start3A] : memref<272x32xf32, #tpu.memory_space<vmem>> -> memref<1x32xf32, #tpu.memory_space<vmem>>
      %dma_start3A_135 = arith.constant 0 : i32
      %dma_start3A_136 = tpu.memref_slice %arg3[%squeeze3A, %dma_start3A_135] : memref<1000000x32xf32, #tpu.memory_space<hbm>> -> memref<1x32xf32, #tpu.memory_space<hbm>>
      %dma_start3A_137 = arith.constant 0 : i32
      %dma_start3A_138 = tpu.memref_slice %arg9[%add3A_133, %dma_start3A_137] : memref<272x32xf32, #tpu.memory_space<vmem>> -> memref<1x32xf32, #tpu.memory_space<vmem>>
      %dma_start3A_139 = arith.constant 0 : i32
      %dma_start3A_140 = tpu.memref_slice %arg3[%squeeze3A, %dma_start3A_139] : memref<1000000x32xf32, #tpu.memory_space<hbm>> -> memref<1x32xf32, #tpu.memory_space<hbm>>
      tpu.enqueue_dma source(%dma_start3A_140 : memref<1x32xf32, #tpu.memory_space<hbm>>) target(%dma_start3A_138 : memref<1x32xf32, #tpu.memory_space<vmem>>) target_semaphore(%arg10 : memref<!tpu.dma_semaphore, #tpu.memory_space<semaphore_mem>>)
      %slice3A_141 = vector.extract_strided_slice %get3A_131 {offsets = [1], sizes = [1], strides = [1]} : vector<16xi32> to vector<1xi32>
      %squeeze3A_142 = vector.extract %slice3A_141[0] : i32 from vector<1xi32>
      %add3A_143 = arith.constant 1 : i32
      %add3A_144 = arith.addi %add3A_129, %add3A_143 : i32
      %dma_start3A_145 = arith.constant 0 : i32
      %dma_start3A_146 = tpu.memref_slice %arg9[%add3A_144, %dma_start3A_145] : memref<272x32xf32, #tpu.memory_space<vmem>> -> memref<1x32xf32, #tpu.memory_space<vmem>>
      %dma_start3A_147 = arith.constant 0 : i32
      %dma_start3A_148 = tpu.memref_slice %arg3[%squeeze3A_142, %dma_start3A_147] : memref<1000000x32xf32, #tpu.memory_space<hbm>> -> memref<1x32xf32, #tpu.memory_space<hbm>>
      %dma_start3A_149 = arith.constant 0 : i32
      %dma_start3A_150 = tpu.memref_slice %arg9[%add3A_144, %dma_start3A_149] : memref<272x32xf32, #tpu.memory_space<vmem>> -> memref<1x32xf32, #tpu.memory_space<vmem>>
      %dma_start3A_151 = arith.constant 0 : i32
      %dma_start3A_152 = tpu.memref_slice %arg3[%squeeze3A_142, %dma_start3A_151] : memref<1000000x32xf32, #tpu.memory_space<hbm>> -> memref<1x32xf32, #tpu.memory_space<hbm>>
      tpu.enqueue_dma source(%dma_start3A_152 : memref<1x32xf32, #tpu.memory_space<hbm>>) target(%dma_start3A_150 : memref<1x32xf32, #tpu.memory_space<vmem>>) target_semaphore(%arg10 : memref<!tpu.dma_semaphore, #tpu.memory_space<semaphore_mem>>)
      %slice3A_153 = vector.extract_strided_slice %get3A_131 {offsets = [2], sizes = [1], strides = [1]} : vector<16xi32> to vector<1xi32>
      %squeeze3A_154 = vector.extract %slice3A_153[0] : i32 from vector<1xi32>
      %add3A_155 = arith.constant 2 : i32
      %add3A_156 = arith.addi %add3A_129, %add3A_155 : i32
      %dma_start3A_157 = arith.constant 0 : i32
      %dma_start3A_158 = tpu.memref_slice %arg9[%add3A_156, %dma_start3A_157] : memref<272x32xf32, #tpu.memory_space<vmem>> -> memref<1x32xf32, #tpu.memory_space<vmem>>
      %dma_start3A_159 = arith.constant 0 : i32
      %dma_start3A_160 = tpu.memref_slice %arg3[%squeeze3A_154, %dma_start3A_159] : memref<1000000x32xf32, #tpu.memory_space<hbm>> -> memref<1x32xf32, #tpu.memory_space<hbm>>
      %dma_start3A_161 = arith.constant 0 : i32
      %dma_start3A_162 = tpu.memref_slice %arg9[%add3A_156, %dma_start3A_161] : memref<272x32xf32, #tpu.memory_space<vmem>> -> memref<1x32xf32, #tpu.memory_space<vmem>>
      %dma_start3A_163 = arith.constant 0 : i32
      %dma_start3A_164 = tpu.memref_slice %arg3[%squeeze3A_154, %dma_start3A_163] : memref<1000000x32xf32, #tpu.memory_space<hbm>> -> memref<1x32xf32, #tpu.memory_space<hbm>>
      tpu.enqueue_dma source(%dma_start3A_164 : memref<1x32xf32, #tpu.memory_space<hbm>>) target(%dma_start3A_162 : memref<1x32xf32, #tpu.memory_space<vmem>>) target_semaphore(%arg10 : memref<!tpu.dma_semaphore, #tpu.memory_space<semaphore_mem>>)
      %slice3A_165 = vector.extract_strided_slice %get3A_131 {offsets = [3], sizes = [1], strides = [1]} : vector<16xi32> to vector<1xi32>
      %squeeze3A_166 = vector.extract %slice3A_165[0] : i32 from vector<1xi32>
      %add3A_167 = arith.constant 3 : i32
      %add3A_168 = arith.addi %add3A_129, %add3A_167 : i32
      %dma_start3A_169 = arith.constant 0 : i32
      %dma_start3A_170 = tpu.memref_slice %arg9[%add3A_168, %dma_start3A_169] : memref<272x32xf32, #tpu.memory_space<vmem>> -> memref<1x32xf32, #tpu.memory_space<vmem>>
      %dma_start3A_171 = arith.constant 0 : i32
      %dma_start3A_172 = tpu.memref_slice %arg3[%squeeze3A_166, %dma_start3A_171] : memref<1000000x32xf32, #tpu.memory_space<hbm>> -> memref<1x32xf32, #tpu.memory_space<hbm>>
      %dma_start3A_173 = arith.constant 0 : i32
      %dma_start3A_174 = tpu.memref_slice %arg9[%add3A_168, %dma_start3A_173] : memref<272x32xf32, #tpu.memory_space<vmem>> -> memref<1x32xf32, #tpu.memory_space<vmem>>
      %dma_start3A_175 = arith.constant 0 : i32
      %dma_start3A_176 = tpu.memref_slice %arg3[%squeeze3A_166, %dma_start3A_175] : memref<1000000x32xf32, #tpu.memory_space<hbm>> -> memref<1x32xf32, #tpu.memory_space<hbm>>
      tpu.enqueue_dma source(%dma_start3A_176 : memref<1x32xf32, #tpu.memory_space<hbm>>) target(%dma_start3A_174 : memref<1x32xf32, #tpu.memory_space<vmem>>) target_semaphore(%arg10 : memref<!tpu.dma_semaphore, #tpu.memory_space<semaphore_mem>>)
      %slice3A_177 = vector.extract_strided_slice %get3A_131 {offsets = [4], sizes = [1], strides = [1]} : vector<16xi32> to vector<1xi32>
      %squeeze3A_178 = vector.extract %slice3A_177[0] : i32 from vector<1xi32>
      %add3A_179 = arith.constant 4 : i32
      %add3A_180 = arith.addi %add3A_129, %add3A_179 : i32
      %dma_start3A_181 = arith.constant 0 : i32
      %dma_start3A_182 = tpu.memref_slice %arg9[%add3A_180, %dma_start3A_181] : memref<272x32xf32, #tpu.memory_space<vmem>> -> memref<1x32xf32, #tpu.memory_space<vmem>>
      %dma_start3A_183 = arith.constant 0 : i32
      %dma_start3A_184 = tpu.memref_slice %arg3[%squeeze3A_178, %dma_start3A_183] : memref<1000000x32xf32, #tpu.memory_space<hbm>> -> memref<1x32xf32, #tpu.memory_space<hbm>>
      %dma_start3A_185 = arith.constant 0 : i32
      %dma_start3A_186 = tpu.memref_slice %arg9[%add3A_180, %dma_start3A_185] : memref<272x32xf32, #tpu.memory_space<vmem>> -> memref<1x32xf32, #tpu.memory_space<vmem>>
      %dma_start3A_187 = arith.constant 0 : i32
      %dma_start3A_188 = tpu.memref_slice %arg3[%squeeze3A_178, %dma_start3A_187] : memref<1000000x32xf32, #tpu.memory_space<hbm>> -> memref<1x32xf32, #tpu.memory_space<hbm>>
      tpu.enqueue_dma source(%dma_start3A_188 : memref<1x32xf32, #tpu.memory_space<hbm>>) target(%dma_start3A_186 : memref<1x32xf32, #tpu.memory_space<vmem>>) target_semaphore(%arg10 : memref<!tpu.dma_semaphore, #tpu.memory_space<semaphore_mem>>)
      %slice3A_189 = vector.extract_strided_slice %get3A_131 {offsets = [5], sizes = [1], strides = [1]} : vector<16xi32> to vector<1xi32>
      %squeeze3A_190 = vector.extract %slice3A_189[0] : i32 from vector<1xi32>
      %add3A_191 = arith.constant 5 : i32
      %add3A_192 = arith.addi %add3A_129, %add3A_191 : i32
      %dma_start3A_193 = arith.constant 0 : i32
      %dma_start3A_194 = tpu.memref_slice %arg9[%add3A_192, %dma_start3A_193] : memref<272x32xf32, #tpu.memory_space<vmem>> -> memref<1x32xf32, #tpu.memory_space<vmem>>
      %dma_start3A_195 = arith.constant 0 : i32
      %dma_start3A_196 = tpu.memref_slice %arg3[%squeeze3A_190, %dma_start3A_195] : memref<1000000x32xf32, #tpu.memory_space<hbm>> -> memref<1x32xf32, #tpu.memory_space<hbm>>
      %dma_start3A_197 = arith.constant 0 : i32
      %dma_start3A_198 = tpu.memref_slice %arg9[%add3A_192, %dma_start3A_197] : memref<272x32xf32, #tpu.memory_space<vmem>> -> memref<1x32xf32, #tpu.memory_space<vmem>>
      %dma_start3A_199 = arith.constant 0 : i32
      %dma_start3A_200 = tpu.memref_slice %arg3[%squeeze3A_190, %dma_start3A_199] : memref<1000000x32xf32, #tpu.memory_space<hbm>> -> memref<1x32xf32, #tpu.memory_space<hbm>>
      tpu.enqueue_dma source(%dma_start3A_200 : memref<1x32xf32, #tpu.memory_space<hbm>>) target(%dma_start3A_198 : memref<1x32xf32, #tpu.memory_space<vmem>>) target_semaphore(%arg10 : memref<!tpu.dma_semaphore, #tpu.memory_space<semaphore_mem>>)
      %slice3A_201 = vector.extract_strided_slice %get3A_131 {offsets = [6], sizes = [1], strides = [1]} : vector<16xi32> to vector<1xi32>
      %squeeze3A_202 = vector.extract %slice3A_201[0] : i32 from vector<1xi32>
      %add3A_203 = arith.constant 6 : i32
      %add3A_204 = arith.addi %add3A_129, %add3A_203 : i32
      %dma_start3A_205 = arith.constant 0 : i32
      %dma_start3A_206 = tpu.memref_slice %arg9[%add3A_204, %dma_start3A_205] : memref<272x32xf32, #tpu.memory_space<vmem>> -> memref<1x32xf32, #tpu.memory_space<vmem>>
      %dma_start3A_207 = arith.constant 0 : i32
      %dma_start3A_208 = tpu.memref_slice %arg3[%squeeze3A_202, %dma_start3A_207] : memref<1000000x32xf32, #tpu.memory_space<hbm>> -> memref<1x32xf32, #tpu.memory_space<hbm>>
      %dma_start3A_209 = arith.constant 0 : i32
      %dma_start3A_210 = tpu.memref_slice %arg9[%add3A_204, %dma_start3A_209] : memref<272x32xf32, #tpu.memory_space<vmem>> -> memref<1x32xf32, #tpu.memory_space<vmem>>
      %dma_start3A_211 = arith.constant 0 : i32
      %dma_start3A_212 = tpu.memref_slice %arg3[%squeeze3A_202, %dma_start3A_211] : memref<1000000x32xf32, #tpu.memory_space<hbm>> -> memref<1x32xf32, #tpu.memory_space<hbm>>
      tpu.enqueue_dma source(%dma_start3A_212 : memref<1x32xf32, #tpu.memory_space<hbm>>) target(%dma_start3A_210 : memref<1x32xf32, #tpu.memory_space<vmem>>) target_semaphore(%arg10 : memref<!tpu.dma_semaphore, #tpu.memory_space<semaphore_mem>>)
      %slice3A_213 = vector.extract_strided_slice %get3A_131 {offsets = [7], sizes = [1], strides = [1]} : vector<16xi32> to vector<1xi32>
      %squeeze3A_214 = vector.extract %slice3A_213[0] : i32 from vector<1xi32>
      %add3A_215 = arith.constant 7 : i32
      %add3A_216 = arith.addi %add3A_129, %add3A_215 : i32
      %dma_start3A_217 = arith.constant 0 : i32
      %dma_start3A_218 = tpu.memref_slice %arg9[%add3A_216, %dma_start3A_217] : memref<272x32xf32, #tpu.memory_space<vmem>> -> memref<1x32xf32, #tpu.memory_space<vmem>>
      %dma_start3A_219 = arith.constant 0 : i32
      %dma_start3A_220 = tpu.memref_slice %arg3[%squeeze3A_214, %dma_start3A_219] : memref<1000000x32xf32, #tpu.memory_space<hbm>> -> memref<1x32xf32, #tpu.memory_space<hbm>>
      %dma_start3A_221 = arith.constant 0 : i32
      %dma_start3A_222 = tpu.memref_slice %arg9[%add3A_216, %dma_start3A_221] : memref<272x32xf32, #tpu.memory_space<vmem>> -> memref<1x32xf32, #tpu.memory_space<vmem>>
      %dma_start3A_223 = arith.constant 0 : i32
      %dma_start3A_224 = tpu.memref_slice %arg3[%squeeze3A_214, %dma_start3A_223] : memref<1000000x32xf32, #tpu.memory_space<hbm>> -> memref<1x32xf32, #tpu.memory_space<hbm>>
      tpu.enqueue_dma source(%dma_start3A_224 : memref<1x32xf32, #tpu.memory_space<hbm>>) target(%dma_start3A_222 : memref<1x32xf32, #tpu.memory_space<vmem>>) target_semaphore(%arg10 : memref<!tpu.dma_semaphore, #tpu.memory_space<semaphore_mem>>)
      %slice3A_225 = vector.extract_strided_slice %get3A_131 {offsets = [8], sizes = [1], strides = [1]} : vector<16xi32> to vector<1xi32>
      %squeeze3A_226 = vector.extract %slice3A_225[0] : i32 from vector<1xi32>
      %add3A_227 = arith.constant 8 : i32
      %add3A_228 = arith.addi %add3A_129, %add3A_227 : i32
      %dma_start3A_229 = arith.constant 0 : i32
      %dma_start3A_230 = tpu.memref_slice %arg9[%add3A_228, %dma_start3A_229] : memref<272x32xf32, #tpu.memory_space<vmem>> -> memref<1x32xf32, #tpu.memory_space<vmem>>
      %dma_start3A_231 = arith.constant 0 : i32
      %dma_start3A_232 = tpu.memref_slice %arg3[%squeeze3A_226, %dma_start3A_231] : memref<1000000x32xf32, #tpu.memory_space<hbm>> -> memref<1x32xf32, #tpu.memory_space<hbm>>
      %dma_start3A_233 = arith.constant 0 : i32
      %dma_start3A_234 = tpu.memref_slice %arg9[%add3A_228, %dma_start3A_233] : memref<272x32xf32, #tpu.memory_space<vmem>> -> memref<1x32xf32, #tpu.memory_space<vmem>>
      %dma_start3A_235 = arith.constant 0 : i32
      %dma_start3A_236 = tpu.memref_slice %arg3[%squeeze3A_226, %dma_start3A_235] : memref<1000000x32xf32, #tpu.memory_space<hbm>> -> memref<1x32xf32, #tpu.memory_space<hbm>>
      tpu.enqueue_dma source(%dma_start3A_236 : memref<1x32xf32, #tpu.memory_space<hbm>>) target(%dma_start3A_234 : memref<1x32xf32, #tpu.memory_space<vmem>>) target_semaphore(%arg10 : memref<!tpu.dma_semaphore, #tpu.memory_space<semaphore_mem>>)
      %slice3A_237 = vector.extract_strided_slice %get3A_131 {offsets = [9], sizes = [1], strides = [1]} : vector<16xi32> to vector<1xi32>
      %squeeze3A_238 = vector.extract %slice3A_237[0] : i32 from vector<1xi32>
      %add3A_239 = arith.constant 9 : i32
      %add3A_240 = arith.addi %add3A_129, %add3A_239 : i32
      %dma_start3A_241 = arith.constant 0 : i32
      %dma_start3A_242 = tpu.memref_slice %arg9[%add3A_240, %dma_start3A_241] : memref<272x32xf32, #tpu.memory_space<vmem>> -> memref<1x32xf32, #tpu.memory_space<vmem>>
      %dma_start3A_243 = arith.constant 0 : i32
      %dma_start3A_244 = tpu.memref_slice %arg3[%squeeze3A_238, %dma_start3A_243] : memref<1000000x32xf32, #tpu.memory_space<hbm>> -> memref<1x32xf32, #tpu.memory_space<hbm>>
      %dma_start3A_245 = arith.constant 0 : i32
      %dma_start3A_246 = tpu.memref_slice %arg9[%add3A_240, %dma_start3A_245] : memref<272x32xf32, #tpu.memory_space<vmem>> -> memref<1x32xf32, #tpu.memory_space<vmem>>
      %dma_start3A_247 = arith.constant 0 : i32
      %dma_start3A_248 = tpu.memref_slice %arg3[%squeeze3A_238, %dma_start3A_247] : memref<1000000x32xf32, #tpu.memory_space<hbm>> -> memref<1x32xf32, #tpu.memory_space<hbm>>
      tpu.enqueue_dma source(%dma_start3A_248 : memref<1x32xf32, #tpu.memory_space<hbm>>) target(%dma_start3A_246 : memref<1x32xf32, #tpu.memory_space<vmem>>) target_semaphore(%arg10 : memref<!tpu.dma_semaphore, #tpu.memory_space<semaphore_mem>>)
      %slice3A_249 = vector.extract_strided_slice %get3A_131 {offsets = [10], sizes = [1], strides = [1]} : vector<16xi32> to vector<1xi32>
      %squeeze3A_250 = vector.extract %slice3A_249[0] : i32 from vector<1xi32>
      %add3A_251 = arith.constant 10 : i32
      %add3A_252 = arith.addi %add3A_129, %add3A_251 : i32
      %dma_start3A_253 = arith.constant 0 : i32
      %dma_start3A_254 = tpu.memref_slice %arg9[%add3A_252, %dma_start3A_253] : memref<272x32xf32, #tpu.memory_space<vmem>> -> memref<1x32xf32, #tpu.memory_space<vmem>>
      %dma_start3A_255 = arith.constant 0 : i32
      %dma_start3A_256 = tpu.memref_slice %arg3[%squeeze3A_250, %dma_start3A_255] : memref<1000000x32xf32, #tpu.memory_space<hbm>> -> memref<1x32xf32, #tpu.memory_space<hbm>>
      %dma_start3A_257 = arith.constant 0 : i32
      %dma_start3A_258 = tpu.memref_slice %arg9[%add3A_252, %dma_start3A_257] : memref<272x32xf32, #tpu.memory_space<vmem>> -> memref<1x32xf32, #tpu.memory_space<vmem>>
      %dma_start3A_259 = arith.constant 0 : i32
      %dma_start3A_260 = tpu.memref_slice %arg3[%squeeze3A_250, %dma_start3A_259] : memref<1000000x32xf32, #tpu.memory_space<hbm>> -> memref<1x32xf32, #tpu.memory_space<hbm>>
      tpu.enqueue_dma source(%dma_start3A_260 : memref<1x32xf32, #tpu.memory_space<hbm>>) target(%dma_start3A_258 : memref<1x32xf32, #tpu.memory_space<vmem>>) target_semaphore(%arg10 : memref<!tpu.dma_semaphore, #tpu.memory_space<semaphore_mem>>)
      %slice3A_261 = vector.extract_strided_slice %get3A_131 {offsets = [11], sizes = [1], strides = [1]} : vector<16xi32> to vector<1xi32>
      %squeeze3A_262 = vector.extract %slice3A_261[0] : i32 from vector<1xi32>
      %add3A_263 = arith.constant 11 : i32
      %add3A_264 = arith.addi %add3A_129, %add3A_263 : i32
      %dma_start3A_265 = arith.constant 0 : i32
      %dma_start3A_266 = tpu.memref_slice %arg9[%add3A_264, %dma_start3A_265] : memref<272x32xf32, #tpu.memory_space<vmem>> -> memref<1x32xf32, #tpu.memory_space<vmem>>
      %dma_start3A_267 = arith.constant 0 : i32
      %dma_start3A_268 = tpu.memref_slice %arg3[%squeeze3A_262, %dma_start3A_267] : memref<1000000x32xf32, #tpu.memory_space<hbm>> -> memref<1x32xf32, #tpu.memory_space<hbm>>
      %dma_start3A_269 = arith.constant 0 : i32
      %dma_start3A_270 = tpu.memref_slice %arg9[%add3A_264, %dma_start3A_269] : memref<272x32xf32, #tpu.memory_space<vmem>> -> memref<1x32xf32, #tpu.memory_space<vmem>>
      %dma_start3A_271 = arith.constant 0 : i32
      %dma_start3A_272 = tpu.memref_slice %arg3[%squeeze3A_262, %dma_start3A_271] : memref<1000000x32xf32, #tpu.memory_space<hbm>> -> memref<1x32xf32, #tpu.memory_space<hbm>>
      tpu.enqueue_dma source(%dma_start3A_272 : memref<1x32xf32, #tpu.memory_space<hbm>>) target(%dma_start3A_270 : memref<1x32xf32, #tpu.memory_space<vmem>>) target_semaphore(%arg10 : memref<!tpu.dma_semaphore, #tpu.memory_space<semaphore_mem>>)
      %slice3A_273 = vector.extract_strided_slice %get3A_131 {offsets = [12], sizes = [1], strides = [1]} : vector<16xi32> to vector<1xi32>
      %squeeze3A_274 = vector.extract %slice3A_273[0] : i32 from vector<1xi32>
      %add3A_275 = arith.constant 12 : i32
      %add3A_276 = arith.addi %add3A_129, %add3A_275 : i32
      %dma_start3A_277 = arith.constant 0 : i32
      %dma_start3A_278 = tpu.memref_slice %arg9[%add3A_276, %dma_start3A_277] : memref<272x32xf32, #tpu.memory_space<vmem>> -> memref<1x32xf32, #tpu.memory_space<vmem>>
      %dma_start3A_279 = arith.constant 0 : i32
      %dma_start3A_280 = tpu.memref_slice %arg3[%squeeze3A_274, %dma_start3A_279] : memref<1000000x32xf32, #tpu.memory_space<hbm>> -> memref<1x32xf32, #tpu.memory_space<hbm>>
      %dma_start3A_281 = arith.constant 0 : i32
      %dma_start3A_282 = tpu.memref_slice %arg9[%add3A_276, %dma_start3A_281] : memref<272x32xf32, #tpu.memory_space<vmem>> -> memref<1x32xf32, #tpu.memory_space<vmem>>
      %dma_start3A_283 = arith.constant 0 : i32
      %dma_start3A_284 = tpu.memref_slice %arg3[%squeeze3A_274, %dma_start3A_283] : memref<1000000x32xf32, #tpu.memory_space<hbm>> -> memref<1x32xf32, #tpu.memory_space<hbm>>
      tpu.enqueue_dma source(%dma_start3A_284 : memref<1x32xf32, #tpu.memory_space<hbm>>) target(%dma_start3A_282 : memref<1x32xf32, #tpu.memory_space<vmem>>) target_semaphore(%arg10 : memref<!tpu.dma_semaphore, #tpu.memory_space<semaphore_mem>>)
      %slice3A_285 = vector.extract_strided_slice %get3A_131 {offsets = [13], sizes = [1], strides = [1]} : vector<16xi32> to vector<1xi32>
      %squeeze3A_286 = vector.extract %slice3A_285[0] : i32 from vector<1xi32>
      %add3A_287 = arith.constant 13 : i32
      %add3A_288 = arith.addi %add3A_129, %add3A_287 : i32
      %dma_start3A_289 = arith.constant 0 : i32
      %dma_start3A_290 = tpu.memref_slice %arg9[%add3A_288, %dma_start3A_289] : memref<272x32xf32, #tpu.memory_space<vmem>> -> memref<1x32xf32, #tpu.memory_space<vmem>>
      %dma_start3A_291 = arith.constant 0 : i32
      %dma_start3A_292 = tpu.memref_slice %arg3[%squeeze3A_286, %dma_start3A_291] : memref<1000000x32xf32, #tpu.memory_space<hbm>> -> memref<1x32xf32, #tpu.memory_space<hbm>>
      %dma_start3A_293 = arith.constant 0 : i32
      %dma_start3A_294 = tpu.memref_slice %arg9[%add3A_288, %dma_start3A_293] : memref<272x32xf32, #tpu.memory_space<vmem>> -> memref<1x32xf32, #tpu.memory_space<vmem>>
      %dma_start3A_295 = arith.constant 0 : i32
      %dma_start3A_296 = tpu.memref_slice %arg3[%squeeze3A_286, %dma_start3A_295] : memref<1000000x32xf32, #tpu.memory_space<hbm>> -> memref<1x32xf32, #tpu.memory_space<hbm>>
      tpu.enqueue_dma source(%dma_start3A_296 : memref<1x32xf32, #tpu.memory_space<hbm>>) target(%dma_start3A_294 : memref<1x32xf32, #tpu.memory_space<vmem>>) target_semaphore(%arg10 : memref<!tpu.dma_semaphore, #tpu.memory_space<semaphore_mem>>)
      %slice3A_297 = vector.extract_strided_slice %get3A_131 {offsets = [14], sizes = [1], strides = [1]} : vector<16xi32> to vector<1xi32>
      %squeeze3A_298 = vector.extract %slice3A_297[0] : i32 from vector<1xi32>
      %add3A_299 = arith.constant 14 : i32
      %add3A_300 = arith.addi %add3A_129, %add3A_299 : i32
      %dma_start3A_301 = arith.constant 0 : i32
      %dma_start3A_302 = tpu.memref_slice %arg9[%add3A_300, %dma_start3A_301] : memref<272x32xf32, #tpu.memory_space<vmem>> -> memref<1x32xf32, #tpu.memory_space<vmem>>
      %dma_start3A_303 = arith.constant 0 : i32
      %dma_start3A_304 = tpu.memref_slice %arg3[%squeeze3A_298, %dma_start3A_303] : memref<1000000x32xf32, #tpu.memory_space<hbm>> -> memref<1x32xf32, #tpu.memory_space<hbm>>
      %dma_start3A_305 = arith.constant 0 : i32
      %dma_start3A_306 = tpu.memref_slice %arg9[%add3A_300, %dma_start3A_305] : memref<272x32xf32, #tpu.memory_space<vmem>> -> memref<1x32xf32, #tpu.memory_space<vmem>>
      %dma_start3A_307 = arith.constant 0 : i32
      %dma_start3A_308 = tpu.memref_slice %arg3[%squeeze3A_298, %dma_start3A_307] : memref<1000000x32xf32, #tpu.memory_space<hbm>> -> memref<1x32xf32, #tpu.memory_space<hbm>>
      tpu.enqueue_dma source(%dma_start3A_308 : memref<1x32xf32, #tpu.memory_space<hbm>>) target(%dma_start3A_306 : memref<1x32xf32, #tpu.memory_space<vmem>>) target_semaphore(%arg10 : memref<!tpu.dma_semaphore, #tpu.memory_space<semaphore_mem>>)
      %slice3A_309 = vector.extract_strided_slice %get3A_131 {offsets = [15], sizes = [1], strides = [1]} : vector<16xi32> to vector<1xi32>
      %squeeze3A_310 = vector.extract %slice3A_309[0] : i32 from vector<1xi32>
      %add3A_311 = arith.constant 15 : i32
      %add3A_312 = arith.addi %add3A_129, %add3A_311 : i32
      %dma_start3A_313 = arith.constant 0 : i32
      %dma_start3A_314 = tpu.memref_slice %arg9[%add3A_312, %dma_start3A_313] : memref<272x32xf32, #tpu.memory_space<vmem>> -> memref<1x32xf32, #tpu.memory_space<vmem>>
      %dma_start3A_315 = arith.constant 0 : i32
      %dma_start3A_316 = tpu.memref_slice %arg3[%squeeze3A_310, %dma_start3A_315] : memref<1000000x32xf32, #tpu.memory_space<hbm>> -> memref<1x32xf32, #tpu.memory_space<hbm>>
      %dma_start3A_317 = arith.constant 0 : i32
      %dma_start3A_318 = tpu.memref_slice %arg9[%add3A_312, %dma_start3A_317] : memref<272x32xf32, #tpu.memory_space<vmem>> -> memref<1x32xf32, #tpu.memory_space<vmem>>
      %dma_start3A_319 = arith.constant 0 : i32
      %dma_start3A_320 = tpu.memref_slice %arg3[%squeeze3A_310, %dma_start3A_319] : memref<1000000x32xf32, #tpu.memory_space<hbm>> -> memref<1x32xf32, #tpu.memory_space<hbm>>
      tpu.enqueue_dma source(%dma_start3A_320 : memref<1x32xf32, #tpu.memory_space<hbm>>) target(%dma_start3A_318 : memref<1x32xf32, #tpu.memory_space<vmem>>) target_semaphore(%arg10 : memref<!tpu.dma_semaphore, #tpu.memory_space<semaphore_mem>>)
    }
    %scan3A_91 = arith.constant 17 : i32
    %dma_wait3A_92 = arith.constant 0 : i32
    %dma_wait3A_93 = arith.constant 0 : i32
    %dma_wait3A_94 = tpu.memref_slice %arg9[%dma_wait3A_92, %dma_wait3A_93] : memref<272x32xf32, #tpu.memory_space<vmem>> -> memref<272x32xf32, #tpu.memory_space<vmem>>
    %dma_wait3A_95 = arith.constant 0 : i32
    %dma_wait3A_96 = arith.constant 0 : i32
    %dma_wait3A_97 = tpu.memref_slice %arg3[%dma_wait3A_95, %dma_wait3A_96] : memref<1000000x32xf32, #tpu.memory_space<hbm>> -> memref<272x32xf32, #tpu.memory_space<hbm>>
    %dma_wait3A_98 = arith.constant 0 : i32
    %dma_wait3A_99 = arith.constant 0 : i32
    %dma_wait3A_100 = tpu.memref_slice %arg9[%dma_wait3A_98, %dma_wait3A_99] : memref<272x32xf32, #tpu.memory_space<vmem>> -> memref<272x32xf32, #tpu.memory_space<vmem>>
    %dma_wait3A_101 = arith.constant 0 : i32
    %dma_wait3A_102 = arith.constant 0 : i32
    %dma_wait3A_103 = tpu.memref_slice %arg3[%dma_wait3A_101, %dma_wait3A_102] : memref<1000000x32xf32, #tpu.memory_space<hbm>> -> memref<272x32xf32, #tpu.memory_space<hbm>>
    tpu.wait_dma2 semaphore(%arg10 : memref<!tpu.dma_semaphore, #tpu.memory_space<semaphore_mem>>) src(%dma_wait3A_103 : memref<272x32xf32, #tpu.memory_space<hbm>>) dst(%dma_wait3A_100 : memref<272x32xf32, #tpu.memory_space<vmem>>)
    "tpu.region"() ({
      %run_scoped3A = tpu.sem_alloc : memref<!tpu.dma_semaphore, #tpu.memory_space<semaphore_mem>>
      %dma_start3A = arith.constant 0 : i32
      %dma_start3A_125 = arith.constant 0 : i32
      %dma_start3A_126 = tpu.memref_slice %arg9[%dma_start3A, %dma_start3A_125] : memref<272x32xf32, #tpu.memory_space<vmem>> -> memref<272x32xf32, #tpu.memory_space<vmem>>
      %dma_start3A_127 = arith.constant 0 : i32
      %dma_start3A_128 = tpu.memref_slice %arg7[%add3A_86, %dma_start3A_127] : memref<34816x32xf32, #tpu.memory_space<hbm>> -> memref<272x32xf32, #tpu.memory_space<hbm>>
      %dma_start3A_129 = arith.constant 0 : i32
      %dma_start3A_130 = tpu.memref_slice %arg7[%add3A_86, %dma_start3A_129] : memref<34816x32xf32, #tpu.memory_space<hbm>> -> memref<272x32xf32, #tpu.memory_space<hbm>>
      %dma_start3A_131 = arith.constant 0 : i32
      %dma_start3A_132 = arith.constant 0 : i32
      %dma_start3A_133 = tpu.memref_slice %arg9[%dma_start3A_131, %dma_start3A_132] : memref<272x32xf32, #tpu.memory_space<vmem>> -> memref<272x32xf32, #tpu.memory_space<vmem>>
      tpu.enqueue_dma source(%dma_start3A_133 : memref<272x32xf32, #tpu.memory_space<vmem>>) target(%dma_start3A_130 : memref<272x32xf32, #tpu.memory_space<hbm>>) target_semaphore(%run_scoped3A : memref<!tpu.dma_semaphore, #tpu.memory_space<semaphore_mem>>)
      %dma_wait3A_134 = arith.constant 0 : i32
      %dma_wait3A_135 = arith.constant 0 : i32
      %dma_wait3A_136 = tpu.memref_slice %arg9[%dma_wait3A_134, %dma_wait3A_135] : memref<272x32xf32, #tpu.memory_space<vmem>> -> memref<272x32xf32, #tpu.memory_space<vmem>>
      %dma_wait3A_137 = arith.constant 0 : i32
      %dma_wait3A_138 = tpu.memref_slice %arg7[%add3A_86, %dma_wait3A_137] : memref<34816x32xf32, #tpu.memory_space<hbm>> -> memref<272x32xf32, #tpu.memory_space<hbm>>
      %dma_wait3A_139 = arith.constant 0 : i32
      %dma_wait3A_140 = tpu.memref_slice %arg7[%add3A_86, %dma_wait3A_139] : memref<34816x32xf32, #tpu.memory_space<hbm>> -> memref<272x32xf32, #tpu.memory_space<hbm>>
      %dma_wait3A_141 = arith.constant 0 : i32
      %dma_wait3A_142 = arith.constant 0 : i32
      %dma_wait3A_143 = tpu.memref_slice %arg9[%dma_wait3A_141, %dma_wait3A_142] : memref<272x32xf32, #tpu.memory_space<vmem>> -> memref<272x32xf32, #tpu.memory_space<vmem>>
      tpu.wait_dma2 semaphore(%run_scoped3A : memref<!tpu.dma_semaphore, #tpu.memory_space<semaphore_mem>>) src(%dma_wait3A_143 : memref<272x32xf32, #tpu.memory_space<vmem>>) dst(%dma_wait3A_140 : memref<272x32xf32, #tpu.memory_space<hbm>>)
      tpu.yield
    }) : () -> ()
    %mul3A_104 = arith.constant 1088 : i32
    %mul3A_105 = arith.muli %add3A, %mul3A_104 : i32
    %add3A_106 = arith.constant 816 : i32
    %add3A_107 = arith.addi %mul3A_105, %add3A_106 : i32
    "tpu.region"() ({
      %run_scoped3A = tpu.sem_alloc : memref<!tpu.dma_semaphore, #tpu.memory_space<semaphore_mem>>
      %dma_start3A = arith.constant 0 : i32
      %dma_start3A_125 = tpu.memref_slice %arg8[%dma_start3A] : memref<272xi32, #tpu.memory_space<vmem>> -> memref<272xi32, #tpu.memory_space<vmem>>
      %dma_start3A_126 = tpu.memref_slice %arg5[%add3A_107] : memref<34816xi32, #tpu.memory_space<hbm>> -> memref<272xi32, #tpu.memory_space<hbm>>
      %dma_start3A_127 = arith.constant 0 : i32
      %dma_start3A_128 = tpu.memref_slice %arg8[%dma_start3A_127] : memref<272xi32, #tpu.memory_space<vmem>> -> memref<272xi32, #tpu.memory_space<vmem>>
      %dma_start3A_129 = tpu.memref_slice %arg5[%add3A_107] : memref<34816xi32, #tpu.memory_space<hbm>> -> memref<272xi32, #tpu.memory_space<hbm>>
      tpu.enqueue_dma source(%dma_start3A_129 : memref<272xi32, #tpu.memory_space<hbm>>) target(%dma_start3A_128 : memref<272xi32, #tpu.memory_space<vmem>>) target_semaphore(%run_scoped3A : memref<!tpu.dma_semaphore, #tpu.memory_space<semaphore_mem>>)
      %dma_wait3A_130 = arith.constant 0 : i32
      %dma_wait3A_131 = tpu.memref_slice %arg8[%dma_wait3A_130] : memref<272xi32, #tpu.memory_space<vmem>> -> memref<272xi32, #tpu.memory_space<vmem>>
      %dma_wait3A_132 = tpu.memref_slice %arg5[%add3A_107] : memref<34816xi32, #tpu.memory_space<hbm>> -> memref<272xi32, #tpu.memory_space<hbm>>
      %dma_wait3A_133 = arith.constant 0 : i32
      %dma_wait3A_134 = tpu.memref_slice %arg8[%dma_wait3A_133] : memref<272xi32, #tpu.memory_space<vmem>> -> memref<272xi32, #tpu.memory_space<vmem>>
      %dma_wait3A_135 = tpu.memref_slice %arg5[%add3A_107] : memref<34816xi32, #tpu.memory_space<hbm>> -> memref<272xi32, #tpu.memory_space<hbm>>
      tpu.wait_dma2 semaphore(%run_scoped3A : memref<!tpu.dma_semaphore, #tpu.memory_space<semaphore_mem>>) src(%dma_wait3A_135 : memref<272xi32, #tpu.memory_space<hbm>>) dst(%dma_wait3A_134 : memref<272xi32, #tpu.memory_space<vmem>>)
      tpu.yield
    }) : () -> ()
    %scan3A_108 = arith.constant 0 : i32
    %scan3A_109 = arith.constant 17 : i32
    %scan3A_110 = arith.addi %scan3A_108, %scan3A_109 : i32
    %scan3A_111 = arith.constant 1 : i32
    scf.for %scan3A_125 = %scan3A_108 to %scan3A_110 step %scan3A_111  : i32 {
      %mul3A_126 = arith.constant 16 : i32
      %mul3A_127 = arith.muli %scan3A_125, %mul3A_126 : i32
      %add3A_128 = arith.constant 0 : i32
      %add3A_129 = arith.addi %add3A_128, %mul3A_127 : i32
      %get3A = arith.index_cast %add3A_129 : i32 to index
      %get3A_130 = tpu.vector_load %arg8[%get3A] {strides = array<i32>} : memref<272xi32, #tpu.memory_space<vmem>>, vector<16xi32>,
      %get3A_131 = vector.shape_cast %get3A_130 : vector<16xi32> to vector<16xi32>
      %slice3A = vector.extract_strided_slice %get3A_131 {offsets = [0], sizes = [1], strides = [1]} : vector<16xi32> to vector<1xi32>
      %squeeze3A = vector.extract %slice3A[0] : i32 from vector<1xi32>
      %add3A_132 = arith.constant 0 : i32
      %add3A_133 = arith.addi %add3A_129, %add3A_132 : i32
      %dma_start3A = arith.constant 0 : i32
      %dma_start3A_134 = tpu.memref_slice %arg9[%add3A_133, %dma_start3A] : memref<272x32xf32, #tpu.memory_space<vmem>> -> memref<1x32xf32, #tpu.memory_space<vmem>>
      %dma_start3A_135 = arith.constant 0 : i32
      %dma_start3A_136 = tpu.memref_slice %arg3[%squeeze3A, %dma_start3A_135] : memref<1000000x32xf32, #tpu.memory_space<hbm>> -> memref<1x32xf32, #tpu.memory_space<hbm>>
      %dma_start3A_137 = arith.constant 0 : i32
      %dma_start3A_138 = tpu.memref_slice %arg9[%add3A_133, %dma_start3A_137] : memref<272x32xf32, #tpu.memory_space<vmem>> -> memref<1x32xf32, #tpu.memory_space<vmem>>
      %dma_start3A_139 = arith.constant 0 : i32
      %dma_start3A_140 = tpu.memref_slice %arg3[%squeeze3A, %dma_start3A_139] : memref<1000000x32xf32, #tpu.memory_space<hbm>> -> memref<1x32xf32, #tpu.memory_space<hbm>>
      tpu.enqueue_dma source(%dma_start3A_140 : memref<1x32xf32, #tpu.memory_space<hbm>>) target(%dma_start3A_138 : memref<1x32xf32, #tpu.memory_space<vmem>>) target_semaphore(%arg10 : memref<!tpu.dma_semaphore, #tpu.memory_space<semaphore_mem>>)
      %slice3A_141 = vector.extract_strided_slice %get3A_131 {offsets = [1], sizes = [1], strides = [1]} : vector<16xi32> to vector<1xi32>
      %squeeze3A_142 = vector.extract %slice3A_141[0] : i32 from vector<1xi32>
      %add3A_143 = arith.constant 1 : i32
      %add3A_144 = arith.addi %add3A_129, %add3A_143 : i32
      %dma_start3A_145 = arith.constant 0 : i32
      %dma_start3A_146 = tpu.memref_slice %arg9[%add3A_144, %dma_start3A_145] : memref<272x32xf32, #tpu.memory_space<vmem>> -> memref<1x32xf32, #tpu.memory_space<vmem>>
      %dma_start3A_147 = arith.constant 0 : i32
      %dma_start3A_148 = tpu.memref_slice %arg3[%squeeze3A_142, %dma_start3A_147] : memref<1000000x32xf32, #tpu.memory_space<hbm>> -> memref<1x32xf32, #tpu.memory_space<hbm>>
      %dma_start3A_149 = arith.constant 0 : i32
      %dma_start3A_150 = tpu.memref_slice %arg9[%add3A_144, %dma_start3A_149] : memref<272x32xf32, #tpu.memory_space<vmem>> -> memref<1x32xf32, #tpu.memory_space<vmem>>
      %dma_start3A_151 = arith.constant 0 : i32
      %dma_start3A_152 = tpu.memref_slice %arg3[%squeeze3A_142, %dma_start3A_151] : memref<1000000x32xf32, #tpu.memory_space<hbm>> -> memref<1x32xf32, #tpu.memory_space<hbm>>
      tpu.enqueue_dma source(%dma_start3A_152 : memref<1x32xf32, #tpu.memory_space<hbm>>) target(%dma_start3A_150 : memref<1x32xf32, #tpu.memory_space<vmem>>) target_semaphore(%arg10 : memref<!tpu.dma_semaphore, #tpu.memory_space<semaphore_mem>>)
      %slice3A_153 = vector.extract_strided_slice %get3A_131 {offsets = [2], sizes = [1], strides = [1]} : vector<16xi32> to vector<1xi32>
      %squeeze3A_154 = vector.extract %slice3A_153[0] : i32 from vector<1xi32>
      %add3A_155 = arith.constant 2 : i32
      %add3A_156 = arith.addi %add3A_129, %add3A_155 : i32
      %dma_start3A_157 = arith.constant 0 : i32
      %dma_start3A_158 = tpu.memref_slice %arg9[%add3A_156, %dma_start3A_157] : memref<272x32xf32, #tpu.memory_space<vmem>> -> memref<1x32xf32, #tpu.memory_space<vmem>>
      %dma_start3A_159 = arith.constant 0 : i32
      %dma_start3A_160 = tpu.memref_slice %arg3[%squeeze3A_154, %dma_start3A_159] : memref<1000000x32xf32, #tpu.memory_space<hbm>> -> memref<1x32xf32, #tpu.memory_space<hbm>>
      %dma_start3A_161 = arith.constant 0 : i32
      %dma_start3A_162 = tpu.memref_slice %arg9[%add3A_156, %dma_start3A_161] : memref<272x32xf32, #tpu.memory_space<vmem>> -> memref<1x32xf32, #tpu.memory_space<vmem>>
      %dma_start3A_163 = arith.constant 0 : i32
      %dma_start3A_164 = tpu.memref_slice %arg3[%squeeze3A_154, %dma_start3A_163] : memref<1000000x32xf32, #tpu.memory_space<hbm>> -> memref<1x32xf32, #tpu.memory_space<hbm>>
      tpu.enqueue_dma source(%dma_start3A_164 : memref<1x32xf32, #tpu.memory_space<hbm>>) target(%dma_start3A_162 : memref<1x32xf32, #tpu.memory_space<vmem>>) target_semaphore(%arg10 : memref<!tpu.dma_semaphore, #tpu.memory_space<semaphore_mem>>)
      %slice3A_165 = vector.extract_strided_slice %get3A_131 {offsets = [3], sizes = [1], strides = [1]} : vector<16xi32> to vector<1xi32>
      %squeeze3A_166 = vector.extract %slice3A_165[0] : i32 from vector<1xi32>
      %add3A_167 = arith.constant 3 : i32
      %add3A_168 = arith.addi %add3A_129, %add3A_167 : i32
      %dma_start3A_169 = arith.constant 0 : i32
      %dma_start3A_170 = tpu.memref_slice %arg9[%add3A_168, %dma_start3A_169] : memref<272x32xf32, #tpu.memory_space<vmem>> -> memref<1x32xf32, #tpu.memory_space<vmem>>
      %dma_start3A_171 = arith.constant 0 : i32
      %dma_start3A_172 = tpu.memref_slice %arg3[%squeeze3A_166, %dma_start3A_171] : memref<1000000x32xf32, #tpu.memory_space<hbm>> -> memref<1x32xf32, #tpu.memory_space<hbm>>
      %dma_start3A_173 = arith.constant 0 : i32
      %dma_start3A_174 = tpu.memref_slice %arg9[%add3A_168, %dma_start3A_173] : memref<272x32xf32, #tpu.memory_space<vmem>> -> memref<1x32xf32, #tpu.memory_space<vmem>>
      %dma_start3A_175 = arith.constant 0 : i32
      %dma_start3A_176 = tpu.memref_slice %arg3[%squeeze3A_166, %dma_start3A_175] : memref<1000000x32xf32, #tpu.memory_space<hbm>> -> memref<1x32xf32, #tpu.memory_space<hbm>>
      tpu.enqueue_dma source(%dma_start3A_176 : memref<1x32xf32, #tpu.memory_space<hbm>>) target(%dma_start3A_174 : memref<1x32xf32, #tpu.memory_space<vmem>>) target_semaphore(%arg10 : memref<!tpu.dma_semaphore, #tpu.memory_space<semaphore_mem>>)
      %slice3A_177 = vector.extract_strided_slice %get3A_131 {offsets = [4], sizes = [1], strides = [1]} : vector<16xi32> to vector<1xi32>
      %squeeze3A_178 = vector.extract %slice3A_177[0] : i32 from vector<1xi32>
      %add3A_179 = arith.constant 4 : i32
      %add3A_180 = arith.addi %add3A_129, %add3A_179 : i32
      %dma_start3A_181 = arith.constant 0 : i32
      %dma_start3A_182 = tpu.memref_slice %arg9[%add3A_180, %dma_start3A_181] : memref<272x32xf32, #tpu.memory_space<vmem>> -> memref<1x32xf32, #tpu.memory_space<vmem>>
      %dma_start3A_183 = arith.constant 0 : i32
      %dma_start3A_184 = tpu.memref_slice %arg3[%squeeze3A_178, %dma_start3A_183] : memref<1000000x32xf32, #tpu.memory_space<hbm>> -> memref<1x32xf32, #tpu.memory_space<hbm>>
      %dma_start3A_185 = arith.constant 0 : i32
      %dma_start3A_186 = tpu.memref_slice %arg9[%add3A_180, %dma_start3A_185] : memref<272x32xf32, #tpu.memory_space<vmem>> -> memref<1x32xf32, #tpu.memory_space<vmem>>
      %dma_start3A_187 = arith.constant 0 : i32
      %dma_start3A_188 = tpu.memref_slice %arg3[%squeeze3A_178, %dma_start3A_187] : memref<1000000x32xf32, #tpu.memory_space<hbm>> -> memref<1x32xf32, #tpu.memory_space<hbm>>
      tpu.enqueue_dma source(%dma_start3A_188 : memref<1x32xf32, #tpu.memory_space<hbm>>) target(%dma_start3A_186 : memref<1x32xf32, #tpu.memory_space<vmem>>) target_semaphore(%arg10 : memref<!tpu.dma_semaphore, #tpu.memory_space<semaphore_mem>>)
      %slice3A_189 = vector.extract_strided_slice %get3A_131 {offsets = [5], sizes = [1], strides = [1]} : vector<16xi32> to vector<1xi32>
      %squeeze3A_190 = vector.extract %slice3A_189[0] : i32 from vector<1xi32>
      %add3A_191 = arith.constant 5 : i32
      %add3A_192 = arith.addi %add3A_129, %add3A_191 : i32
      %dma_start3A_193 = arith.constant 0 : i32
      %dma_start3A_194 = tpu.memref_slice %arg9[%add3A_192, %dma_start3A_193] : memref<272x32xf32, #tpu.memory_space<vmem>> -> memref<1x32xf32, #tpu.memory_space<vmem>>
      %dma_start3A_195 = arith.constant 0 : i32
      %dma_start3A_196 = tpu.memref_slice %arg3[%squeeze3A_190, %dma_start3A_195] : memref<1000000x32xf32, #tpu.memory_space<hbm>> -> memref<1x32xf32, #tpu.memory_space<hbm>>
      %dma_start3A_197 = arith.constant 0 : i32
      %dma_start3A_198 = tpu.memref_slice %arg9[%add3A_192, %dma_start3A_197] : memref<272x32xf32, #tpu.memory_space<vmem>> -> memref<1x32xf32, #tpu.memory_space<vmem>>
      %dma_start3A_199 = arith.constant 0 : i32
      %dma_start3A_200 = tpu.memref_slice %arg3[%squeeze3A_190, %dma_start3A_199] : memref<1000000x32xf32, #tpu.memory_space<hbm>> -> memref<1x32xf32, #tpu.memory_space<hbm>>
      tpu.enqueue_dma source(%dma_start3A_200 : memref<1x32xf32, #tpu.memory_space<hbm>>) target(%dma_start3A_198 : memref<1x32xf32, #tpu.memory_space<vmem>>) target_semaphore(%arg10 : memref<!tpu.dma_semaphore, #tpu.memory_space<semaphore_mem>>)
      %slice3A_201 = vector.extract_strided_slice %get3A_131 {offsets = [6], sizes = [1], strides = [1]} : vector<16xi32> to vector<1xi32>
      %squeeze3A_202 = vector.extract %slice3A_201[0] : i32 from vector<1xi32>
      %add3A_203 = arith.constant 6 : i32
      %add3A_204 = arith.addi %add3A_129, %add3A_203 : i32
      %dma_start3A_205 = arith.constant 0 : i32
      %dma_start3A_206 = tpu.memref_slice %arg9[%add3A_204, %dma_start3A_205] : memref<272x32xf32, #tpu.memory_space<vmem>> -> memref<1x32xf32, #tpu.memory_space<vmem>>
      %dma_start3A_207 = arith.constant 0 : i32
      %dma_start3A_208 = tpu.memref_slice %arg3[%squeeze3A_202, %dma_start3A_207] : memref<1000000x32xf32, #tpu.memory_space<hbm>> -> memref<1x32xf32, #tpu.memory_space<hbm>>
      %dma_start3A_209 = arith.constant 0 : i32
      %dma_start3A_210 = tpu.memref_slice %arg9[%add3A_204, %dma_start3A_209] : memref<272x32xf32, #tpu.memory_space<vmem>> -> memref<1x32xf32, #tpu.memory_space<vmem>>
      %dma_start3A_211 = arith.constant 0 : i32
      %dma_start3A_212 = tpu.memref_slice %arg3[%squeeze3A_202, %dma_start3A_211] : memref<1000000x32xf32, #tpu.memory_space<hbm>> -> memref<1x32xf32, #tpu.memory_space<hbm>>
      tpu.enqueue_dma source(%dma_start3A_212 : memref<1x32xf32, #tpu.memory_space<hbm>>) target(%dma_start3A_210 : memref<1x32xf32, #tpu.memory_space<vmem>>) target_semaphore(%arg10 : memref<!tpu.dma_semaphore, #tpu.memory_space<semaphore_mem>>)
      %slice3A_213 = vector.extract_strided_slice %get3A_131 {offsets = [7], sizes = [1], strides = [1]} : vector<16xi32> to vector<1xi32>
      %squeeze3A_214 = vector.extract %slice3A_213[0] : i32 from vector<1xi32>
      %add3A_215 = arith.constant 7 : i32
      %add3A_216 = arith.addi %add3A_129, %add3A_215 : i32
      %dma_start3A_217 = arith.constant 0 : i32
      %dma_start3A_218 = tpu.memref_slice %arg9[%add3A_216, %dma_start3A_217] : memref<272x32xf32, #tpu.memory_space<vmem>> -> memref<1x32xf32, #tpu.memory_space<vmem>>
      %dma_start3A_219 = arith.constant 0 : i32
      %dma_start3A_220 = tpu.memref_slice %arg3[%squeeze3A_214, %dma_start3A_219] : memref<1000000x32xf32, #tpu.memory_space<hbm>> -> memref<1x32xf32, #tpu.memory_space<hbm>>
      %dma_start3A_221 = arith.constant 0 : i32
      %dma_start3A_222 = tpu.memref_slice %arg9[%add3A_216, %dma_start3A_221] : memref<272x32xf32, #tpu.memory_space<vmem>> -> memref<1x32xf32, #tpu.memory_space<vmem>>
      %dma_start3A_223 = arith.constant 0 : i32
      %dma_start3A_224 = tpu.memref_slice %arg3[%squeeze3A_214, %dma_start3A_223] : memref<1000000x32xf32, #tpu.memory_space<hbm>> -> memref<1x32xf32, #tpu.memory_space<hbm>>
      tpu.enqueue_dma source(%dma_start3A_224 : memref<1x32xf32, #tpu.memory_space<hbm>>) target(%dma_start3A_222 : memref<1x32xf32, #tpu.memory_space<vmem>>) target_semaphore(%arg10 : memref<!tpu.dma_semaphore, #tpu.memory_space<semaphore_mem>>)
      %slice3A_225 = vector.extract_strided_slice %get3A_131 {offsets = [8], sizes = [1], strides = [1]} : vector<16xi32> to vector<1xi32>
      %squeeze3A_226 = vector.extract %slice3A_225[0] : i32 from vector<1xi32>
      %add3A_227 = arith.constant 8 : i32
      %add3A_228 = arith.addi %add3A_129, %add3A_227 : i32
      %dma_start3A_229 = arith.constant 0 : i32
      %dma_start3A_230 = tpu.memref_slice %arg9[%add3A_228, %dma_start3A_229] : memref<272x32xf32, #tpu.memory_space<vmem>> -> memref<1x32xf32, #tpu.memory_space<vmem>>
      %dma_start3A_231 = arith.constant 0 : i32
      %dma_start3A_232 = tpu.memref_slice %arg3[%squeeze3A_226, %dma_start3A_231] : memref<1000000x32xf32, #tpu.memory_space<hbm>> -> memref<1x32xf32, #tpu.memory_space<hbm>>
      %dma_start3A_233 = arith.constant 0 : i32
      %dma_start3A_234 = tpu.memref_slice %arg9[%add3A_228, %dma_start3A_233] : memref<272x32xf32, #tpu.memory_space<vmem>> -> memref<1x32xf32, #tpu.memory_space<vmem>>
      %dma_start3A_235 = arith.constant 0 : i32
      %dma_start3A_236 = tpu.memref_slice %arg3[%squeeze3A_226, %dma_start3A_235] : memref<1000000x32xf32, #tpu.memory_space<hbm>> -> memref<1x32xf32, #tpu.memory_space<hbm>>
      tpu.enqueue_dma source(%dma_start3A_236 : memref<1x32xf32, #tpu.memory_space<hbm>>) target(%dma_start3A_234 : memref<1x32xf32, #tpu.memory_space<vmem>>) target_semaphore(%arg10 : memref<!tpu.dma_semaphore, #tpu.memory_space<semaphore_mem>>)
      %slice3A_237 = vector.extract_strided_slice %get3A_131 {offsets = [9], sizes = [1], strides = [1]} : vector<16xi32> to vector<1xi32>
      %squeeze3A_238 = vector.extract %slice3A_237[0] : i32 from vector<1xi32>
      %add3A_239 = arith.constant 9 : i32
      %add3A_240 = arith.addi %add3A_129, %add3A_239 : i32
      %dma_start3A_241 = arith.constant 0 : i32
      %dma_start3A_242 = tpu.memref_slice %arg9[%add3A_240, %dma_start3A_241] : memref<272x32xf32, #tpu.memory_space<vmem>> -> memref<1x32xf32, #tpu.memory_space<vmem>>
      %dma_start3A_243 = arith.constant 0 : i32
      %dma_start3A_244 = tpu.memref_slice %arg3[%squeeze3A_238, %dma_start3A_243] : memref<1000000x32xf32, #tpu.memory_space<hbm>> -> memref<1x32xf32, #tpu.memory_space<hbm>>
      %dma_start3A_245 = arith.constant 0 : i32
      %dma_start3A_246 = tpu.memref_slice %arg9[%add3A_240, %dma_start3A_245] : memref<272x32xf32, #tpu.memory_space<vmem>> -> memref<1x32xf32, #tpu.memory_space<vmem>>
      %dma_start3A_247 = arith.constant 0 : i32
      %dma_start3A_248 = tpu.memref_slice %arg3[%squeeze3A_238, %dma_start3A_247] : memref<1000000x32xf32, #tpu.memory_space<hbm>> -> memref<1x32xf32, #tpu.memory_space<hbm>>
      tpu.enqueue_dma source(%dma_start3A_248 : memref<1x32xf32, #tpu.memory_space<hbm>>) target(%dma_start3A_246 : memref<1x32xf32, #tpu.memory_space<vmem>>) target_semaphore(%arg10 : memref<!tpu.dma_semaphore, #tpu.memory_space<semaphore_mem>>)
      %slice3A_249 = vector.extract_strided_slice %get3A_131 {offsets = [10], sizes = [1], strides = [1]} : vector<16xi32> to vector<1xi32>
      %squeeze3A_250 = vector.extract %slice3A_249[0] : i32 from vector<1xi32>
      %add3A_251 = arith.constant 10 : i32
      %add3A_252 = arith.addi %add3A_129, %add3A_251 : i32
      %dma_start3A_253 = arith.constant 0 : i32
      %dma_start3A_254 = tpu.memref_slice %arg9[%add3A_252, %dma_start3A_253] : memref<272x32xf32, #tpu.memory_space<vmem>> -> memref<1x32xf32, #tpu.memory_space<vmem>>
      %dma_start3A_255 = arith.constant 0 : i32
      %dma_start3A_256 = tpu.memref_slice %arg3[%squeeze3A_250, %dma_start3A_255] : memref<1000000x32xf32, #tpu.memory_space<hbm>> -> memref<1x32xf32, #tpu.memory_space<hbm>>
      %dma_start3A_257 = arith.constant 0 : i32
      %dma_start3A_258 = tpu.memref_slice %arg9[%add3A_252, %dma_start3A_257] : memref<272x32xf32, #tpu.memory_space<vmem>> -> memref<1x32xf32, #tpu.memory_space<vmem>>
      %dma_start3A_259 = arith.constant 0 : i32
      %dma_start3A_260 = tpu.memref_slice %arg3[%squeeze3A_250, %dma_start3A_259] : memref<1000000x32xf32, #tpu.memory_space<hbm>> -> memref<1x32xf32, #tpu.memory_space<hbm>>
      tpu.enqueue_dma source(%dma_start3A_260 : memref<1x32xf32, #tpu.memory_space<hbm>>) target(%dma_start3A_258 : memref<1x32xf32, #tpu.memory_space<vmem>>) target_semaphore(%arg10 : memref<!tpu.dma_semaphore, #tpu.memory_space<semaphore_mem>>)
      %slice3A_261 = vector.extract_strided_slice %get3A_131 {offsets = [11], sizes = [1], strides = [1]} : vector<16xi32> to vector<1xi32>
      %squeeze3A_262 = vector.extract %slice3A_261[0] : i32 from vector<1xi32>
      %add3A_263 = arith.constant 11 : i32
      %add3A_264 = arith.addi %add3A_129, %add3A_263 : i32
      %dma_start3A_265 = arith.constant 0 : i32
      %dma_start3A_266 = tpu.memref_slice %arg9[%add3A_264, %dma_start3A_265] : memref<272x32xf32, #tpu.memory_space<vmem>> -> memref<1x32xf32, #tpu.memory_space<vmem>>
      %dma_start3A_267 = arith.constant 0 : i32
      %dma_start3A_268 = tpu.memref_slice %arg3[%squeeze3A_262, %dma_start3A_267] : memref<1000000x32xf32, #tpu.memory_space<hbm>> -> memref<1x32xf32, #tpu.memory_space<hbm>>
      %dma_start3A_269 = arith.constant 0 : i32
      %dma_start3A_270 = tpu.memref_slice %arg9[%add3A_264, %dma_start3A_269] : memref<272x32xf32, #tpu.memory_space<vmem>> -> memref<1x32xf32, #tpu.memory_space<vmem>>
      %dma_start3A_271 = arith.constant 0 : i32
      %dma_start3A_272 = tpu.memref_slice %arg3[%squeeze3A_262, %dma_start3A_271] : memref<1000000x32xf32, #tpu.memory_space<hbm>> -> memref<1x32xf32, #tpu.memory_space<hbm>>
      tpu.enqueue_dma source(%dma_start3A_272 : memref<1x32xf32, #tpu.memory_space<hbm>>) target(%dma_start3A_270 : memref<1x32xf32, #tpu.memory_space<vmem>>) target_semaphore(%arg10 : memref<!tpu.dma_semaphore, #tpu.memory_space<semaphore_mem>>)
      %slice3A_273 = vector.extract_strided_slice %get3A_131 {offsets = [12], sizes = [1], strides = [1]} : vector<16xi32> to vector<1xi32>
      %squeeze3A_274 = vector.extract %slice3A_273[0] : i32 from vector<1xi32>
      %add3A_275 = arith.constant 12 : i32
      %add3A_276 = arith.addi %add3A_129, %add3A_275 : i32
      %dma_start3A_277 = arith.constant 0 : i32
      %dma_start3A_278 = tpu.memref_slice %arg9[%add3A_276, %dma_start3A_277] : memref<272x32xf32, #tpu.memory_space<vmem>> -> memref<1x32xf32, #tpu.memory_space<vmem>>
      %dma_start3A_279 = arith.constant 0 : i32
      %dma_start3A_280 = tpu.memref_slice %arg3[%squeeze3A_274, %dma_start3A_279] : memref<1000000x32xf32, #tpu.memory_space<hbm>> -> memref<1x32xf32, #tpu.memory_space<hbm>>
      %dma_start3A_281 = arith.constant 0 : i32
      %dma_start3A_282 = tpu.memref_slice %arg9[%add3A_276, %dma_start3A_281] : memref<272x32xf32, #tpu.memory_space<vmem>> -> memref<1x32xf32, #tpu.memory_space<vmem>>
      %dma_start3A_283 = arith.constant 0 : i32
      %dma_start3A_284 = tpu.memref_slice %arg3[%squeeze3A_274, %dma_start3A_283] : memref<1000000x32xf32, #tpu.memory_space<hbm>> -> memref<1x32xf32, #tpu.memory_space<hbm>>
      tpu.enqueue_dma source(%dma_start3A_284 : memref<1x32xf32, #tpu.memory_space<hbm>>) target(%dma_start3A_282 : memref<1x32xf32, #tpu.memory_space<vmem>>) target_semaphore(%arg10 : memref<!tpu.dma_semaphore, #tpu.memory_space<semaphore_mem>>)
      %slice3A_285 = vector.extract_strided_slice %get3A_131 {offsets = [13], sizes = [1], strides = [1]} : vector<16xi32> to vector<1xi32>
      %squeeze3A_286 = vector.extract %slice3A_285[0] : i32 from vector<1xi32>
      %add3A_287 = arith.constant 13 : i32
      %add3A_288 = arith.addi %add3A_129, %add3A_287 : i32
      %dma_start3A_289 = arith.constant 0 : i32
      %dma_start3A_290 = tpu.memref_slice %arg9[%add3A_288, %dma_start3A_289] : memref<272x32xf32, #tpu.memory_space<vmem>> -> memref<1x32xf32, #tpu.memory_space<vmem>>
      %dma_start3A_291 = arith.constant 0 : i32
      %dma_start3A_292 = tpu.memref_slice %arg3[%squeeze3A_286, %dma_start3A_291] : memref<1000000x32xf32, #tpu.memory_space<hbm>> -> memref<1x32xf32, #tpu.memory_space<hbm>>
      %dma_start3A_293 = arith.constant 0 : i32
      %dma_start3A_294 = tpu.memref_slice %arg9[%add3A_288, %dma_start3A_293] : memref<272x32xf32, #tpu.memory_space<vmem>> -> memref<1x32xf32, #tpu.memory_space<vmem>>
      %dma_start3A_295 = arith.constant 0 : i32
      %dma_start3A_296 = tpu.memref_slice %arg3[%squeeze3A_286, %dma_start3A_295] : memref<1000000x32xf32, #tpu.memory_space<hbm>> -> memref<1x32xf32, #tpu.memory_space<hbm>>
      tpu.enqueue_dma source(%dma_start3A_296 : memref<1x32xf32, #tpu.memory_space<hbm>>) target(%dma_start3A_294 : memref<1x32xf32, #tpu.memory_space<vmem>>) target_semaphore(%arg10 : memref<!tpu.dma_semaphore, #tpu.memory_space<semaphore_mem>>)
      %slice3A_297 = vector.extract_strided_slice %get3A_131 {offsets = [14], sizes = [1], strides = [1]} : vector<16xi32> to vector<1xi32>
      %squeeze3A_298 = vector.extract %slice3A_297[0] : i32 from vector<1xi32>
      %add3A_299 = arith.constant 14 : i32
      %add3A_300 = arith.addi %add3A_129, %add3A_299 : i32
      %dma_start3A_301 = arith.constant 0 : i32
      %dma_start3A_302 = tpu.memref_slice %arg9[%add3A_300, %dma_start3A_301] : memref<272x32xf32, #tpu.memory_space<vmem>> -> memref<1x32xf32, #tpu.memory_space<vmem>>
      %dma_start3A_303 = arith.constant 0 : i32
      %dma_start3A_304 = tpu.memref_slice %arg3[%squeeze3A_298, %dma_start3A_303] : memref<1000000x32xf32, #tpu.memory_space<hbm>> -> memref<1x32xf32, #tpu.memory_space<hbm>>
      %dma_start3A_305 = arith.constant 0 : i32
      %dma_start3A_306 = tpu.memref_slice %arg9[%add3A_300, %dma_start3A_305] : memref<272x32xf32, #tpu.memory_space<vmem>> -> memref<1x32xf32, #tpu.memory_space<vmem>>
      %dma_start3A_307 = arith.constant 0 : i32
      %dma_start3A_308 = tpu.memref_slice %arg3[%squeeze3A_298, %dma_start3A_307] : memref<1000000x32xf32, #tpu.memory_space<hbm>> -> memref<1x32xf32, #tpu.memory_space<hbm>>
      tpu.enqueue_dma source(%dma_start3A_308 : memref<1x32xf32, #tpu.memory_space<hbm>>) target(%dma_start3A_306 : memref<1x32xf32, #tpu.memory_space<vmem>>) target_semaphore(%arg10 : memref<!tpu.dma_semaphore, #tpu.memory_space<semaphore_mem>>)
      %slice3A_309 = vector.extract_strided_slice %get3A_131 {offsets = [15], sizes = [1], strides = [1]} : vector<16xi32> to vector<1xi32>
      %squeeze3A_310 = vector.extract %slice3A_309[0] : i32 from vector<1xi32>
      %add3A_311 = arith.constant 15 : i32
      %add3A_312 = arith.addi %add3A_129, %add3A_311 : i32
      %dma_start3A_313 = arith.constant 0 : i32
      %dma_start3A_314 = tpu.memref_slice %arg9[%add3A_312, %dma_start3A_313] : memref<272x32xf32, #tpu.memory_space<vmem>> -> memref<1x32xf32, #tpu.memory_space<vmem>>
      %dma_start3A_315 = arith.constant 0 : i32
      %dma_start3A_316 = tpu.memref_slice %arg3[%squeeze3A_310, %dma_start3A_315] : memref<1000000x32xf32, #tpu.memory_space<hbm>> -> memref<1x32xf32, #tpu.memory_space<hbm>>
      %dma_start3A_317 = arith.constant 0 : i32
      %dma_start3A_318 = tpu.memref_slice %arg9[%add3A_312, %dma_start3A_317] : memref<272x32xf32, #tpu.memory_space<vmem>> -> memref<1x32xf32, #tpu.memory_space<vmem>>
      %dma_start3A_319 = arith.constant 0 : i32
      %dma_start3A_320 = tpu.memref_slice %arg3[%squeeze3A_310, %dma_start3A_319] : memref<1000000x32xf32, #tpu.memory_space<hbm>> -> memref<1x32xf32, #tpu.memory_space<hbm>>
      tpu.enqueue_dma source(%dma_start3A_320 : memref<1x32xf32, #tpu.memory_space<hbm>>) target(%dma_start3A_318 : memref<1x32xf32, #tpu.memory_space<vmem>>) target_semaphore(%arg10 : memref<!tpu.dma_semaphore, #tpu.memory_space<semaphore_mem>>)
    }
    %scan3A_112 = arith.constant 17 : i32
    %dma_wait3A_113 = arith.constant 0 : i32
    %dma_wait3A_114 = arith.constant 0 : i32
    %dma_wait3A_115 = tpu.memref_slice %arg9[%dma_wait3A_113, %dma_wait3A_114] : memref<272x32xf32, #tpu.memory_space<vmem>> -> memref<272x32xf32, #tpu.memory_space<vmem>>
    %dma_wait3A_116 = arith.constant 0 : i32
    %dma_wait3A_117 = arith.constant 0 : i32
    %dma_wait3A_118 = tpu.memref_slice %arg3[%dma_wait3A_116, %dma_wait3A_117] : memref<1000000x32xf32, #tpu.memory_space<hbm>> -> memref<272x32xf32, #tpu.memory_space<hbm>>
    %dma_wait3A_119 = arith.constant 0 : i32
    %dma_wait3A_120 = arith.constant 0 : i32
    %dma_wait3A_121 = tpu.memref_slice %arg9[%dma_wait3A_119, %dma_wait3A_120] : memref<272x32xf32, #tpu.memory_space<vmem>> -> memref<272x32xf32, #tpu.memory_space<vmem>>
    %dma_wait3A_122 = arith.constant 0 : i32
    %dma_wait3A_123 = arith.constant 0 : i32
    %dma_wait3A_124 = tpu.memref_slice %arg3[%dma_wait3A_122, %dma_wait3A_123] : memref<1000000x32xf32, #tpu.memory_space<hbm>> -> memref<272x32xf32, #tpu.memory_space<hbm>>
    tpu.wait_dma2 semaphore(%arg10 : memref<!tpu.dma_semaphore, #tpu.memory_space<semaphore_mem>>) src(%dma_wait3A_124 : memref<272x32xf32, #tpu.memory_space<hbm>>) dst(%dma_wait3A_121 : memref<272x32xf32, #tpu.memory_space<vmem>>)
    "tpu.region"() ({
      %run_scoped3A = tpu.sem_alloc : memref<!tpu.dma_semaphore, #tpu.memory_space<semaphore_mem>>
      %dma_start3A = arith.constant 0 : i32
      %dma_start3A_125 = arith.constant 0 : i32
      %dma_start3A_126 = tpu.memref_slice %arg9[%dma_start3A, %dma_start3A_125] : memref<272x32xf32, #tpu.memory_space<vmem>> -> memref<272x32xf32, #tpu.memory_space<vmem>>
      %dma_start3A_127 = arith.constant 0 : i32
      %dma_start3A_128 = tpu.memref_slice %arg7[%add3A_107, %dma_start3A_127] : memref<34816x32xf32, #tpu.memory_space<hbm>> -> memref<272x32xf32, #tpu.memory_space<hbm>>
      %dma_start3A_129 = arith.constant 0 : i32
      %dma_start3A_130 = tpu.memref_slice %arg7[%add3A_107, %dma_start3A_129] : memref<34816x32xf32, #tpu.memory_space<hbm>> -> memref<272x32xf32, #tpu.memory_space<hbm>>
      %dma_start3A_131 = arith.constant 0 : i32
      %dma_start3A_132 = arith.constant 0 : i32
      %dma_start3A_133 = tpu.memref_slice %arg9[%dma_start3A_131, %dma_start3A_132] : memref<272x32xf32, #tpu.memory_space<vmem>> -> memref<272x32xf32, #tpu.memory_space<vmem>>
      tpu.enqueue_dma source(%dma_start3A_133 : memref<272x32xf32, #tpu.memory_space<vmem>>) target(%dma_start3A_130 : memref<272x32xf32, #tpu.memory_space<hbm>>) target_semaphore(%run_scoped3A : memref<!tpu.dma_semaphore, #tpu.memory_space<semaphore_mem>>)
      %dma_wait3A_134 = arith.constant 0 : i32
      %dma_wait3A_135 = arith.constant 0 : i32
      %dma_wait3A_136 = tpu.memref_slice %arg9[%dma_wait3A_134, %dma_wait3A_135] : memref<272x32xf32, #tpu.memory_space<vmem>> -> memref<272x32xf32, #tpu.memory_space<vmem>>
      %dma_wait3A_137 = arith.constant 0 : i32
      %dma_wait3A_138 = tpu.memref_slice %arg7[%add3A_107, %dma_wait3A_137] : memref<34816x32xf32, #tpu.memory_space<hbm>> -> memref<272x32xf32, #tpu.memory_space<hbm>>
      %dma_wait3A_139 = arith.constant 0 : i32
      %dma_wait3A_140 = tpu.memref_slice %arg7[%add3A_107, %dma_wait3A_139] : memref<34816x32xf32, #tpu.memory_space<hbm>> -> memref<272x32xf32, #tpu.memory_space<hbm>>
      %dma_wait3A_141 = arith.constant 0 : i32
      %dma_wait3A_142 = arith.constant 0 : i32
      %dma_wait3A_143 = tpu.memref_slice %arg9[%dma_wait3A_141, %dma_wait3A_142] : memref<272x32xf32, #tpu.memory_space<vmem>> -> memref<272x32xf32, #tpu.memory_space<vmem>>
      tpu.wait_dma2 semaphore(%run_scoped3A : memref<!tpu.dma_semaphore, #tpu.memory_space<semaphore_mem>>) src(%dma_wait3A_143 : memref<272x32xf32, #tpu.memory_space<vmem>>) dst(%dma_wait3A_140 : memref<272x32xf32, #tpu.memory_space<hbm>>)
      tpu.yield
    }) : () -> ()
    return
  }
}

module attributes {stable_mosaic.version = 14 : i64} {
  func.func @_main_body(%arg0: i32, %arg1: memref<2048x32xf32, #tpu.memory_space<vmem>>, %arg2: memref<2048x32xf32, #tpu.memory_space<vmem>>, %arg3: memref<2048x32xf32, #tpu.memory_space<vmem>>, %arg4: memref<16x32xf32, #tpu.memory_space<vmem>>, %arg5: memref<2048x1xf32, #tpu.memory_space<vmem>>) attributes {dimension_semantics = [#tpu.dimension_semantics<arbitrary>], iteration_bounds = array<i64: 8>, scalar_prefetch = 0 : i64, scratch_operands = 0 : i64, tpu.core_type = #tpu.core_type<tc>, window_params = [{transform_indices = @transform_0, window_bounds = array<i64: 2048, 32>}, {transform_indices = @transform_1, window_bounds = array<i64: 2048, 32>}, {transform_indices = @transform_2, window_bounds = array<i64: 2048, 32>}, {pipeline_mode = #tpu.pipeline_mode<synchronous>, transform_indices = @transform_3, window_bounds = array<i64: 16, 32>}, {transform_indices = @transform_4, window_bounds = array<i64: 2048, 1>}]} {
    %get3A = arith.constant 0 : index
    %get3A_0 = arith.constant 0 : index
    %get3A_1 = vector.load %arg4[%get3A, %get3A_0] : memref<16x32xf32, #tpu.memory_space<vmem>>, vector<16x32xf32>
    %get3A_2 = arith.constant 0 : index
    %get3A_3 = arith.constant 0 : index
    %get3A_4 = vector.load %arg1[%get3A_2, %get3A_3] : memref<2048x32xf32, #tpu.memory_space<vmem>>, vector<2048x32xf32>
    %dot_general3A = arith.constant dense<0.000000e+00> : vector<2048x16xf32>
    %dot_general3A_5 = tpu.matmul %get3A_4, %get3A_1, %dot_general3A {dimension_numbers = #tpu.dot_dimension_numbers<[1], [1], [0], [0], [0, 0, 1, 0], [], []>, precision = #tpu.contract_precision<fp32>, transpose_lhs_hint = false} : vector<2048x32xf32>, vector<16x32xf32>, vector<2048x16xf32> -> vector<2048x16xf32>
    %get3A_6 = arith.constant 0 : index
    %get3A_7 = arith.constant 0 : index
    %get3A_8 = vector.load %arg2[%get3A_6, %get3A_7] : memref<2048x32xf32, #tpu.memory_space<vmem>>, vector<2048x32xf32>
    %get3A_9 = arith.constant 0 : index
    %get3A_10 = arith.constant 0 : index
    %get3A_11 = vector.load %arg3[%get3A_9, %get3A_10] : memref<2048x32xf32, #tpu.memory_space<vmem>>, vector<2048x32xf32>
    %sub3A = arith.subf %get3A_8, %get3A_11 : vector<2048x32xf32>
    %dot_general3A_12 = arith.constant dense<0.000000e+00> : vector<2048x16xf32>
    %dot_general3A_13 = tpu.matmul %sub3A, %get3A_1, %dot_general3A_12 {dimension_numbers = #tpu.dot_dimension_numbers<[1], [1], [0], [0], [0, 0, 1, 0], [], []>, precision = #tpu.contract_precision<fp32>, transpose_lhs_hint = false} : vector<2048x32xf32>, vector<16x32xf32>, vector<2048x16xf32> -> vector<2048x16xf32>
    %mul3A = arith.mulf %dot_general3A_5, %dot_general3A_13 : vector<2048x16xf32>
    %reduce_sum3A = arith.constant dense<0.000000e+00> : vector<2048xf32>
    %reduce_sum3A_14 = vector.multi_reduction <add>, %mul3A, %reduce_sum3A [1] : vector<2048x16xf32> to vector<2048xf32>
    %broadcast_in_dim3A = vector.shape_cast %reduce_sum3A_14 : vector<2048xf32> to vector<2048x1xf32>
    %swap3A = arith.constant 0 : index
    %swap3A_15 = arith.constant 0 : index
    %swap3A_16 = vector.load %arg5[%swap3A, %swap3A_15] : memref<2048x1xf32, #tpu.memory_space<vmem>>, vector<2048x1xf32>
    tpu.vector_store %arg5[%swap3A, %swap3A_15], %broadcast_in_dim3A {strides = array<i32>} : memref<2048x1xf32, #tpu.memory_space<vmem>>, vector<2048x1xf32>,
    return
  }
  func.func @transform_0(%arg0: i32) -> (i32, i32) {
    %c0_i32 = arith.constant 0 : i32
    %c0_i32_0 = arith.constant 0 : i32
    return %arg0, %c0_i32 : i32, i32
  }
  func.func @transform_1(%arg0: i32) -> (i32, i32) {
    %add3A = arith.constant 1 : i32
    %add3A_0 = arith.addi %arg0, %add3A : i32
    %c0_i32 = arith.constant 0 : i32
    %c0_i32_1 = arith.constant 0 : i32
    return %add3A_0, %c0_i32 : i32, i32
  }
  func.func @transform_2(%arg0: i32) -> (i32, i32) {
    %add3A = arith.constant 1 : i32
    %add3A_0 = arith.addi %arg0, %add3A : i32
    %add3A_1 = arith.constant 8 : i32
    %add3A_2 = arith.addi %add3A_0, %add3A_1 : i32
    %c0_i32 = arith.constant 0 : i32
    %c0_i32_3 = arith.constant 0 : i32
    return %add3A_2, %c0_i32 : i32, i32
  }
  func.func @transform_3(%arg0: i32) -> (i32, i32) {
    %c0_i32 = arith.constant 0 : i32
    %c0_i32_0 = arith.constant 0 : i32
    %c0_i32_1 = arith.constant 0 : i32
    return %c0_i32, %c0_i32_0 : i32, i32
  }
  func.func @transform_4(%arg0: i32) -> (i32, i32) {
    %c0_i32 = arith.constant 0 : i32
    %c0_i32_0 = arith.constant 0 : i32
    return %arg0, %c0_i32 : i32, i32
  }
}

module attributes {stable_mosaic.version = 14 : i64} {
  func.func @_cbuild_body(%arg0: i32, %arg1: memref<64x32xf32, #tpu.memory_space<vmem>>, %arg2: memref<1x64xi32, #tpu.memory_space<vmem>>, %arg3: memref<1x64xf32, #tpu.memory_space<vmem>>, %arg4: memref<16x32xf32, #tpu.memory_space<vmem>>) attributes {dimension_semantics = [#tpu.dimension_semantics<arbitrary>], iteration_bounds = array<i64: 1>, scalar_prefetch = 0 : i64, scratch_operands = 0 : i64, tpu.core_type = #tpu.core_type<tc>, window_params = [{transform_indices = @transform_0, window_bounds = array<i64: 64, 32>}, {pipeline_mode = #tpu.pipeline_mode<synchronous>, transform_indices = @transform_1, window_bounds = array<i64: 1, 64>}, {pipeline_mode = #tpu.pipeline_mode<synchronous>, transform_indices = @transform_2, window_bounds = array<i64: 1, 64>}, {pipeline_mode = #tpu.pipeline_mode<synchronous>, transform_indices = @transform_3, window_bounds = array<i64: 16, 32>}]} {
    %iota3A = tpu.iota {dimensions = array<i32: 0>} : vector<16x64xi32>
    %get3A = arith.constant 0 : index
    %get3A_0 = arith.constant 0 : index
    %get3A_1 = vector.load %arg2[%get3A, %get3A_0] : memref<1x64xi32, #tpu.memory_space<vmem>>, vector<1x64xi32>
    %eq3A = vector.broadcast %get3A_1 : vector<1x64xi32> to vector<16x64xi32>
    %eq3A_2 = arith.cmpi eq, %iota3A, %eq3A : vector<16x64xi32>
    %get3A_3 = arith.constant 0 : index
    %get3A_4 = arith.constant 0 : index
    %get3A_5 = vector.load %arg3[%get3A_3, %get3A_4] : memref<1x64xf32, #tpu.memory_space<vmem>>, vector<1x64xf32>
    %jit3A = arith.constant 0.000000e+00 : f32
    %broadcast_in_dim3A = vector.shape_cast %get3A_5 : vector<1x64xf32> to vector<1x64xf32>
    %broadcast_in_dim3A_6 = vector.broadcast %broadcast_in_dim3A : vector<1x64xf32> to vector<16x64xf32>
    %broadcast_in_dim3A_7 = vector.broadcast %jit3A : f32 to vector<16x64xf32>
    %select_n3A = arith.select %eq3A_2, %broadcast_in_dim3A_6, %broadcast_in_dim3A_7 : vector<16x64xi1>, vector<16x64xf32>
    %get3A_8 = arith.constant 0 : index
    %get3A_9 = arith.constant 0 : index
    %get3A_10 = vector.load %arg1[%get3A_8, %get3A_9] : memref<64x32xf32, #tpu.memory_space<vmem>>, vector<64x32xf32>
    %dot_general3A = arith.constant dense<0.000000e+00> : vector<16x32xf32>
    %dot_general3A_11 = tpu.matmul %select_n3A, %get3A_10, %dot_general3A {dimension_numbers = #tpu.dot_dimension_numbers<[1], [0], [0], [1], [0, 0, 1, 1], [], []>, precision = #tpu.contract_precision<fp32>, transpose_lhs_hint = false} : vector<16x64xf32>, vector<64x32xf32>, vector<16x32xf32> -> vector<16x32xf32>
    %swap3A = arith.constant 0 : index
    %swap3A_12 = arith.constant 0 : index
    %swap3A_13 = vector.load %arg4[%swap3A, %swap3A_12] : memref<16x32xf32, #tpu.memory_space<vmem>>, vector<16x32xf32>
    tpu.vector_store %arg4[%swap3A, %swap3A_12], %dot_general3A_11 {strides = array<i32>} : memref<16x32xf32, #tpu.memory_space<vmem>>, vector<16x32xf32>,
    return
  }
  func.func @transform_0(%arg0: i32) -> (i32, i32) {
    %c0_i32 = arith.constant 0 : i32
    %c0_i32_0 = arith.constant 0 : i32
    %c0_i32_1 = arith.constant 0 : i32
    return %c0_i32, %c0_i32_0 : i32, i32
  }
  func.func @transform_1(%arg0: i32) -> (i32, i32) {
    %c0_i32 = arith.constant 0 : i32
    %c0_i32_0 = arith.constant 0 : i32
    %c0_i32_1 = arith.constant 0 : i32
    return %c0_i32, %c0_i32_0 : i32, i32
  }
  func.func @transform_2(%arg0: i32) -> (i32, i32) {
    %c0_i32 = arith.constant 0 : i32
    %c0_i32_0 = arith.constant 0 : i32
    %c0_i32_1 = arith.constant 0 : i32
    return %c0_i32, %c0_i32_0 : i32, i32
  }
  func.func @transform_3(%arg0: i32) -> (i32, i32) {
    %c0_i32 = arith.constant 0 : i32
    %c0_i32_0 = arith.constant 0 : i32
    %c0_i32_1 = arith.constant 0 : i32
    return %c0_i32, %c0_i32_0 : i32, i32
  }
}

</mosaic_0001>

<sc_bundles>
// kernel: kernel.5.cloned.1.call-start
scs
__scs_entry_jumppad:
0x0: {  	(pc) =	sbr.rel $0x88, $3  }
0x1: {  	(tag) =	ssettag $0x0;
	lr =	simm.s32 $0x1  }
0x2: {  	[smem:$0x3F9A] =	sst lr;
	_ =	strace $0xD0000000  }
0x3: {  	_ = 	snop  }
0x4: {  	_ = 	snop  }
0x5: {  	_ = 	snop  }
0x6: {  	_ = 	snop  }
0x7: {  	_ = 	snop  }
__scs_overlays_trampoline_lowered:
0x8: {  	[smem:$0x3FA9] =	sst s0  }
0x9: {  	[smem:$0x3FAA] =	sst s1  }
0xa: {  	[smem:$0x3FAB] =	sst s2  }
0xb: {  	[smem:$0x3FAC] =	sst s3  }
0xc: {  	[smem:$0x3FAD] =	sst s4  }
0xd: {  	[smem:$0x3FAE] =	sst s5  }
0xe: {  	[smem:$0x3FAF] =	sst s6  }
0xf: {  	[smem:$0x3FB0] =	sst s7  }
0x10: {  	[smem:$0x3FB1] =	sst s8  }
0x11: {  	[smem:$0x3FB2] =	sst s9;
	s0 =	simm.s32 @!p0 $0x0  }
0x12: {  	s1 =	sld [smem:$0x3F98];
	s0 =	simm.s32 @p0 $0x1  }
0x13: {  	[smem:$0x3FB3] =	sst s0;
	s0 =	simm.s32 @!p1 $0x0  }
0x14: {  	s2 =	sld [smem:$0x3F97];
	s0 =	simm.s32 @p1 $0x1  }
0x15: {  	[smem:$0x3FB4] =	sst s0;
	s0 =	simm.s32 @!p2 $0x0  }
0x16: {  	s3 =	sld [smem:$0x3FDB];
	s0 =	simm.s32 @p2 $0x1  }
0x17: {  	s4 =	simm.s32 $0x1BF5;
	[smem:$0x3FB6] =	sst s0  }
0x18: {  	s0 =	sld [smem:$0x3F99];
	_ =	swait.ge [sflag:s4], $0x0  }
0x19: {  	s7 =	sld [smem:$0x3F9A]  }
0x1a: {  	s8 =	sadd.s32 $0xFFFFE003, lr  }
0x1b: {  	s9 =	sadd.s32 $0xFFFFFEF7, lr;
	s5 =	simm.s32 $0xFFFFFFFF;
	p2 =	slt.u32 s8, $0xFFFFF086  }
0x1c: {  	p1 =	slt.u32 s9, $0xF7A;
	s5 =	simm.s32 @!p2 $0x0  }
0x1d: {  	s5 =	simm.s32 @p1 $0x1;
	p0 =	seq.s32 s7, s2  }
0x1e: {  	s7 =	smul.u32 @!p0 $0xF7A, s2;
	p2 =	seq.s32 @!p0 s5, $0x0  }
0x1f: {  	s9 =	smul.u32 $0xF7A, s1;
	s8 =	simm.s32 @!p0 $0x1BF5;
	p2 =	por !p2, p0  }
0x20: {  	[sflag:s8] =	ssyncset.s32 @!p0 $0xFFFFF086;
	s6 =	sadd.s32 @!p0 s3, s7;
	s7 =	simm.s32 @!p0 $0x108  }
0x21: {  	s3 =	sadd.s32 s3, s9;
	s6 =	sadd.s32 @!p0 $0x88, s6;
	s7 =	simm.s32 @p2 $0x1082  }
0x22: {  	[simem:s7], [sflag:s8] =	dma.local @!p0 [hbm:s6], $0xF7A  }
0x23: {  	s9 =	sor.u32 $0xD0000000, s2;
	s6 =	simm.s32 $0x108;
	_ =	swait.ge @!p0 [sflag:s8], $0x0  }
0x24: {  	s3 =	sadd.s32 $0x88, s3;
	s6 =	simm.s32 @!p1 $0x1082;
	[sflag:s4] =	ssyncset.s32 $0xFFFFF086  }
0x25: {  	[simem:s6], [sflag:s4] =	dma.local [hbm:s3], $0xF7A  }
0x26: {  	[smem:$0x3F9A] =	sst s1;
	(tag) =	ssettag s2;
	_ =	strace s9  }
0x27: {  	s1 =	sld [smem:$0x3FAA]  }
0x28: {  	s2 =	sld [smem:$0x3FAB]  }
0x29: {  	s4 =	sld [smem:$0x3FAD]  }
0x2a: {  	p0 =	seq.s32 s5, $0x0;
	s5 =	sld [smem:$0x3FAE]  }
0x2b: {  	s6 =	sld [smem:$0x3FAF]  }
0x2c: {  	s7 =	sld [smem:$0x3FB0]  }
0x2d: {  	s3 =	simm.s32 $0x108;
	s8 =	sld [smem:$0x3FB1]  }
0x2e: {  	s3 =	simm.s32 @!p0 $0x1082;
	s9 =	sld [smem:$0x3FB2]  }
0x2f: {  	lr =	sadd.s32 s0, s3;
	s0 =	sld [smem:$0x3FA9]  }
0x30: {  	s3 =	sld [smem:$0x3FAC]  }
0x31: {  	[smem:$0x3FB5] =	sst s10  }
0x32: {  	s10 =	sld [smem:$0x3FB3];
	_ =	sdelay $0x3  }
0x33: {  	p0 =	seq.s32 s10, $0x1;
	s10 =	sld [smem:$0x3FB5];
	_ =	sdelay $0x3  }
0x34: {  	[smem:$0x3FB5] =	sst s10  }
0x35: {  	s10 =	sld [smem:$0x3FB4];
	_ =	sdelay $0x3  }
0x36: {  	p1 =	seq.s32 s10, $0x1;
	s10 =	sld [smem:$0x3FB5];
	_ =	sdelay $0x3  }
0x37: {  	[smem:$0x3FB5] =	sst s10  }
0x38: {  	s10 =	sld [smem:$0x3FB6]  }
0x39: {  	_ = 	snop;
	(pc) =	sbr.ind lr, $3  }
0x3a: {  	_ = 	snop  }
0x3b: {  	_ = 	snop  }
0x3c: {  	p2 =	seq.s32 s10, $0x1;
	s10 =	sld [smem:$0x3FB5]  }
0x3d: {  	_ =	shalt  }
0x3e: {  	_ =	shalt  }
0x3f: {  	_ =	shalt  }
0x40: {  	_ =	shalt  }
0x41: {  	_ =	shalt  }
0x42: {  	_ =	shalt  }
0x43: {  	_ =	shalt  }
0x44: {  	_ =	shalt  }
0x45: {  	_ =	shalt  }
0x46: {  	_ =	shalt  }
0x47: {  	_ =	shalt  }
0x48: {  	_ =	shalt  }
0x49: {  	_ =	shalt  }
0x4a: {  	_ =	shalt  }
0x4b: {  	_ =	shalt  }
0x4c: {  	_ =	shalt  }
0x4d: {  	_ =	shalt  }
0x4e: {  	_ =	shalt  }
0x4f: {  	_ =	shalt  }
0x50: {  	_ =	shalt  }
0x51: {  	_ =	shalt  }
0x52: {  	_ =	shalt  }
0x53: {  	_ =	shalt  }
0x54: {  	_ =	shalt  }
0x55: {  	_ =	shalt  }
0x56: {  	_ =	shalt  }
0x57: {  	_ =	shalt  }
0x58: {  	_ =	shalt  }
0x59: {  	_ =	shalt  }
0x5a: {  	_ =	shalt  }
0x5b: {  	_ =	shalt  }
0x5c: {  	_ =	shalt  }
0x5d: {  	_ =	shalt  }
0x5e: {  	_ =	shalt  }
0x5f: {  	_ =	shalt  }
0x60: {  	_ =	shalt  }
0x61: {  	_ =	shalt  }
0x62: {  	_ =	shalt  }
0x63: {  	_ =	shalt  }
0x64: {  	_ =	shalt  }
0x65: {  	_ =	shalt  }
0x66: {  	_ =	shalt  }
0x67: {  	_ =	shalt  }
0x68: {  	_ =	shalt  }
0x69: {  	_ =	shalt  }
0x6a: {  	_ =	shalt  }
0x6b: {  	_ =	shalt  }
0x6c: {  	_ =	shalt  }
0x6d: {  	_ =	shalt  }
0x6e: {  	_ =	shalt  }
0x6f: {  	_ =	shalt  }
0x70: {  	_ =	shalt  }
0x71: {  	_ =	shalt  }
0x72: {  	_ =	shalt  }
0x73: {  	_ =	shalt  }
0x74: {  	_ =	shalt  }
0x75: {  	_ =	shalt  }
0x76: {  	_ =	shalt  }
0x77: {  	_ =	shalt  }
0x78: {  	_ =	shalt  }
0x79: {  	_ =	shalt  }
0x7a: {  	_ =	shalt  }
0x7b: {  	_ =	shalt  }
0x7c: {  	_ =	shalt  }
0x7d: {  	_ =	shalt  }
0x7e: {  	_ =	shalt  }
0x7f: {  	_ =	shalt  }
0x80: {  	_ =	shalt  }
0x81: {  	_ =	shalt  }
0x82: {  	_ =	shalt  }
0x83: {  	_ =	shalt  }
0x84: {  	_ =	shalt  }
0x85: {  	_ =	shalt  }
0x86: {  	_ =	shalt  }
0x87: {  	_ =	shalt  }
.Lfunc_end0:
.L_simem_size_0:
called_computation_lowered:
.L_overlay_start_0:
0x88: {  	s2 =	sld [smem:$0x3FD9]  }
0x89: {  	s3 =	sld [smem:$0x3FFE];
	_ =	sdelay $0x1  }
0x8a: {  	s1 =	srdreg.scid  }
0x8b: {  	s0 =	sand.u32 $0x1, s1  }
0x8c: {  	s16 =	sshll.u32 s0, $0xA;
	s2 =	sadd.s32 s3, s2  }
0x8d: {  	s2 =	sadd.s32 s2, s16  }
0x8e: {  	[smem:$0x3FC1] =	sst s2  }
0x8f: {  	_ = 	snop  }
0x90: {  	(tm) =	ssettm $0x1  }
0x91: {  	s17 =	sld [smem:$0x3FFB];
	_ =	sdelay $0x3  }
0x92: {  	_ =	strace s17  }
0x93: {  	s2 =	sld [smem:$0x3FFC];
	_ =	sdelay $0x3  }
0x94: {  	_ =	strace s2  }
0x95: {  	s2 =	sld [smem:$0x3FFD];
	_ =	sdelay $0x3  }
0x96: {  	_ =	strace s2  }
0x97: {  	_ =	strace $0x8FFFFFFF  }
0x98: {  	s18 =	sld [smem:$0x3FDB];
	_ =	sdelay $0x1  }
0x99: {  	s19 =	simm.s32 $_scs_section_size  }
0x9a: {  	s4 =	simm.s32 $_size__tile_overlayer_lowered;
	s5 =	simm.s32 $_tile_overlayer_lowered  }
0x9b: {  	s22 =	simm.s32 $0x1BFF;
	s21 =	sshll.u32 s5, $0x1;
	s2 =	sadd.s32 s19, s18  }
0x9c: {  	s6 =	simm.s32 $0x0;
	s20 =	sshll.u32 s4, $0x1;
	s4 =	sadd.s32 s21, s2  }
0x9d: {  	[timem:s6], [sflag:s22] =	dma.local [hbm:s4], s20  }
0x9e: {  	_ =	swait.ge [sflag:s22], s20  }
0x9f: {  	s3 =	ssub.s32 $0x0, s20;
	[sflag:s22] =	ssyncset.done $0x0  }
0xa0: {  	[sflag:s22] =	ssyncadd.s32 s3;
	_ =	sdelay $0x1  }
0xa1: {  	s23 =	simm.s32 $0x1B8B  }
0xa2: {  	_ =	swait.ge [sflag:s23], $0x1  }
0xa3: {  	[sflag:s23] =	ssyncset.done $0x0  }
0xa4: {  	s25 =	simm.s32 $0x1B8E;
	s24 =	sld [smem:$0x3FFE];
	[sflag:s23] =	ssyncadd.s32 $0xFFFFFFFF  }
0xa5: {  	s26 =	simm.s32 $execute0_lowered;
	[smem:$0x3FD2] =	sst s25  }
0xa6: {  	s4 =	sshll.u32 s26, $0x1;
	_ =	strace $0x80000046;
	[dreg:$0x1] =	wrdreg $0xFFFFFFFF  }
0xa7: {  	s28 =	simm.s32 $_size_execute0_lowered;
	s2 =	sadd.s32 s2, s4;
	[dreg:$0x0] =	wrdreg $0x0  }
0xa8: {  	s4 =	sshll.u32 s28, $0x1;
	[dreg:$0x2] =	wrdreg s2  }
0xa9: {  	[dreg:$0x3] =	wrdreg s4  }
0xaa: {  	[dreg:$0x4] =	wrdreg $0xC0  }
0xab: {  	_ =	task [dreg:s6], $0x5FFFF  }
0xac: {  	[dreg:$0x1] =	wrdreg $0xFFFFFFFF  }
0xad: {  	[dreg:$0x0] =	wrdreg $0x60  }
0xae: {  	[dreg:$0x2] =	wrdreg s24  }
0xaf: {  	[dreg:$0x3] =	wrdreg $0x9  }
0xb0: {  	_ =	task.clear_ibuf [dreg:s6], $0x4FFFF;
	_ =	strace $0x90000046  }
0xb1: {  	s29 =	simm.s32 $0x9;
	_ =	strace $0x80000048  }
0xb2: {  	_ =	swait.ge [sflag:s29], $0x1  }
0xb3: {  	[sflag:s29] =	ssyncadd.s32 $0xFFFFFFFF  }
0xb4: {  	_ =	strace $0x90000048  }
0xb5: {  	_ =	sfence  }
0xb6: {  	s30 =	sld [smem:$0x0];
	_ =	sdelay $0x2  }
0xb7: {  	s31 =	sshll.u32 s1, $0xD;
	s1 =	sshrl.u32 s1, $0x2  }
0xb8: {  	s3 =	sand.u32 $0x4000, s31;
	s1 =	sadd.s32 s1, s30  }
0xb9: {  	s0 =	sor.u32 s3, s0;
	s1 =	sshll.u32 s1, $0x11  }
0xba: {  	s0 =	sor.u32 s1, s0  }
0xbb: {  	s0 =	sadd.s32 $0x8F2B, s0  }
0xbc: {  	[sflag:s0] =	ssyncadd.remote.s32 $0x1  }
0xbd: {  	_ =	sfence.sel $0xFFFF  }
0xbe: {  	[dreg:$0x0] =	wrdreg $0xFFFFFFFF;
	(pc) =	sbr.abs _section_cstart, $3  }
0xbf: {  	[dreg:$0x1] =	wrdreg $0xFFFFFFFF  }
0xc0: {  	_ =	task.clear_ibuf [dreg:s6], $0x2FFFF;
	_ =	strace $0x9FFFFFFF  }
0xc1: {  	(tm) =	ssettm $0x7FFFFFFF  }
tec
execute0_lowered:
.L_overlay_start_1:
0x0: {  	(tag) =	ssettag $0x1  }
0x1: {  	s0 =	rddreg [dreg:$0x0];
	s1 =	simm.s32 $0x0;
	s5 =	srdreg.scid  }
0x2: {  	s7 =	stileid.u32;
	[smem:$0x7FF] =	sst s1  }
0x3: {  	s2 =	sadd.s32 $0x2000, s0;
	s4 =	sadd.s32 $0xF44400, s0;
	s3 =	sadd.s32 $0x1800, s0  }
0x4: {  	s15 =	sadd.s32 $0x1E86800, s0;
	s5 =	sand.u32 $0x1, s5;
	s8 =	sadd.s32 $0x1E87A00, s0  }
0x5: {  	s7 =	sshll.u32 s7, $0x1;
	s0 =	sadd.s32 $0x1EC7A00, s0;
	s6 =	ssub.s32 $0x2, s5  }
0x6: {  	_ =	strace $0x80000047;
	s5 =	sor.u32 s5, s7;
	s9 =	sshrl.u32 s6, $0x1  }
0x7: {  	s14 =	sshll.u32 s5, $0x9;
	s7 =	sshll.u32 s5, $0x6;
	s13 =	smul.u32 $0x440, s5  }
0x8: {  	s16 =	sshll.u32 s5, $0xD;
	s5 =	smul.u32 $0x4400, s5;
	s7 =	sadd.s32 s3, s7  }
0x9: {  	s18 =	sor.u32 $0x100, s14;
	s19 =	sadd.s32 s8, s16;
	[dreg:$0x2] =	wrdreg s7  }
0xa: {  	s17 =	ssub.s32 s6, s9;
	[dreg:$0x3] =	wrdreg s19;
	s20 =	sshrl.u32 s18, $0x3  }
0xb: {  	s21 =	sshll.u32 s18, $0x4;
	s22 =	sshrl.u32 s13, $0x3;
	s12 =	sadd.s32 $0x110, s13  }
0xc: {  	s23 =	sadd.s32 s0, s5;
	s26 =	sadd.s32 $0x220, s13;
	s16 =	sadd.s32 $0x330, s13  }
0xd: {  	s17 =	smax.u32 s17, $0x1;
	s18 =	simm.s32 $0x2;
	s19 =	simm.s32 $0x1  }
0xe: {  	s3 =	sadd.s32 s3, s20;
	[dreg:$0x7] =	wrdreg s23;
	s24 =	sshrl.u32 s12, $0x3  }
0xf: {  	s25 =	sshll.u32 s12, $0x4;
	s28 =	sshrl.u32 s26, $0x3;
	s29 =	sshll.u32 s26, $0x4  }
0x10: {  	s30 =	sshrl.u32 s16, $0x3;
	[dreg:$0x4] =	wrdreg s3;
	s3 =	sadd.s32 s8, s21  }
0x11: {  	s31 =	sshll.u32 s16, $0x4;
	[dreg:$0x5] =	wrdreg s3;
	s3 =	sadd.s32 s15, s22  }
0x12: {  	s20 =	simm.s32 $0x180;
	[dreg:$0x6] =	wrdreg s3;
	s3 =	sadd.s32 s15, s24  }
0x13: {  	s14 =	sadd.s32 s0, s29;
	[dreg:$0x8] =	wrdreg s3;
	s3 =	sadd.s32 s0, s25  }
0x14: {  	s16 =	sadd.s32 s0, s31;
	[dreg:$0x9] =	wrdreg s3;
	s3 =	sadd.s32 s15, s28  }
0x15: {  	s21 =	simm.s32 $0x0;
	s15 =	sadd.s32 s15, s30;
	[dreg:$0xa] =	wrdreg s3  }
.LBB2_1:
0x16: {  	s0 =	rddreg [dreg:$0x2]  }
0x17: {  	[tilespmem:s1], [sflag:$0x2] =	stream.linear.gather [hbm4b:s0+s1], $0x100, $0x38;
	[tilespmem:$0x8980] =	vst v63  }
0x18: {  	_ =	swait.ge [sflag:s18], $0x100  }
0x19: {  	[sflag:s18] =	ssyncset.done $0x0  }
0x1a: {  	[sflag:s18] =	ssyncadd.s32 $0xFFFFFF00  }
0x1b: {  	v0 =	vld [tilespmem:s1+$0x0];
	_ =	sdelay $0x4  }
0x1c: {  	v0 =	vshll.u32 v0, $0x4  }
0x1d: {  	(v2sf) =	vpush v0, $0x0  }
0x1e: {  	(v2sf) =	vpush v0, $0x1  }
0x1f: {  	(v2sf) =	vpush v0, $0x2;
	_ =	sdelay $0x1  }
0x20: {  	(v2sf) =	vpush v0, $0x4;
	_ =	sdelay $0x1  }
0x21: {  	(v2sf) =	vpush v0, $0x3  }
0x22: {  	(v2sf) =	vpush v0, $0x5  }
0x23: {  	s23 =	simm.s32 $0x2000;
	s22 =	simm.s32 $0x0;
	s24 =	simm.s32 $0x0;
	(v2sf) =	vpush v0, $0x6  }
.LBB2_2:
0x24: {  	p0 =	sne.s32 s23, $0x1E000  }
0x25: {  	s6 =	sadd.s32 $0x200, s22;
	s29 =	sadd.s32 $0x700, s22;
	s25 =	smov.u32 s23  }
0x26: {  	s23 =	sadd.s32 $0x2000, s23;
	s0 =	sadd.s32 $0x500, s22;
	s26 =	sadd.s32 $0x780, s22;
	(v2sf) =	vpush v0, $0x7  }
0x27: {  	s5 =	sadd.s32 $0x400, s22;
	s31 =	sadd.s32 $0x580, s22;
	s28 =	sadd.s32 $0x800, s22  }
0x28: {  	s7 =	sadd.s32 $0x180, s22;
	s8 =	sadd.s32 $0x380, s22;
	(v2sf) =	vpush v0, $0x8  }
0x29: {  	s9 =	sadd.s32 $0x480, s22;
	s24 =	sadd.s32 $0x10, s24  }
0x2a: {  	s10 =	sadd.s32 $0x280, s22;
	s30 =	sadd.s32 $0x680, s22;
	s3 =	spop (v2sf);
	(v2sf) =	vpush v0, $0x9  }
0x2b: {  	s11 =	sand.u32 $0x1FFFFFF0, s3;
	s3 =	sadd.s32 $0x600, s22;
	s12 =	spop (v2sf)  }
0x2c: {  	s11 =	sadd.s32 s2, s11;
	s12 =	sand.u32 $0x1FFFFFF0, s12;
	s13 =	spop (v2sf);
	(v2sf) =	vpush v0, $0xA  }
0x2d: {  	[tilespmem:s7], [sflag:$0x1] =	stream.linear.gather [hbm4b:s11+s1], $0x80, $0x38;
	[tilespmem:$0x8980] =	vst v63  }
0x2e: {  	s7 =	sadd.s32 s2, s12;
	s11 =	sadd.s32 $0x300, s22;
	s12 =	spop (v2sf);
	(v2sf) =	vpush v0, $0xB  }
0x2f: {  	[tilespmem:s6], [sflag:$0x1] =	stream.linear.gather [hbm4b:s7+s1], $0x80, $0x38;
	[tilespmem:$0x8980] =	vst v63  }
0x30: {  	s6 =	sand.u32 $0x1FFFFFF0, s13;
	s7 =	sand.u32 $0x1FFFFFF0, s12;
	s12 =	spop (v2sf);
	(v2sf) =	vpush v0, $0xC  }
0x31: {  	s6 =	sadd.s32 s2, s6;
	s12 =	sand.u32 $0x1FFFFFF0, s12;
	s13 =	spop (v2sf)  }
0x32: {  	[tilespmem:s10], [sflag:$0x1] =	stream.linear.gather [hbm4b:s6+s1], $0x80, $0x38;
	(v2sf) =	vpush v0, $0xD;
	[tilespmem:$0x8980] =	vst v63  }
0x33: {  	s6 =	sadd.s32 s2, s12;
	s10 =	sand.u32 $0x1FFFFFF0, s13;
	s12 =	spop (v2sf)  }
0x34: {  	[tilespmem:s11], [sflag:$0x1] =	stream.linear.gather [hbm4b:s6+s1], $0x80, $0x38;
	(v2sf) =	vpush v0, $0xE;
	[tilespmem:$0x8980] =	vst v63  }
0x35: {  	s6 =	sadd.s32 s2, s7;
	s7 =	sand.u32 $0x1FFFFFF0, s12;
	s11 =	spop (v2sf)  }
0x36: {  	[tilespmem:s8], [sflag:$0x1] =	stream.linear.gather [hbm4b:s6+s1], $0x80, $0x38;
	(v2sf) =	vpush v0, $0xF;
	[tilespmem:$0x8980] =	vst v63  }
0x37: {  	s6 =	sadd.s32 s2, s10;
	s8 =	sand.u32 $0x1FFFFFF0, s11;
	s10 =	spop (v2sf)  }
0x38: {  	[tilespmem:s5], [sflag:$0x1] =	stream.linear.gather [hbm4b:s6+s1], $0x80, $0x38;
	[tilespmem:$0x8980] =	vst v63  }
0x39: {  	s5 =	sadd.s32 s2, s7;
	s6 =	sand.u32 $0x1FFFFFF0, s10;
	s7 =	spop (v2sf)  }
0x3a: {  	[tilespmem:s9], [sflag:$0x1] =	stream.linear.gather [hbm4b:s5+s1], $0x80, $0x38;
	[tilespmem:$0x8980] =	vst v63  }
0x3b: {  	s5 =	sadd.s32 s2, s8;
	s7 =	sand.u32 $0x1FFFFFF0, s7;
	s8 =	spop (v2sf)  }
0x3c: {  	[tilespmem:s0], [sflag:$0x1] =	stream.linear.gather [hbm4b:s5+s1], $0x80, $0x38;
	[tilespmem:$0x8980] =	vst v63  }
0x3d: {  	s0 =	sadd.s32 s2, s6;
	s5 =	sand.u32 $0x1FFFFFF0, s8;
	s6 =	spop (v2sf)  }
0x3e: {  	[tilespmem:s31], [sflag:$0x1] =	stream.linear.gather [hbm4b:s0+s1], $0x80, $0x38;
	[tilespmem:$0x8980] =	vst v63  }
0x3f: {  	s0 =	sadd.s32 s2, s7;
	s6 =	sand.u32 $0x1FFFFFF0, s6;
	s7 =	spop (v2sf)  }
0x40: {  	[tilespmem:s3], [sflag:$0x1] =	stream.linear.gather [hbm4b:s0+s1], $0x80, $0x38;
	[tilespmem:$0x8980] =	vst v63  }
0x41: {  	s0 =	sadd.s32 s2, s5;
	s3 =	sand.u32 $0x1FFFFFF0, s7;
	s5 =	spop (v2sf)  }
0x42: {  	[tilespmem:s30], [sflag:$0x1] =	stream.linear.gather [hbm4b:s0+s1], $0x80, $0x38;
	[tilespmem:$0x8980] =	vst v63  }
0x43: {  	s0 =	sadd.s32 s2, s6;
	s5 =	sand.u32 $0x1FFFFFF0, s5;
	s6 =	spop (v2sf)  }
0x44: {  	[tilespmem:s29], [sflag:$0x1] =	stream.linear.gather [hbm4b:s0+s1], $0x80, $0x38;
	[tilespmem:$0x8980] =	vst v63  }
0x45: {  	s0 =	sadd.s32 s2, s3;
	s3 =	sand.u32 $0x1FFFFFF0, s6;
	s6 =	spop (v2sf)  }
0x46: {  	[tilespmem:s26], [sflag:$0x1] =	stream.linear.gather [hbm4b:s0+s1], $0x80, $0x38;
	[tilespmem:$0x8980] =	vst v63  }
0x47: {  	s0 =	sadd.s32 s2, s5;
	s5 =	sand.u32 $0x1FFFFFF0, s6  }
0x48: {  	[tilespmem:s28], [sflag:$0x1] =	stream.linear.gather [hbm4b:s0+s1], $0x80, $0x38;
	[tilespmem:$0x8980] =	vst v63  }
0x49: {  	s3 =	sadd.s32 s2, s3;
	s0 =	sadd.s32 $0x880, s22  }
0x4a: {  	[tilespmem:s0], [sflag:$0x1] =	stream.linear.gather [hbm4b:s3+s1], $0x80, $0x38;
	[tilespmem:$0x8980] =	vst v63  }
0x4b: {  	s0 =	sadd.s32 $0x900, s22;
	s3 =	sadd.s32 s2, s5  }
0x4c: {  	[tilespmem:s0], [sflag:$0x1] =	stream.linear.gather [hbm4b:s3+s1], $0x80, $0x38;
	[tilespmem:$0x8980] =	vst v63  }
0x4d: {  	v0 =	vld [tilespmem:s24+$0x0];
	_ =	sdelay $0x4  }
0x4e: {  	v0 =	vshll.u32 v0, $0x4  }
0x4f: {  	(v2sf) =	vpush v0, $0x0  }
0x50: {  	(v2sf) =	vpush v0, $0x1  }
0x51: {  	(v2sf) =	vpush v0, $0x2;
	_ =	sdelay $0x1  }
0x52: {  	(v2sf) =	vpush v0, $0x4  }
.Ltmp0:
0x53: {  	(pc) =	sbr.rel @p0 .LBB2_2-.Ltmp0, $3  }
0x54: {  	(v2sf) =	vpush v0, $0x3  }
0x55: {  	(v2sf) =	vpush v0, $0x5;
	_ =	sdelay $0x1  }
0x56: {  	s22 =	sshra.s32 s25, $0x2;
	(v2sf) =	vpush v0, $0x6  }
0x57: {  	_ =	sdelay $0x1  }
0x58: {  	s3 =	sadd.s32 $0x200, s22;
	s24 =	sadd.s32 $0x700, s22  }
0x59: {  	s5 =	sadd.s32 $0x500, s22;
	s0 =	sadd.s32 $0x780, s22;
	(v2sf) =	vpush v0, $0x7;
	s6 =	sadd.s32 $0x400, s22  }
0x5a: {  	s7 =	sadd.s32 $0x580, s22;
	s23 =	sadd.s32 $0x800, s22;
	s8 =	sadd.s32 $0x180, s22  }
0x5b: {  	s9 =	sadd.s32 $0x380, s22;
	s10 =	sadd.s32 $0x480, s22;
	(v2sf) =	vpush v0, $0x8;
	s11 =	spop (v2sf)  }
0x5c: {  	s12 =	sadd.s32 $0x280, s22;
	s11 =	sand.u32 $0x1FFFFFF0, s11;
	s13 =	spop (v2sf)  }
0x5d: {  	(v2sf) =	vpush v0, $0x9;
	s11 =	sadd.s32 s2, s11;
	s13 =	sand.u32 $0x1FFFFFF0, s13;
	s25 =	spop (v2sf)  }
0x5e: {  	[tilespmem:s8], [sflag:$0x1] =	stream.linear.gather [hbm4b:s11+s1], $0x80, $0x38;
	[tilespmem:$0x8980] =	vst v63  }
0x5f: {  	s26 =	sadd.s32 $0x300, s22;
	(v2sf) =	vpush v0, $0xA;
	s30 =	sadd.s32 s2, s13;
	s31 =	spop (v2sf)  }
0x60: {  	[tilespmem:s3], [sflag:$0x1] =	stream.linear.gather [hbm4b:s30+s1], $0x80, $0x38;
	[tilespmem:$0x8980] =	vst v63  }
0x61: {  	s8 =	sadd.s32 $0x680, s22;
	s28 =	sand.u32 $0x1FFFFFF0, s25;
	(v2sf) =	vpush v0, $0xB;
	s29 =	spop (v2sf)  }
0x62: {  	s11 =	sadd.s32 s2, s28;
	s3 =	sadd.s32 $0x600, s22;
	s25 =	sand.u32 $0x1FFFFFF0, s29  }
0x63: {  	(v2sf) =	vpush v0, $0xC;
	[tilespmem:s12], [sflag:$0x1] =	stream.linear.gather [hbm4b:s11+s1], $0x80, $0x38;
	[tilespmem:$0x8980] =	vst v63  }
0x64: {  	s30 =	sand.u32 $0x1FFFFFF0, s31;
	s31 =	spop (v2sf);
	s28 =	sadd.s32 s2, s25  }
0x65: {  	(v2sf) =	vpush v0, $0xD;
	[tilespmem:s26], [sflag:$0x1] =	stream.linear.gather [hbm4b:s28+s1], $0x80, $0x38;
	[tilespmem:$0x8980] =	vst v63  }
0x66: {  	s11 =	sadd.s32 s2, s30;
	s12 =	sand.u32 $0x1FFFFFF0, s31;
	s29 =	spop (v2sf)  }
0x67: {  	(v2sf) =	vpush v0, $0xE;
	[tilespmem:s9], [sflag:$0x1] =	stream.linear.gather [hbm4b:s11+s1], $0x80, $0x38;
	[tilespmem:$0x8980] =	vst v63  }
0x68: {  	s12 =	sadd.s32 s2, s12;
	s30 =	sand.u32 $0x1FFFFFF0, s29;
	s31 =	spop (v2sf)  }
0x69: {  	(v2sf) =	vpush v0, $0xF;
	[tilespmem:s6], [sflag:$0x1] =	stream.linear.gather [hbm4b:s12+s1], $0x80, $0x38;
	[tilespmem:$0x8980] =	vst v63  }
0x6a: {  	s13 =	sand.u32 $0x1FFFFFF0, s31;
	s25 =	spop (v2sf);
	s9 =	sadd.s32 s2, s30  }
0x6b: {  	[tilespmem:s10], [sflag:$0x1] =	stream.linear.gather [hbm4b:s9+s1], $0x80, $0x38;
	[tilespmem:$0x8980] =	vst v63  }
0x6c: {  	s26 =	sand.u32 $0x1FFFFFF0, s25;
	s6 =	sadd.s32 s2, s13;
	s28 =	spop (v2sf)  }
0x6d: {  	[tilespmem:s5], [sflag:$0x1] =	stream.linear.gather [hbm4b:s6+s1], $0x80, $0x38;
	[tilespmem:$0x8980] =	vst v63  }
0x6e: {  	s9 =	sadd.s32 s2, s26;
	s29 =	sand.u32 $0x1FFFFFF0, s28;
	s30 =	spop (v2sf)  }
0x6f: {  	[tilespmem:s7], [sflag:$0x1] =	stream.linear.gather [hbm4b:s9+s1], $0x80, $0x38;
	[tilespmem:$0x8980] =	vst v63  }
0x70: {  	s6 =	sand.u32 $0x1FFFFFF0, s30;
	s5 =	sadd.s32 s2, s29;
	s31 =	spop (v2sf)  }
0x71: {  	[tilespmem:s3], [sflag:$0x1] =	stream.linear.gather [hbm4b:s5+s1], $0x80, $0x38;
	[tilespmem:$0x8980] =	vst v63  }
0x72: {  	s6 =	sadd.s32 s2, s6;
	s9 =	sand.u32 $0x1FFFFFF0, s31;
	s10 =	spop (v2sf)  }
0x73: {  	[tilespmem:s8], [sflag:$0x1] =	stream.linear.gather [hbm4b:s6+s1], $0x80, $0x38;
	[tilespmem:$0x8980] =	vst v63  }
0x74: {  	s3 =	sadd.s32 s2, s9;
	s5 =	sand.u32 $0x1FFFFFF0, s10;
	s11 =	spop (v2sf)  }
0x75: {  	[tilespmem:s24], [sflag:$0x1] =	stream.linear.gather [hbm4b:s3+s1], $0x80, $0x38;
	[tilespmem:$0x8980] =	vst v63  }
0x76: {  	s12 =	sand.u32 $0x1FFFFFF0, s11;
	s5 =	sadd.s32 s2, s5;
	s13 =	spop (v2sf)  }
0x77: {  	[tilespmem:s0], [sflag:$0x1] =	stream.linear.gather [hbm4b:s5+s1], $0x80, $0x38;
	[tilespmem:$0x8980] =	vst v63  }
0x78: {  	s24 =	sand.u32 $0x1FFFFFF0, s13;
	s25 =	spop (v2sf);
	s3 =	sadd.s32 s2, s12  }
0x79: {  	[tilespmem:s23], [sflag:$0x1] =	stream.linear.gather [hbm4b:s3+s1], $0x80, $0x38;
	[tilespmem:$0x8980] =	vst v63  }
0x7a: {  	s28 =	sadd.s32 $0x880, s22;
	s26 =	sand.u32 $0x1FFFFFF0, s25;
	s0 =	sadd.s32 s2, s24  }
0x7b: {  	[tilespmem:s28], [sflag:$0x1] =	stream.linear.gather [hbm4b:s0+s1], $0x80, $0x38;
	[tilespmem:$0x8980] =	vst v63  }
0x7c: {  	s29 =	sadd.s32 $0x900, s22;
	s3 =	sadd.s32 s2, s26  }
0x7d: {  	[tilespmem:s29], [sflag:$0x1] =	stream.linear.gather [hbm4b:s3+s1], $0x80, $0x38;
	[tilespmem:$0x8980] =	vst v63  }
0x7e: {  	_ =	swait.ge [sflag:s19], $0x8000  }
0x7f: {  	[sflag:s19] =	ssyncset.done $0x0  }
0x80: {  	s23 =	simm.s32 $0x0;
	s30 =	rddreg [dreg:$0x3];
	[sflag:s19] =	ssyncadd.s32 $0xFFFF8000  }
0x81: {  	[hbm4b:s30+s23] =	stream.linear.scatter [tilespmem:s20], [sflag:$0x2], $0x8000, $0x38;
	[tilespmem:$0x8980] =	vst v63  }
0x82: {  	_ =	swait.ge [sflag:s18], $0x8000  }
0x83: {  	[sflag:s18] =	ssyncset.done $0x0  }
0x84: {  	s31 =	rddreg [dreg:$0x4];
	[sflag:s18] =	ssyncadd.s32 $0xFFFF8000  }
0x85: {  	[tilespmem:s23], [sflag:$0x2] =	stream.linear.gather [hbm4b:s31+s23], $0x100, $0x38;
	[tilespmem:$0x8980] =	vst v63  }
0x86: {  	_ =	swait.ge [sflag:s18], $0x100  }
0x87: {  	[sflag:s18] =	ssyncset.done $0x0  }
0x88: {  	[sflag:s18] =	ssyncadd.s32 $0xFFFFFF00  }
0x89: {  	v0 =	vld [tilespmem:s23+$0x0];
	_ =	sdelay $0x4  }
0x8a: {  	v0 =	vshll.u32 v0, $0x4  }
0x8b: {  	(v2sf) =	vpush v0, $0x0  }
0x8c: {  	(v2sf) =	vpush v0, $0x1  }
0x8d: {  	(v2sf) =	vpush v0, $0x2;
	_ =	sdelay $0x1  }
0x8e: {  	(v2sf) =	vpush v0, $0x4;
	_ =	sdelay $0x1  }
0x8f: {  	(v2sf) =	vpush v0, $0x3  }
0x90: {  	(v2sf) =	vpush v0, $0x5  }
0x91: {  	s22 =	simm.s32 $0x0;
	s24 =	simm.s32 $0x2000;
	(v2sf) =	vpush v0, $0x6  }
.LBB2_4:
0x92: {  	p0 =	sne.s32 s24, $0x1E000  }
0x93: {  	s6 =	sadd.s32 $0x200, s22;
	s29 =	sadd.s32 $0x700, s22;
	s25 =	smov.u32 s24  }
0x94: {  	s24 =	sadd.s32 $0x2000, s24;
	s0 =	sadd.s32 $0x500, s22;
	s26 =	sadd.s32 $0x780, s22;
	(v2sf) =	vpush v0, $0x7  }
0x95: {  	s5 =	sadd.s32 $0x400, s22;
	s31 =	sadd.s32 $0x580, s22;
	s28 =	sadd.s32 $0x800, s22  }
0x96: {  	s7 =	sadd.s32 $0x180, s22;
	s8 =	sadd.s32 $0x380, s22;
	(v2sf) =	vpush v0, $0x8  }
0x97: {  	s9 =	sadd.s32 $0x480, s22;
	s23 =	sadd.s32 $0x10, s23  }
0x98: {  	s10 =	sadd.s32 $0x280, s22;
	s30 =	sadd.s32 $0x680, s22;
	s3 =	spop (v2sf);
	(v2sf) =	vpush v0, $0x9  }
0x99: {  	s11 =	sand.u32 $0x1FFFFFF0, s3;
	s3 =	sadd.s32 $0x600, s22;
	s12 =	spop (v2sf)  }
0x9a: {  	s11 =	sadd.s32 s2, s11;
	s12 =	sand.u32 $0x1FFFFFF0, s12;
	s13 =	spop (v2sf);
	(v2sf) =	vpush v0, $0xA  }
0x9b: {  	[tilespmem:s7], [sflag:$0x1] =	stream.linear.gather [hbm4b:s11+s1], $0x80, $0x38;
	[tilespmem:$0x8980] =	vst v63  }
0x9c: {  	s7 =	sadd.s32 s2, s12;
	s11 =	sadd.s32 $0x300, s22;
	s12 =	spop (v2sf);
	(v2sf) =	vpush v0, $0xB  }
0x9d: {  	[tilespmem:s6], [sflag:$0x1] =	stream.linear.gather [hbm4b:s7+s1], $0x80, $0x38;
	[tilespmem:$0x8980] =	vst v63  }
0x9e: {  	s6 =	sand.u32 $0x1FFFFFF0, s13;
	s7 =	sand.u32 $0x1FFFFFF0, s12;
	s12 =	spop (v2sf);
	(v2sf) =	vpush v0, $0xC  }
0x9f: {  	s6 =	sadd.s32 s2, s6;
	s12 =	sand.u32 $0x1FFFFFF0, s12;
	s13 =	spop (v2sf)  }
0xa0: {  	[tilespmem:s10], [sflag:$0x1] =	stream.linear.gather [hbm4b:s6+s1], $0x80, $0x38;
	(v2sf) =	vpush v0, $0xD;
	[tilespmem:$0x8980] =	vst v63  }
0xa1: {  	s6 =	sadd.s32 s2, s12;
	s10 =	sand.u32 $0x1FFFFFF0, s13;
	s12 =	spop (v2sf)  }
0xa2: {  	[tilespmem:s11], [sflag:$0x1] =	stream.linear.gather [hbm4b:s6+s1], $0x80, $0x38;
	(v2sf) =	vpush v0, $0xE;
	[tilespmem:$0x8980] =	vst v63  }
0xa3: {  	s6 =	sadd.s32 s2, s7;
	s7 =	sand.u32 $0x1FFFFFF0, s12;
	s11 =	spop (v2sf)  }
0xa4: {  	[tilespmem:s8], [sflag:$0x1] =	stream.linear.gather [hbm4b:s6+s1], $0x80, $0x38;
	(v2sf) =	vpush v0, $0xF;
	[tilespmem:$0x8980] =	vst v63  }
0xa5: {  	s6 =	sadd.s32 s2, s10;
	s8 =	sand.u32 $0x1FFFFFF0, s11;
	s10 =	spop (v2sf)  }
0xa6: {  	[tilespmem:s5], [sflag:$0x1] =	stream.linear.gather [hbm4b:s6+s1], $0x80, $0x38;
	[tilespmem:$0x8980] =	vst v63  }
0xa7: {  	s5 =	sadd.s32 s2, s7;
	s6 =	sand.u32 $0x1FFFFFF0, s10;
	s7 =	spop (v2sf)  }
0xa8: {  	[tilespmem:s9], [sflag:$0x1] =	stream.linear.gather [hbm4b:s5+s1], $0x80, $0x38;
	[tilespmem:$0x8980] =	vst v63  }
0xa9: {  	s5 =	sadd.s32 s2, s8;
	s7 =	sand.u32 $0x1FFFFFF0, s7;
	s8 =	spop (v2sf)  }
0xaa: {  	[tilespmem:s0], [sflag:$0x1] =	stream.linear.gather [hbm4b:s5+s1], $0x80, $0x38;
	[tilespmem:$0x8980] =	vst v63  }
0xab: {  	s0 =	sadd.s32 s2, s6;
	s5 =	sand.u32 $0x1FFFFFF0, s8;
	s6 =	spop (v2sf)  }
0xac: {  	[tilespmem:s31], [sflag:$0x1] =	stream.linear.gather [hbm4b:s0+s1], $0x80, $0x38;
	[tilespmem:$0x8980] =	vst v63  }
0xad: {  	s0 =	sadd.s32 s2, s7;
	s6 =	sand.u32 $0x1FFFFFF0, s6;
	s7 =	spop (v2sf)  }
0xae: {  	[tilespmem:s3], [sflag:$0x1] =	stream.linear.gather [hbm4b:s0+s1], $0x80, $0x38;
	[tilespmem:$0x8980] =	vst v63  }
0xaf: {  	s0 =	sadd.s32 s2, s5;
	s3 =	sand.u32 $0x1FFFFFF0, s7;
	s5 =	spop (v2sf)  }
0xb0: {  	[tilespmem:s30], [sflag:$0x1] =	stream.linear.gather [hbm4b:s0+s1], $0x80, $0x38;
	[tilespmem:$0x8980] =	vst v63  }
0xb1: {  	s0 =	sadd.s32 s2, s6;
	s5 =	sand.u32 $0x1FFFFFF0, s5;
	s6 =	spop (v2sf)  }
0xb2: {  	[tilespmem:s29], [sflag:$0x1] =	stream.linear.gather [hbm4b:s0+s1], $0x80, $0x38;
	[tilespmem:$0x8980] =	vst v63  }
0xb3: {  	s0 =	sadd.s32 s2, s3;
	s3 =	sand.u32 $0x1FFFFFF0, s6;
	s6 =	spop (v2sf)  }
0xb4: {  	[tilespmem:s26], [sflag:$0x1] =	stream.linear.gather [hbm4b:s0+s1], $0x80, $0x38;
	[tilespmem:$0x8980] =	vst v63  }
0xb5: {  	s0 =	sadd.s32 s2, s5;
	s5 =	sand.u32 $0x1FFFFFF0, s6  }
0xb6: {  	[tilespmem:s28], [sflag:$0x1] =	stream.linear.gather [hbm4b:s0+s1], $0x80, $0x38;
	[tilespmem:$0x8980] =	vst v63  }
0xb7: {  	s3 =	sadd.s32 s2, s3;
	s0 =	sadd.s32 $0x880, s22  }
0xb8: {  	[tilespmem:s0], [sflag:$0x1] =	stream.linear.gather [hbm4b:s3+s1], $0x80, $0x38;
	[tilespmem:$0x8980] =	vst v63  }
0xb9: {  	s0 =	sadd.s32 $0x900, s22;
	s3 =	sadd.s32 s2, s5  }
0xba: {  	[tilespmem:s0], [sflag:$0x1] =	stream.linear.gather [hbm4b:s3+s1], $0x80, $0x38;
	[tilespmem:$0x8980] =	vst v63  }
0xbb: {  	v0 =	vld [tilespmem:s23+$0x0];
	_ =	sdelay $0x4  }
0xbc: {  	v0 =	vshll.u32 v0, $0x4  }
0xbd: {  	(v2sf) =	vpush v0, $0x0  }
0xbe: {  	(v2sf) =	vpush v0, $0x1  }
0xbf: {  	(v2sf) =	vpush v0, $0x2;
	_ =	sdelay $0x1  }
0xc0: {  	(v2sf) =	vpush v0, $0x4  }
.Ltmp1:
0xc1: {  	(pc) =	sbr.rel @p0 .LBB2_4-.Ltmp1, $3  }
0xc2: {  	(v2sf) =	vpush v0, $0x3  }
0xc3: {  	(v2sf) =	vpush v0, $0x5;
	_ =	sdelay $0x1  }
0xc4: {  	s22 =	sshra.s32 s25, $0x2;
	(v2sf) =	vpush v0, $0x6  }
0xc5: {  	_ =	sdelay $0x1  }
0xc6: {  	s3 =	sadd.s32 $0x200, s22;
	s24 =	sadd.s32 $0x700, s22  }
0xc7: {  	s5 =	sadd.s32 $0x500, s22;
	s0 =	sadd.s32 $0x780, s22;
	(v2sf) =	vpush v0, $0x7;
	s6 =	sadd.s32 $0x400, s22  }
0xc8: {  	s7 =	sadd.s32 $0x580, s22;
	s23 =	sadd.s32 $0x800, s22;
	s8 =	sadd.s32 $0x180, s22  }
0xc9: {  	s9 =	sadd.s32 $0x380, s22;
	s10 =	sadd.s32 $0x480, s22;
	(v2sf) =	vpush v0, $0x8;
	s11 =	spop (v2sf)  }
0xca: {  	s12 =	sadd.s32 $0x280, s22;
	s11 =	sand.u32 $0x1FFFFFF0, s11;
	s13 =	spop (v2sf)  }
0xcb: {  	(v2sf) =	vpush v0, $0x9;
	s11 =	sadd.s32 s2, s11;
	s13 =	sand.u32 $0x1FFFFFF0, s13;
	s25 =	spop (v2sf)  }
0xcc: {  	[tilespmem:s8], [sflag:$0x1] =	stream.linear.gather [hbm4b:s11+s1], $0x80, $0x38;
	[tilespmem:$0x8980] =	vst v63  }
0xcd: {  	s26 =	sadd.s32 $0x300, s22;
	(v2sf) =	vpush v0, $0xA;
	s30 =	sadd.s32 s2, s13;
	s31 =	spop (v2sf)  }
0xce: {  	[tilespmem:s3], [sflag:$0x1] =	stream.linear.gather [hbm4b:s30+s1], $0x80, $0x38;
	[tilespmem:$0x8980] =	vst v63  }
0xcf: {  	s8 =	sadd.s32 $0x680, s22;
	s28 =	sand.u32 $0x1FFFFFF0, s25;
	(v2sf) =	vpush v0, $0xB;
	s29 =	spop (v2sf)  }
0xd0: {  	s11 =	sadd.s32 s2, s28;
	s3 =	sadd.s32 $0x600, s22;
	s25 =	sand.u32 $0x1FFFFFF0, s29  }
0xd1: {  	(v2sf) =	vpush v0, $0xC;
	[tilespmem:s12], [sflag:$0x1] =	stream.linear.gather [hbm4b:s11+s1], $0x80, $0x38;
	[tilespmem:$0x8980] =	vst v63  }
0xd2: {  	s30 =	sand.u32 $0x1FFFFFF0, s31;
	s31 =	spop (v2sf);
	s28 =	sadd.s32 s2, s25  }
0xd3: {  	(v2sf) =	vpush v0, $0xD;
	[tilespmem:s26], [sflag:$0x1] =	stream.linear.gather [hbm4b:s28+s1], $0x80, $0x38;
	[tilespmem:$0x8980] =	vst v63  }
0xd4: {  	s11 =	sadd.s32 s2, s30;
	s12 =	sand.u32 $0x1FFFFFF0, s31;
	s29 =	spop (v2sf)  }
0xd5: {  	(v2sf) =	vpush v0, $0xE;
	[tilespmem:s9], [sflag:$0x1] =	stream.linear.gather [hbm4b:s11+s1], $0x80, $0x38;
	[tilespmem:$0x8980] =	vst v63  }
0xd6: {  	s12 =	sadd.s32 s2, s12;
	s30 =	sand.u32 $0x1FFFFFF0, s29;
	s31 =	spop (v2sf)  }
0xd7: {  	(v2sf) =	vpush v0, $0xF;
	[tilespmem:s6], [sflag:$0x1] =	stream.linear.gather [hbm4b:s12+s1], $0x80, $0x38;
	[tilespmem:$0x8980] =	vst v63  }
0xd8: {  	s13 =	sand.u32 $0x1FFFFFF0, s31;
	s25 =	spop (v2sf);
	s9 =	sadd.s32 s2, s30  }
0xd9: {  	[tilespmem:s10], [sflag:$0x1] =	stream.linear.gather [hbm4b:s9+s1], $0x80, $0x38;
	[tilespmem:$0x8980] =	vst v63  }
0xda: {  	s26 =	sand.u32 $0x1FFFFFF0, s25;
	s6 =	sadd.s32 s2, s13;
	s28 =	spop (v2sf)  }
0xdb: {  	[tilespmem:s5], [sflag:$0x1] =	stream.linear.gather [hbm4b:s6+s1], $0x80, $0x38;
	[tilespmem:$0x8980] =	vst v63  }
0xdc: {  	s9 =	sadd.s32 s2, s26;
	s29 =	sand.u32 $0x1FFFFFF0, s28;
	s30 =	spop (v2sf)  }
0xdd: {  	[tilespmem:s7], [sflag:$0x1] =	stream.linear.gather [hbm4b:s9+s1], $0x80, $0x38;
	[tilespmem:$0x8980] =	vst v63  }
0xde: {  	s6 =	sand.u32 $0x1FFFFFF0, s30;
	s5 =	sadd.s32 s2, s29;
	s31 =	spop (v2sf)  }
0xdf: {  	[tilespmem:s3], [sflag:$0x1] =	stream.linear.gather [hbm4b:s5+s1], $0x80, $0x38;
	[tilespmem:$0x8980] =	vst v63  }
0xe0: {  	s6 =	sadd.s32 s2, s6;
	s9 =	sand.u32 $0x1FFFFFF0, s31;
	s10 =	spop (v2sf)  }
0xe1: {  	[tilespmem:s8], [sflag:$0x1] =	stream.linear.gather [hbm4b:s6+s1], $0x80, $0x38;
	[tilespmem:$0x8980] =	vst v63  }
0xe2: {  	s3 =	sadd.s32 s2, s9;
	s5 =	sand.u32 $0x1FFFFFF0, s10;
	s11 =	spop (v2sf)  }
0xe3: {  	[tilespmem:s24], [sflag:$0x1] =	stream.linear.gather [hbm4b:s3+s1], $0x80, $0x38;
	[tilespmem:$0x8980] =	vst v63  }
0xe4: {  	s12 =	sand.u32 $0x1FFFFFF0, s11;
	s5 =	sadd.s32 s2, s5;
	s13 =	spop (v2sf)  }
0xe5: {  	[tilespmem:s0], [sflag:$0x1] =	stream.linear.gather [hbm4b:s5+s1], $0x80, $0x38;
	[tilespmem:$0x8980] =	vst v63  }
0xe6: {  	s24 =	sand.u32 $0x1FFFFFF0, s13;
	s25 =	spop (v2sf);
	s3 =	sadd.s32 s2, s12  }
0xe7: {  	[tilespmem:s23], [sflag:$0x1] =	stream.linear.gather [hbm4b:s3+s1], $0x80, $0x38;
	[tilespmem:$0x8980] =	vst v63  }
0xe8: {  	s28 =	sadd.s32 $0x880, s22;
	s26 =	sand.u32 $0x1FFFFFF0, s25;
	s0 =	sadd.s32 s2, s24  }
0xe9: {  	[tilespmem:s28], [sflag:$0x1] =	stream.linear.gather [hbm4b:s0+s1], $0x80, $0x38;
	[tilespmem:$0x8980] =	vst v63  }
0xea: {  	s29 =	sadd.s32 $0x900, s22;
	s3 =	sadd.s32 s2, s26  }
0xeb: {  	[tilespmem:s29], [sflag:$0x1] =	stream.linear.gather [hbm4b:s3+s1], $0x80, $0x38;
	[tilespmem:$0x8980] =	vst v63  }
0xec: {  	_ =	swait.ge [sflag:s19], $0x8000  }
0xed: {  	[sflag:s19] =	ssyncset.done $0x0  }
0xee: {  	s23 =	simm.s32 $0x0;
	s30 =	rddreg [dreg:$0x5];
	[sflag:s19] =	ssyncadd.s32 $0xFFFF8000  }
0xef: {  	[hbm4b:s30+s23] =	stream.linear.scatter [tilespmem:s20], [sflag:$0x2], $0x8000, $0x38;
	[tilespmem:$0x8980] =	vst v63  }
0xf0: {  	_ =	swait.ge [sflag:s18], $0x8000  }
0xf1: {  	[sflag:s18] =	ssyncset.done $0x0  }
0xf2: {  	s31 =	rddreg [dreg:$0x6];
	[sflag:s18] =	ssyncadd.s32 $0xFFFF8000  }
0xf3: {  	[tilespmem:s23], [sflag:$0x2] =	stream.linear.gather [hbm4b:s31+s23], $0x110, $0x38;
	[tilespmem:$0x8980] =	vst v63  }
0xf4: {  	_ =	swait.ge [sflag:s18], $0x110  }
0xf5: {  	[sflag:s18] =	ssyncset.done $0x0  }
0xf6: {  	[sflag:s18] =	ssyncadd.s32 $0xFFFFFEF0  }
0xf7: {  	v0 =	vld [tilespmem:s23+$0x0];
	_ =	sdelay $0x4  }
0xf8: {  	v0 =	vshll.u32 v0, $0x4  }
0xf9: {  	(v2sf) =	vpush v0, $0x0  }
0xfa: {  	(v2sf) =	vpush v0, $0x1  }
0xfb: {  	(v2sf) =	vpush v0, $0x2;
	_ =	sdelay $0x1  }
0xfc: {  	(v2sf) =	vpush v0, $0x4;
	_ =	sdelay $0x1  }
0xfd: {  	(v2sf) =	vpush v0, $0x3  }
0xfe: {  	(v2sf) =	vpush v0, $0x5  }
0xff: {  	s22 =	simm.s32 $0x0;
	s24 =	simm.s32 $0x2000;
	(v2sf) =	vpush v0, $0x6  }
.LBB2_6:
0x100: {  	p0 =	sne.s32 s24, $0x20000  }
0x101: {  	s6 =	sadd.s32 $0x200, s22;
	s29 =	sadd.s32 $0x700, s22;
	s25 =	smov.u32 s24  }
0x102: {  	s24 =	sadd.s32 $0x2000, s24;
	s0 =	sadd.s32 $0x500, s22;
	s26 =	sadd.s32 $0x780, s22;
	(v2sf) =	vpush v0, $0x7  }
0x103: {  	s5 =	sadd.s32 $0x400, s22;
	s31 =	sadd.s32 $0x580, s22;
	s28 =	sadd.s32 $0x800, s22  }
0x104: {  	s7 =	sadd.s32 $0x180, s22;
	s8 =	sadd.s32 $0x380, s22;
	(v2sf) =	vpush v0, $0x8  }
0x105: {  	s9 =	sadd.s32 $0x480, s22;
	s23 =	sadd.s32 $0x10, s23  }
0x106: {  	s10 =	sadd.s32 $0x280, s22;
	s30 =	sadd.s32 $0x680, s22;
	s3 =	spop (v2sf);
	(v2sf) =	vpush v0, $0x9  }
0x107: {  	s11 =	sand.u32 $0x1FFFFFF0, s3;
	s3 =	sadd.s32 $0x600, s22;
	s12 =	spop (v2sf)  }
0x108: {  	s11 =	sadd.s32 s4, s11;
	s12 =	sand.u32 $0x1FFFFFF0, s12;
	s13 =	spop (v2sf);
	(v2sf) =	vpush v0, $0xA  }
0x109: {  	[tilespmem:s7], [sflag:$0x1] =	stream.linear.gather [hbm4b:s11+s1], $0x80, $0x38;
	[tilespmem:$0x8980] =	vst v63  }
0x10a: {  	s7 =	sadd.s32 s4, s12;
	s11 =	sadd.s32 $0x300, s22;
	s12 =	spop (v2sf);
	(v2sf) =	vpush v0, $0xB  }
0x10b: {  	[tilespmem:s6], [sflag:$0x1] =	stream.linear.gather [hbm4b:s7+s1], $0x80, $0x38;
	[tilespmem:$0x8980] =	vst v63  }
0x10c: {  	s6 =	sand.u32 $0x1FFFFFF0, s13;
	s7 =	sand.u32 $0x1FFFFFF0, s12;
	s12 =	spop (v2sf);
	(v2sf) =	vpush v0, $0xC  }
0x10d: {  	s6 =	sadd.s32 s4, s6;
	s12 =	sand.u32 $0x1FFFFFF0, s12;
	s13 =	spop (v2sf)  }
0x10e: {  	[tilespmem:s10], [sflag:$0x1] =	stream.linear.gather [hbm4b:s6+s1], $0x80, $0x38;
	(v2sf) =	vpush v0, $0xD;
	[tilespmem:$0x8980] =	vst v63  }
0x10f: {  	s6 =	sadd.s32 s4, s12;
	s10 =	sand.u32 $0x1FFFFFF0, s13;
	s12 =	spop (v2sf)  }
0x110: {  	[tilespmem:s11], [sflag:$0x1] =	stream.linear.gather [hbm4b:s6+s1], $0x80, $0x38;
	(v2sf) =	vpush v0, $0xE;
	[tilespmem:$0x8980] =	vst v63  }
0x111: {  	s6 =	sadd.s32 s4, s7;
	s7 =	sand.u32 $0x1FFFFFF0, s12;
	s11 =	spop (v2sf)  }
0x112: {  	[tilespmem:s8], [sflag:$0x1] =	stream.linear.gather [hbm4b:s6+s1], $0x80, $0x38;
	(v2sf) =	vpush v0, $0xF;
	[tilespmem:$0x8980] =	vst v63  }
0x113: {  	s6 =	sadd.s32 s4, s10;
	s8 =	sand.u32 $0x1FFFFFF0, s11;
	s10 =	spop (v2sf)  }
0x114: {  	[tilespmem:s5], [sflag:$0x1] =	stream.linear.gather [hbm4b:s6+s1], $0x80, $0x38;
	[tilespmem:$0x8980] =	vst v63  }
0x115: {  	s5 =	sadd.s32 s4, s7;
	s6 =	sand.u32 $0x1FFFFFF0, s10;
	s7 =	spop (v2sf)  }
0x116: {  	[tilespmem:s9], [sflag:$0x1] =	stream.linear.gather [hbm4b:s5+s1], $0x80, $0x38;
	[tilespmem:$0x8980] =	vst v63  }
0x117: {  	s5 =	sadd.s32 s4, s8;
	s7 =	sand.u32 $0x1FFFFFF0, s7;
	s8 =	spop (v2sf)  }
0x118: {  	[tilespmem:s0], [sflag:$0x1] =	stream.linear.gather [hbm4b:s5+s1], $0x80, $0x38;
	[tilespmem:$0x8980] =	vst v63  }
0x119: {  	s0 =	sadd.s32 s4, s6;
	s5 =	sand.u32 $0x1FFFFFF0, s8;
	s6 =	spop (v2sf)  }
0x11a: {  	[tilespmem:s31], [sflag:$0x1] =	stream.linear.gather [hbm4b:s0+s1], $0x80, $0x38;
	[tilespmem:$0x8980] =	vst v63  }
0x11b: {  	s0 =	sadd.s32 s4, s7;
	s6 =	sand.u32 $0x1FFFFFF0, s6;
	s7 =	spop (v2sf)  }
0x11c: {  	[tilespmem:s3], [sflag:$0x1] =	stream.linear.gather [hbm4b:s0+s1], $0x80, $0x38;
	[tilespmem:$0x8980] =	vst v63  }
0x11d: {  	s0 =	sadd.s32 s4, s5;
	s3 =	sand.u32 $0x1FFFFFF0, s7;
	s5 =	spop (v2sf)  }
0x11e: {  	[tilespmem:s30], [sflag:$0x1] =	stream.linear.gather [hbm4b:s0+s1], $0x80, $0x38;
	[tilespmem:$0x8980] =	vst v63  }
0x11f: {  	s0 =	sadd.s32 s4, s6;
	s5 =	sand.u32 $0x1FFFFFF0, s5;
	s6 =	spop (v2sf)  }
0x120: {  	[tilespmem:s29], [sflag:$0x1] =	stream.linear.gather [hbm4b:s0+s1], $0x80, $0x38;
	[tilespmem:$0x8980] =	vst v63  }
0x121: {  	s0 =	sadd.s32 s4, s3;
	s3 =	sand.u32 $0x1FFFFFF0, s6;
	s6 =	spop (v2sf)  }
0x122: {  	[tilespmem:s26], [sflag:$0x1] =	stream.linear.gather [hbm4b:s0+s1], $0x80, $0x38;
	[tilespmem:$0x8980] =	vst v63  }
0x123: {  	s0 =	sadd.s32 s4, s5;
	s5 =	sand.u32 $0x1FFFFFF0, s6  }
0x124: {  	[tilespmem:s28], [sflag:$0x1] =	stream.linear.gather [hbm4b:s0+s1], $0x80, $0x38;
	[tilespmem:$0x8980] =	vst v63  }
0x125: {  	s3 =	sadd.s32 s4, s3;
	s0 =	sadd.s32 $0x880, s22  }
0x126: {  	[tilespmem:s0], [sflag:$0x1] =	stream.linear.gather [hbm4b:s3+s1], $0x80, $0x38;
	[tilespmem:$0x8980] =	vst v63  }
0x127: {  	s0 =	sadd.s32 $0x900, s22;
	s3 =	sadd.s32 s4, s5  }
0x128: {  	[tilespmem:s0], [sflag:$0x1] =	stream.linear.gather [hbm4b:s3+s1], $0x80, $0x38;
	[tilespmem:$0x8980] =	vst v63  }
0x129: {  	v0 =	vld [tilespmem:s23+$0x0];
	_ =	sdelay $0x4  }
0x12a: {  	v0 =	vshll.u32 v0, $0x4  }
0x12b: {  	(v2sf) =	vpush v0, $0x0  }
0x12c: {  	(v2sf) =	vpush v0, $0x1  }
0x12d: {  	(v2sf) =	vpush v0, $0x2;
	_ =	sdelay $0x1  }
0x12e: {  	(v2sf) =	vpush v0, $0x4  }
.Ltmp2:
0x12f: {  	(pc) =	sbr.rel @p0 .LBB2_6-.Ltmp2, $3  }
0x130: {  	(v2sf) =	vpush v0, $0x3  }
0x131: {  	(v2sf) =	vpush v0, $0x5;
	_ =	sdelay $0x1  }
0x132: {  	s22 =	sshra.s32 s25, $0x2;
	(v2sf) =	vpush v0, $0x6  }
0x133: {  	_ =	sdelay $0x1  }
0x134: {  	s3 =	sadd.s32 $0x200, s22;
	s24 =	sadd.s32 $0x700, s22  }
0x135: {  	s5 =	sadd.s32 $0x500, s22;
	s0 =	sadd.s32 $0x780, s22;
	(v2sf) =	vpush v0, $0x7;
	s6 =	sadd.s32 $0x400, s22  }
0x136: {  	s7 =	sadd.s32 $0x580, s22;
	s23 =	sadd.s32 $0x800, s22;
	s8 =	sadd.s32 $0x180, s22  }
0x137: {  	s9 =	sadd.s32 $0x380, s22;
	s10 =	sadd.s32 $0x480, s22;
	(v2sf) =	vpush v0, $0x8;
	s11 =	spop (v2sf)  }
0x138: {  	s12 =	sadd.s32 $0x280, s22;
	s11 =	sand.u32 $0x1FFFFFF0, s11;
	s13 =	spop (v2sf)  }
0x139: {  	(v2sf) =	vpush v0, $0x9;
	s11 =	sadd.s32 s4, s11;
	s13 =	sand.u32 $0x1FFFFFF0, s13;
	s25 =	spop (v2sf)  }
0x13a: {  	[tilespmem:s8], [sflag:$0x1] =	stream.linear.gather [hbm4b:s11+s1], $0x80, $0x38;
	[tilespmem:$0x8980] =	vst v63  }
0x13b: {  	s26 =	sadd.s32 $0x300, s22;
	(v2sf) =	vpush v0, $0xA;
	s30 =	sadd.s32 s4, s13;
	s31 =	spop (v2sf)  }
0x13c: {  	[tilespmem:s3], [sflag:$0x1] =	stream.linear.gather [hbm4b:s30+s1], $0x80, $0x38;
	[tilespmem:$0x8980] =	vst v63  }
0x13d: {  	s8 =	sadd.s32 $0x680, s22;
	s28 =	sand.u32 $0x1FFFFFF0, s25;
	(v2sf) =	vpush v0, $0xB;
	s29 =	spop (v2sf)  }
0x13e: {  	s11 =	sadd.s32 s4, s28;
	s3 =	sadd.s32 $0x600, s22;
	s25 =	sand.u32 $0x1FFFFFF0, s29  }
0x13f: {  	(v2sf) =	vpush v0, $0xC;
	[tilespmem:s12], [sflag:$0x1] =	stream.linear.gather [hbm4b:s11+s1], $0x80, $0x38;
	[tilespmem:$0x8980] =	vst v63  }
0x140: {  	s30 =	sand.u32 $0x1FFFFFF0, s31;
	s31 =	spop (v2sf);
	s28 =	sadd.s32 s4, s25  }
0x141: {  	(v2sf) =	vpush v0, $0xD;
	[tilespmem:s26], [sflag:$0x1] =	stream.linear.gather [hbm4b:s28+s1], $0x80, $0x38;
	[tilespmem:$0x8980] =	vst v63  }
0x142: {  	s11 =	sadd.s32 s4, s30;
	s12 =	sand.u32 $0x1FFFFFF0, s31;
	s29 =	spop (v2sf)  }
0x143: {  	(v2sf) =	vpush v0, $0xE;
	[tilespmem:s9], [sflag:$0x1] =	stream.linear.gather [hbm4b:s11+s1], $0x80, $0x38;
	[tilespmem:$0x8980] =	vst v63  }
0x144: {  	s12 =	sadd.s32 s4, s12;
	s30 =	sand.u32 $0x1FFFFFF0, s29;
	s31 =	spop (v2sf)  }
0x145: {  	(v2sf) =	vpush v0, $0xF;
	[tilespmem:s6], [sflag:$0x1] =	stream.linear.gather [hbm4b:s12+s1], $0x80, $0x38;
	[tilespmem:$0x8980] =	vst v63  }
0x146: {  	s13 =	sand.u32 $0x1FFFFFF0, s31;
	s25 =	spop (v2sf);
	s9 =	sadd.s32 s4, s30  }
0x147: {  	[tilespmem:s10], [sflag:$0x1] =	stream.linear.gather [hbm4b:s9+s1], $0x80, $0x38;
	[tilespmem:$0x8980] =	vst v63  }
0x148: {  	s26 =	sand.u32 $0x1FFFFFF0, s25;
	s6 =	sadd.s32 s4, s13;
	s28 =	spop (v2sf)  }
0x149: {  	[tilespmem:s5], [sflag:$0x1] =	stream.linear.gather [hbm4b:s6+s1], $0x80, $0x38;
	[tilespmem:$0x8980] =	vst v63  }
0x14a: {  	s9 =	sadd.s32 s4, s26;
	s29 =	sand.u32 $0x1FFFFFF0, s28;
	s30 =	spop (v2sf)  }
0x14b: {  	[tilespmem:s7], [sflag:$0x1] =	stream.linear.gather [hbm4b:s9+s1], $0x80, $0x38;
	[tilespmem:$0x8980] =	vst v63  }
0x14c: {  	s6 =	sand.u32 $0x1FFFFFF0, s30;
	s5 =	sadd.s32 s4, s29;
	s31 =	spop (v2sf)  }
0x14d: {  	[tilespmem:s3], [sflag:$0x1] =	stream.linear.gather [hbm4b:s5+s1], $0x80, $0x38;
	[tilespmem:$0x8980] =	vst v63  }
0x14e: {  	s6 =	sadd.s32 s4, s6;
	s9 =	sand.u32 $0x1FFFFFF0, s31;
	s10 =	spop (v2sf)  }
0x14f: {  	[tilespmem:s8], [sflag:$0x1] =	stream.linear.gather [hbm4b:s6+s1], $0x80, $0x38;
	[tilespmem:$0x8980] =	vst v63  }
0x150: {  	s3 =	sadd.s32 s4, s9;
	s5 =	sand.u32 $0x1FFFFFF0, s10;
	s11 =	spop (v2sf)  }
0x151: {  	[tilespmem:s24], [sflag:$0x1] =	stream.linear.gather [hbm4b:s3+s1], $0x80, $0x38;
	[tilespmem:$0x8980] =	vst v63  }
0x152: {  	s12 =	sand.u32 $0x1FFFFFF0, s11;
	s5 =	sadd.s32 s4, s5;
	s13 =	spop (v2sf)  }
0x153: {  	[tilespmem:s0], [sflag:$0x1] =	stream.linear.gather [hbm4b:s5+s1], $0x80, $0x38;
	[tilespmem:$0x8980] =	vst v63  }
0x154: {  	s24 =	sand.u32 $0x1FFFFFF0, s13;
	s25 =	spop (v2sf);
	s3 =	sadd.s32 s4, s12  }
0x155: {  	[tilespmem:s23], [sflag:$0x1] =	stream.linear.gather [hbm4b:s3+s1], $0x80, $0x38;
	[tilespmem:$0x8980] =	vst v63  }
0x156: {  	s28 =	sadd.s32 $0x880, s22;
	s26 =	sand.u32 $0x1FFFFFF0, s25;
	s0 =	sadd.s32 s4, s24  }
0x157: {  	[tilespmem:s28], [sflag:$0x1] =	stream.linear.gather [hbm4b:s0+s1], $0x80, $0x38;
	[tilespmem:$0x8980] =	vst v63  }
0x158: {  	s29 =	sadd.s32 $0x900, s22;
	s3 =	sadd.s32 s4, s26  }
0x159: {  	[tilespmem:s29], [sflag:$0x1] =	stream.linear.gather [hbm4b:s3+s1], $0x80, $0x38;
	[tilespmem:$0x8980] =	vst v63  }
0x15a: {  	_ =	swait.ge [sflag:s19], $0x8800  }
0x15b: {  	[sflag:s19] =	ssyncset.done $0x0  }
0x15c: {  	s23 =	simm.s32 $0x0;
	s30 =	rddreg [dreg:$0x7];
	[sflag:s19] =	ssyncadd.s32 $0xFFFF7800  }
0x15d: {  	[hbm4b:s30+s23] =	stream.linear.scatter [tilespmem:s20], [sflag:$0x2], $0x8800, $0x38;
	[tilespmem:$0x8980] =	vst v63  }
0x15e: {  	_ =	swait.ge [sflag:s18], $0x8800  }
0x15f: {  	[sflag:s18] =	ssyncset.done $0x0  }
0x160: {  	s31 =	rddreg [dreg:$0x8];
	[sflag:s18] =	ssyncadd.s32 $0xFFFF7800  }
0x161: {  	[tilespmem:s23], [sflag:$0x2] =	stream.linear.gather [hbm4b:s31+s23], $0x110, $0x38;
	[tilespmem:$0x8980] =	vst v63  }
0x162: {  	_ =	swait.ge [sflag:s18], $0x110  }
0x163: {  	[sflag:s18] =	ssyncset.done $0x0  }
0x164: {  	[sflag:s18] =	ssyncadd.s32 $0xFFFFFEF0  }
0x165: {  	v0 =	vld [tilespmem:s23+$0x0];
	_ =	sdelay $0x4  }
0x166: {  	v0 =	vshll.u32 v0, $0x4  }
0x167: {  	(v2sf) =	vpush v0, $0x0  }
0x168: {  	(v2sf) =	vpush v0, $0x1  }
0x169: {  	(v2sf) =	vpush v0, $0x2;
	_ =	sdelay $0x1  }
0x16a: {  	(v2sf) =	vpush v0, $0x4;
	_ =	sdelay $0x1  }
0x16b: {  	(v2sf) =	vpush v0, $0x3  }
0x16c: {  	(v2sf) =	vpush v0, $0x5  }
0x16d: {  	s22 =	simm.s32 $0x0;
	s24 =	simm.s32 $0x2000;
	(v2sf) =	vpush v0, $0x6  }
.LBB2_8:
0x16e: {  	p0 =	sne.s32 s24, $0x20000  }
0x16f: {  	s6 =	sadd.s32 $0x200, s22;
	s29 =	sadd.s32 $0x700, s22;
	s25 =	smov.u32 s24  }
0x170: {  	s24 =	sadd.s32 $0x2000, s24;
	s0 =	sadd.s32 $0x500, s22;
	s26 =	sadd.s32 $0x780, s22;
	(v2sf) =	vpush v0, $0x7  }
0x171: {  	s5 =	sadd.s32 $0x400, s22;
	s31 =	sadd.s32 $0x580, s22;
	s28 =	sadd.s32 $0x800, s22  }
0x172: {  	s7 =	sadd.s32 $0x180, s22;
	s8 =	sadd.s32 $0x380, s22;
	(v2sf) =	vpush v0, $0x8  }
0x173: {  	s9 =	sadd.s32 $0x480, s22;
	s23 =	sadd.s32 $0x10, s23  }
0x174: {  	s10 =	sadd.s32 $0x280, s22;
	s30 =	sadd.s32 $0x680, s22;
	s3 =	spop (v2sf);
	(v2sf) =	vpush v0, $0x9  }
0x175: {  	s11 =	sand.u32 $0x1FFFFFF0, s3;
	s3 =	sadd.s32 $0x600, s22;
	s12 =	spop (v2sf)  }
0x176: {  	s11 =	sadd.s32 s4, s11;
	s12 =	sand.u32 $0x1FFFFFF0, s12;
	s13 =	spop (v2sf);
	(v2sf) =	vpush v0, $0xA  }
0x177: {  	[tilespmem:s7], [sflag:$0x1] =	stream.linear.gather [hbm4b:s11+s1], $0x80, $0x38;
	[tilespmem:$0x8980] =	vst v63  }
0x178: {  	s7 =	sadd.s32 s4, s12;
	s11 =	sadd.s32 $0x300, s22;
	s12 =	spop (v2sf);
	(v2sf) =	vpush v0, $0xB  }
0x179: {  	[tilespmem:s6], [sflag:$0x1] =	stream.linear.gather [hbm4b:s7+s1], $0x80, $0x38;
	[tilespmem:$0x8980] =	vst v63  }
0x17a: {  	s6 =	sand.u32 $0x1FFFFFF0, s13;
	s7 =	sand.u32 $0x1FFFFFF0, s12;
	s12 =	spop (v2sf);
	(v2sf) =	vpush v0, $0xC  }
0x17b: {  	s6 =	sadd.s32 s4, s6;
	s12 =	sand.u32 $0x1FFFFFF0, s12;
	s13 =	spop (v2sf)  }
0x17c: {  	[tilespmem:s10], [sflag:$0x1] =	stream.linear.gather [hbm4b:s6+s1], $0x80, $0x38;
	(v2sf) =	vpush v0, $0xD;
	[tilespmem:$0x8980] =	vst v63  }
0x17d: {  	s6 =	sadd.s32 s4, s12;
	s10 =	sand.u32 $0x1FFFFFF0, s13;
	s12 =	spop (v2sf)  }
0x17e: {  	[tilespmem:s11], [sflag:$0x1] =	stream.linear.gather [hbm4b:s6+s1], $0x80, $0x38;
	(v2sf) =	vpush v0, $0xE;
	[tilespmem:$0x8980] =	vst v63  }
0x17f: {  	s6 =	sadd.s32 s4, s7;
	s7 =	sand.u32 $0x1FFFFFF0, s12;
	s11 =	spop (v2sf)  }
0x180: {  	[tilespmem:s8], [sflag:$0x1] =	stream.linear.gather [hbm4b:s6+s1], $0x80, $0x38;
	(v2sf) =	vpush v0, $0xF;
	[tilespmem:$0x8980] =	vst v63  }
0x181: {  	s6 =	sadd.s32 s4, s10;
	s8 =	sand.u32 $0x1FFFFFF0, s11;
	s10 =	spop (v2sf)  }
0x182: {  	[tilespmem:s5], [sflag:$0x1] =	stream.linear.gather [hbm4b:s6+s1], $0x80, $0x38;
	[tilespmem:$0x8980] =	vst v63  }
0x183: {  	s5 =	sadd.s32 s4, s7;
	s6 =	sand.u32 $0x1FFFFFF0, s10;
	s7 =	spop (v2sf)  }
0x184: {  	[tilespmem:s9], [sflag:$0x1] =	stream.linear.gather [hbm4b:s5+s1], $0x80, $0x38;
	[tilespmem:$0x8980] =	vst v63  }
0x185: {  	s5 =	sadd.s32 s4, s8;
	s7 =	sand.u32 $0x1FFFFFF0, s7;
	s8 =	spop (v2sf)  }
0x186: {  	[tilespmem:s0], [sflag:$0x1] =	stream.linear.gather [hbm4b:s5+s1], $0x80, $0x38;
	[tilespmem:$0x8980] =	vst v63  }
0x187: {  	s0 =	sadd.s32 s4, s6;
	s5 =	sand.u32 $0x1FFFFFF0, s8;
	s6 =	spop (v2sf)  }
0x188: {  	[tilespmem:s31], [sflag:$0x1] =	stream.linear.gather [hbm4b:s0+s1], $0x80, $0x38;
	[tilespmem:$0x8980] =	vst v63  }
0x189: {  	s0 =	sadd.s32 s4, s7;
	s6 =	sand.u32 $0x1FFFFFF0, s6;
	s7 =	spop (v2sf)  }
0x18a: {  	[tilespmem:s3], [sflag:$0x1] =	stream.linear.gather [hbm4b:s0+s1], $0x80, $0x38;
	[tilespmem:$0x8980] =	vst v63  }
0x18b: {  	s0 =	sadd.s32 s4, s5;
	s3 =	sand.u32 $0x1FFFFFF0, s7;
	s5 =	spop (v2sf)  }
0x18c: {  	[tilespmem:s30], [sflag:$0x1] =	stream.linear.gather [hbm4b:s0+s1], $0x80, $0x38;
	[tilespmem:$0x8980] =	vst v63  }
0x18d: {  	s0 =	sadd.s32 s4, s6;
	s5 =	sand.u32 $0x1FFFFFF0, s5;
	s6 =	spop (v2sf)  }
0x18e: {  	[tilespmem:s29], [sflag:$0x1] =	stream.linear.gather [hbm4b:s0+s1], $0x80, $0x38;
	[tilespmem:$0x8980] =	vst v63  }
0x18f: {  	s0 =	sadd.s32 s4, s3;
	s3 =	sand.u32 $0x1FFFFFF0, s6;
	s6 =	spop (v2sf)  }
0x190: {  	[tilespmem:s26], [sflag:$0x1] =	stream.linear.gather [hbm4b:s0+s1], $0x80, $0x38;
	[tilespmem:$0x8980] =	vst v63  }
0x191: {  	s0 =	sadd.s32 s4, s5;
	s5 =	sand.u32 $0x1FFFFFF0, s6  }
0x192: {  	[tilespmem:s28], [sflag:$0x1] =	stream.linear.gather [hbm4b:s0+s1], $0x80, $0x38;
	[tilespmem:$0x8980] =	vst v63  }
0x193: {  	s3 =	sadd.s32 s4, s3;
	s0 =	sadd.s32 $0x880, s22  }
0x194: {  	[tilespmem:s0], [sflag:$0x1] =	stream.linear.gather [hbm4b:s3+s1], $0x80, $0x38;
	[tilespmem:$0x8980] =	vst v63  }
0x195: {  	s0 =	sadd.s32 $0x900, s22;
	s3 =	sadd.s32 s4, s5  }
0x196: {  	[tilespmem:s0], [sflag:$0x1] =	stream.linear.gather [hbm4b:s3+s1], $0x80, $0x38;
	[tilespmem:$0x8980] =	vst v63  }
0x197: {  	v0 =	vld [tilespmem:s23+$0x0];
	_ =	sdelay $0x4  }
0x198: {  	v0 =	vshll.u32 v0, $0x4  }
0x199: {  	(v2sf) =	vpush v0, $0x0  }
0x19a: {  	(v2sf) =	vpush v0, $0x1  }
0x19b: {  	(v2sf) =	vpush v0, $0x2;
	_ =	sdelay $0x1  }
0x19c: {  	(v2sf) =	vpush v0, $0x4  }
.Ltmp3:
0x19d: {  	(pc) =	sbr.rel @p0 .LBB2_8-.Ltmp3, $3  }
0x19e: {  	(v2sf) =	vpush v0, $0x3  }
0x19f: {  	(v2sf) =	vpush v0, $0x5;
	_ =	sdelay $0x1  }
0x1a0: {  	s22 =	sshra.s32 s25, $0x2;
	(v2sf) =	vpush v0, $0x6  }
0x1a1: {  	_ =	sdelay $0x1  }
0x1a2: {  	s3 =	sadd.s32 $0x200, s22;
	s24 =	sadd.s32 $0x700, s22  }
0x1a3: {  	s5 =	sadd.s32 $0x500, s22;
	s0 =	sadd.s32 $0x780, s22;
	(v2sf) =	vpush v0, $0x7;
	s6 =	sadd.s32 $0x400, s22  }
0x1a4: {  	s7 =	sadd.s32 $0x580, s22;
	s23 =	sadd.s32 $0x800, s22;
	s8 =	sadd.s32 $0x180, s22  }
0x1a5: {  	s9 =	sadd.s32 $0x380, s22;
	s10 =	sadd.s32 $0x480, s22;
	(v2sf) =	vpush v0, $0x8;
	s11 =	spop (v2sf)  }
0x1a6: {  	s12 =	sadd.s32 $0x280, s22;
	s11 =	sand.u32 $0x1FFFFFF0, s11;
	s13 =	spop (v2sf)  }
0x1a7: {  	(v2sf) =	vpush v0, $0x9;
	s11 =	sadd.s32 s4, s11;
	s13 =	sand.u32 $0x1FFFFFF0, s13;
	s25 =	spop (v2sf)  }
0x1a8: {  	[tilespmem:s8], [sflag:$0x1] =	stream.linear.gather [hbm4b:s11+s1], $0x80, $0x38;
	[tilespmem:$0x8980] =	vst v63  }
0x1a9: {  	s26 =	sadd.s32 $0x300, s22;
	(v2sf) =	vpush v0, $0xA;
	s30 =	sadd.s32 s4, s13;
	s31 =	spop (v2sf)  }
0x1aa: {  	[tilespmem:s3], [sflag:$0x1] =	stream.linear.gather [hbm4b:s30+s1], $0x80, $0x38;
	[tilespmem:$0x8980] =	vst v63  }
0x1ab: {  	s8 =	sadd.s32 $0x680, s22;
	s28 =	sand.u32 $0x1FFFFFF0, s25;
	(v2sf) =	vpush v0, $0xB;
	s29 =	spop (v2sf)  }
0x1ac: {  	s11 =	sadd.s32 s4, s28;
	s3 =	sadd.s32 $0x600, s22;
	s25 =	sand.u32 $0x1FFFFFF0, s29  }
0x1ad: {  	(v2sf) =	vpush v0, $0xC;
	[tilespmem:s12], [sflag:$0x1] =	stream.linear.gather [hbm4b:s11+s1], $0x80, $0x38;
	[tilespmem:$0x8980] =	vst v63  }
0x1ae: {  	s30 =	sand.u32 $0x1FFFFFF0, s31;
	s31 =	spop (v2sf);
	s28 =	sadd.s32 s4, s25  }
0x1af: {  	(v2sf) =	vpush v0, $0xD;
	[tilespmem:s26], [sflag:$0x1] =	stream.linear.gather [hbm4b:s28+s1], $0x80, $0x38;
	[tilespmem:$0x8980] =	vst v63  }
0x1b0: {  	s11 =	sadd.s32 s4, s30;
	s12 =	sand.u32 $0x1FFFFFF0, s31;
	s29 =	spop (v2sf)  }
0x1b1: {  	(v2sf) =	vpush v0, $0xE;
	[tilespmem:s9], [sflag:$0x1] =	stream.linear.gather [hbm4b:s11+s1], $0x80, $0x38;
	[tilespmem:$0x8980] =	vst v63  }
0x1b2: {  	s12 =	sadd.s32 s4, s12;
	s30 =	sand.u32 $0x1FFFFFF0, s29;
	s31 =	spop (v2sf)  }
0x1b3: {  	(v2sf) =	vpush v0, $0xF;
	[tilespmem:s6], [sflag:$0x1] =	stream.linear.gather [hbm4b:s12+s1], $0x80, $0x38;
	[tilespmem:$0x8980] =	vst v63  }
0x1b4: {  	s13 =	sand.u32 $0x1FFFFFF0, s31;
	s25 =	spop (v2sf);
	s9 =	sadd.s32 s4, s30  }
0x1b5: {  	[tilespmem:s10], [sflag:$0x1] =	stream.linear.gather [hbm4b:s9+s1], $0x80, $0x38;
	[tilespmem:$0x8980] =	vst v63  }
0x1b6: {  	s26 =	sand.u32 $0x1FFFFFF0, s25;
	s6 =	sadd.s32 s4, s13;
	s28 =	spop (v2sf)  }
0x1b7: {  	[tilespmem:s5], [sflag:$0x1] =	stream.linear.gather [hbm4b:s6+s1], $0x80, $0x38;
	[tilespmem:$0x8980] =	vst v63  }
0x1b8: {  	s9 =	sadd.s32 s4, s26;
	s29 =	sand.u32 $0x1FFFFFF0, s28;
	s30 =	spop (v2sf)  }
0x1b9: {  	[tilespmem:s7], [sflag:$0x1] =	stream.linear.gather [hbm4b:s9+s1], $0x80, $0x38;
	[tilespmem:$0x8980] =	vst v63  }
0x1ba: {  	s6 =	sand.u32 $0x1FFFFFF0, s30;
	s5 =	sadd.s32 s4, s29;
	s31 =	spop (v2sf)  }
0x1bb: {  	[tilespmem:s3], [sflag:$0x1] =	stream.linear.gather [hbm4b:s5+s1], $0x80, $0x38;
	[tilespmem:$0x8980] =	vst v63  }
0x1bc: {  	s6 =	sadd.s32 s4, s6;
	s9 =	sand.u32 $0x1FFFFFF0, s31;
	s10 =	spop (v2sf)  }
0x1bd: {  	[tilespmem:s8], [sflag:$0x1] =	stream.linear.gather [hbm4b:s6+s1], $0x80, $0x38;
	[tilespmem:$0x8980] =	vst v63  }
0x1be: {  	s3 =	sadd.s32 s4, s9;
	s5 =	sand.u32 $0x1FFFFFF0, s10;
	s11 =	spop (v2sf)  }
0x1bf: {  	[tilespmem:s24], [sflag:$0x1] =	stream.linear.gather [hbm4b:s3+s1], $0x80, $0x38;
	[tilespmem:$0x8980] =	vst v63  }
0x1c0: {  	s12 =	sand.u32 $0x1FFFFFF0, s11;
	s5 =	sadd.s32 s4, s5;
	s13 =	spop (v2sf)  }
0x1c1: {  	[tilespmem:s0], [sflag:$0x1] =	stream.linear.gather [hbm4b:s5+s1], $0x80, $0x38;
	[tilespmem:$0x8980] =	vst v63  }
0x1c2: {  	s24 =	sand.u32 $0x1FFFFFF0, s13;
	s25 =	spop (v2sf);
	s3 =	sadd.s32 s4, s12  }
0x1c3: {  	[tilespmem:s23], [sflag:$0x1] =	stream.linear.gather [hbm4b:s3+s1], $0x80, $0x38;
	[tilespmem:$0x8980] =	vst v63  }
0x1c4: {  	s28 =	sadd.s32 $0x880, s22;
	s26 =	sand.u32 $0x1FFFFFF0, s25;
	s0 =	sadd.s32 s4, s24  }
0x1c5: {  	[tilespmem:s28], [sflag:$0x1] =	stream.linear.gather [hbm4b:s0+s1], $0x80, $0x38;
	[tilespmem:$0x8980] =	vst v63  }
0x1c6: {  	s29 =	sadd.s32 $0x900, s22;
	s3 =	sadd.s32 s4, s26  }
0x1c7: {  	[tilespmem:s29], [sflag:$0x1] =	stream.linear.gather [hbm4b:s3+s1], $0x80, $0x38;
	[tilespmem:$0x8980] =	vst v63  }
0x1c8: {  	_ =	swait.ge [sflag:s19], $0x8800  }
0x1c9: {  	[sflag:s19] =	ssyncset.done $0x0  }
0x1ca: {  	s23 =	simm.s32 $0x0;
	s30 =	rddreg [dreg:$0x9];
	[sflag:s19] =	ssyncadd.s32 $0xFFFF7800  }
0x1cb: {  	[hbm4b:s30+s23] =	stream.linear.scatter [tilespmem:s20], [sflag:$0x2], $0x8800, $0x38;
	[tilespmem:$0x8980] =	vst v63  }
0x1cc: {  	_ =	swait.ge [sflag:s18], $0x8800  }
0x1cd: {  	[sflag:s18] =	ssyncset.done $0x0  }
0x1ce: {  	s31 =	rddreg [dreg:$0xa];
	[sflag:s18] =	ssyncadd.s32 $0xFFFF7800  }
0x1cf: {  	[tilespmem:s23], [sflag:$0x2] =	stream.linear.gather [hbm4b:s31+s23], $0x110, $0x38;
	[tilespmem:$0x8980] =	vst v63  }
0x1d0: {  	_ =	swait.ge [sflag:s18], $0x110  }
0x1d1: {  	[sflag:s18] =	ssyncset.done $0x0  }
0x1d2: {  	[sflag:s18] =	ssyncadd.s32 $0xFFFFFEF0  }
0x1d3: {  	v0 =	vld [tilespmem:s23+$0x0];
	_ =	sdelay $0x4  }
0x1d4: {  	v0 =	vshll.u32 v0, $0x4  }
0x1d5: {  	(v2sf) =	vpush v0, $0x0  }
0x1d6: {  	(v2sf) =	vpush v0, $0x1  }
0x1d7: {  	(v2sf) =	vpush v0, $0x2;
	_ =	sdelay $0x1  }
0x1d8: {  	(v2sf) =	vpush v0, $0x4;
	_ =	sdelay $0x1  }
0x1d9: {  	(v2sf) =	vpush v0, $0x3  }
0x1da: {  	(v2sf) =	vpush v0, $0x5  }
0x1db: {  	s22 =	simm.s32 $0x0;
	s24 =	simm.s32 $0x2000;
	(v2sf) =	vpush v0, $0x6  }
.LBB2_10:
0x1dc: {  	p0 =	sne.s32 s24, $0x20000  }
0x1dd: {  	s6 =	sadd.s32 $0x200, s22;
	s29 =	sadd.s32 $0x700, s22;
	s25 =	smov.u32 s24  }
0x1de: {  	s24 =	sadd.s32 $0x2000, s24;
	s0 =	sadd.s32 $0x500, s22;
	s26 =	sadd.s32 $0x780, s22;
	(v2sf) =	vpush v0, $0x7  }
0x1df: {  	s5 =	sadd.s32 $0x400, s22;
	s31 =	sadd.s32 $0x580, s22;
	s28 =	sadd.s32 $0x800, s22  }
0x1e0: {  	s7 =	sadd.s32 $0x180, s22;
	s8 =	sadd.s32 $0x380, s22;
	(v2sf) =	vpush v0, $0x8  }
0x1e1: {  	s9 =	sadd.s32 $0x480, s22;
	s23 =	sadd.s32 $0x10, s23  }
0x1e2: {  	s10 =	sadd.s32 $0x280, s22;
	s30 =	sadd.s32 $0x680, s22;
	s3 =	spop (v2sf);
	(v2sf) =	vpush v0, $0x9  }
0x1e3: {  	s11 =	sand.u32 $0x1FFFFFF0, s3;
	s3 =	sadd.s32 $0x600, s22;
	s12 =	spop (v2sf)  }
0x1e4: {  	s11 =	sadd.s32 s4, s11;
	s12 =	sand.u32 $0x1FFFFFF0, s12;
	s13 =	spop (v2sf);
	(v2sf) =	vpush v0, $0xA  }
0x1e5: {  	[tilespmem:s7], [sflag:$0x1] =	stream.linear.gather [hbm4b:s11+s1], $0x80, $0x38;
	[tilespmem:$0x8980] =	vst v63  }
0x1e6: {  	s7 =	sadd.s32 s4, s12;
	s11 =	sadd.s32 $0x300, s22;
	s12 =	spop (v2sf);
	(v2sf) =	vpush v0, $0xB  }
0x1e7: {  	[tilespmem:s6], [sflag:$0x1] =	stream.linear.gather [hbm4b:s7+s1], $0x80, $0x38;
	[tilespmem:$0x8980] =	vst v63  }
0x1e8: {  	s6 =	sand.u32 $0x1FFFFFF0, s13;
	s7 =	sand.u32 $0x1FFFFFF0, s12;
	s12 =	spop (v2sf);
	(v2sf) =	vpush v0, $0xC  }
0x1e9: {  	s6 =	sadd.s32 s4, s6;
	s12 =	sand.u32 $0x1FFFFFF0, s12;
	s13 =	spop (v2sf)  }
0x1ea: {  	[tilespmem:s10], [sflag:$0x1] =	stream.linear.gather [hbm4b:s6+s1], $0x80, $0x38;
	(v2sf) =	vpush v0, $0xD;
	[tilespmem:$0x8980] =	vst v63  }
0x1eb: {  	s6 =	sadd.s32 s4, s12;
	s10 =	sand.u32 $0x1FFFFFF0, s13;
	s12 =	spop (v2sf)  }
0x1ec: {  	[tilespmem:s11], [sflag:$0x1] =	stream.linear.gather [hbm4b:s6+s1], $0x80, $0x38;
	(v2sf) =	vpush v0, $0xE;
	[tilespmem:$0x8980] =	vst v63  }
0x1ed: {  	s6 =	sadd.s32 s4, s7;
	s7 =	sand.u32 $0x1FFFFFF0, s12;
	s11 =	spop (v2sf)  }
0x1ee: {  	[tilespmem:s8], [sflag:$0x1] =	stream.linear.gather [hbm4b:s6+s1], $0x80, $0x38;
	(v2sf) =	vpush v0, $0xF;
	[tilespmem:$0x8980] =	vst v63  }
0x1ef: {  	s6 =	sadd.s32 s4, s10;
	s8 =	sand.u32 $0x1FFFFFF0, s11;
	s10 =	spop (v2sf)  }
0x1f0: {  	[tilespmem:s5], [sflag:$0x1] =	stream.linear.gather [hbm4b:s6+s1], $0x80, $0x38;
	[tilespmem:$0x8980] =	vst v63  }
0x1f1: {  	s5 =	sadd.s32 s4, s7;
	s6 =	sand.u32 $0x1FFFFFF0, s10;
	s7 =	spop (v2sf)  }
0x1f2: {  	[tilespmem:s9], [sflag:$0x1] =	stream.linear.gather [hbm4b:s5+s1], $0x80, $0x38;
	[tilespmem:$0x8980] =	vst v63  }
0x1f3: {  	s5 =	sadd.s32 s4, s8;
	s7 =	sand.u32 $0x1FFFFFF0, s7;
	s8 =	spop (v2sf)  }
0x1f4: {  	[tilespmem:s0], [sflag:$0x1] =	stream.linear.gather [hbm4b:s5+s1], $0x80, $0x38;
	[tilespmem:$0x8980] =	vst v63  }
0x1f5: {  	s0 =	sadd.s32 s4, s6;
	s5 =	sand.u32 $0x1FFFFFF0, s8;
	s6 =	spop (v2sf)  }
0x1f6: {  	[tilespmem:s31], [sflag:$0x1] =	stream.linear.gather [hbm4b:s0+s1], $0x80, $0x38;
	[tilespmem:$0x8980] =	vst v63  }
0x1f7: {  	s0 =	sadd.s32 s4, s7;
	s6 =	sand.u32 $0x1FFFFFF0, s6;
	s7 =	spop (v2sf)  }
0x1f8: {  	[tilespmem:s3], [sflag:$0x1] =	stream.linear.gather [hbm4b:s0+s1], $0x80, $0x38;
	[tilespmem:$0x8980] =	vst v63  }
0x1f9: {  	s0 =	sadd.s32 s4, s5;
	s3 =	sand.u32 $0x1FFFFFF0, s7;
	s5 =	spop (v2sf)  }
0x1fa: {  	[tilespmem:s30], [sflag:$0x1] =	stream.linear.gather [hbm4b:s0+s1], $0x80, $0x38;
	[tilespmem:$0x8980] =	vst v63  }
0x1fb: {  	s0 =	sadd.s32 s4, s6;
	s5 =	sand.u32 $0x1FFFFFF0, s5;
	s6 =	spop (v2sf)  }
0x1fc: {  	[tilespmem:s29], [sflag:$0x1] =	stream.linear.gather [hbm4b:s0+s1], $0x80, $0x38;
	[tilespmem:$0x8980] =	vst v63  }
0x1fd: {  	s0 =	sadd.s32 s4, s3;
	s3 =	sand.u32 $0x1FFFFFF0, s6;
	s6 =	spop (v2sf)  }
0x1fe: {  	[tilespmem:s26], [sflag:$0x1] =	stream.linear.gather [hbm4b:s0+s1], $0x80, $0x38;
	[tilespmem:$0x8980] =	vst v63  }
0x1ff: {  	s0 =	sadd.s32 s4, s5;
	s5 =	sand.u32 $0x1FFFFFF0, s6  }
0x200: {  	[tilespmem:s28], [sflag:$0x1] =	stream.linear.gather [hbm4b:s0+s1], $0x80, $0x38;
	[tilespmem:$0x8980] =	vst v63  }
0x201: {  	s3 =	sadd.s32 s4, s3;
	s0 =	sadd.s32 $0x880, s22  }
0x202: {  	[tilespmem:s0], [sflag:$0x1] =	stream.linear.gather [hbm4b:s3+s1], $0x80, $0x38;
	[tilespmem:$0x8980] =	vst v63  }
0x203: {  	s0 =	sadd.s32 $0x900, s22;
	s3 =	sadd.s32 s4, s5  }
0x204: {  	[tilespmem:s0], [sflag:$0x1] =	stream.linear.gather [hbm4b:s3+s1], $0x80, $0x38;
	[tilespmem:$0x8980] =	vst v63  }
0x205: {  	v0 =	vld [tilespmem:s23+$0x0];
	_ =	sdelay $0x4  }
0x206: {  	v0 =	vshll.u32 v0, $0x4  }
0x207: {  	(v2sf) =	vpush v0, $0x0  }
0x208: {  	(v2sf) =	vpush v0, $0x1  }
0x209: {  	(v2sf) =	vpush v0, $0x2;
	_ =	sdelay $0x1  }
0x20a: {  	(v2sf) =	vpush v0, $0x4  }
.Ltmp4:
0x20b: {  	(pc) =	sbr.rel @p0 .LBB2_10-.Ltmp4, $3  }
0x20c: {  	(v2sf) =	vpush v0, $0x3  }
0x20d: {  	(v2sf) =	vpush v0, $0x5;
	_ =	sdelay $0x1  }
0x20e: {  	s22 =	sshra.s32 s25, $0x2;
	(v2sf) =	vpush v0, $0x6  }
0x20f: {  	_ =	sdelay $0x1  }
0x210: {  	s3 =	sadd.s32 $0x200, s22;
	s24 =	sadd.s32 $0x700, s22  }
0x211: {  	s5 =	sadd.s32 $0x500, s22;
	s0 =	sadd.s32 $0x780, s22;
	(v2sf) =	vpush v0, $0x7;
	s6 =	sadd.s32 $0x400, s22  }
0x212: {  	s7 =	sadd.s32 $0x580, s22;
	s23 =	sadd.s32 $0x800, s22;
	s8 =	sadd.s32 $0x180, s22  }
0x213: {  	s9 =	sadd.s32 $0x380, s22;
	s10 =	sadd.s32 $0x480, s22;
	(v2sf) =	vpush v0, $0x8;
	s11 =	spop (v2sf)  }
0x214: {  	s12 =	sadd.s32 $0x280, s22;
	s11 =	sand.u32 $0x1FFFFFF0, s11;
	s13 =	spop (v2sf)  }
0x215: {  	(v2sf) =	vpush v0, $0x9;
	s11 =	sadd.s32 s4, s11;
	s13 =	sand.u32 $0x1FFFFFF0, s13;
	s25 =	spop (v2sf)  }
0x216: {  	[tilespmem:s8], [sflag:$0x1] =	stream.linear.gather [hbm4b:s11+s1], $0x80, $0x38;
	[tilespmem:$0x8980] =	vst v63  }
0x217: {  	(v2sf) =	vpush v0, $0xA;
	s26 =	sadd.s32 s4, s13;
	s29 =	sand.u32 $0x1FFFFFF0, s25;
	s28 =	spop (v2sf)  }
0x218: {  	[tilespmem:s3], [sflag:$0x1] =	stream.linear.gather [hbm4b:s26+s1], $0x80, $0x38;
	[tilespmem:$0x8980] =	vst v63  }
0x219: {  	s8 =	sadd.s32 $0x680, s22;
	(v2sf) =	vpush v0, $0xB;
	s11 =	sadd.s32 s4, s29;
	s30 =	spop (v2sf)  }
0x21a: {  	s3 =	sadd.s32 $0x600, s22;
	s26 =	sadd.s32 $0x300, s22;
	s25 =	sand.u32 $0x1FFFFFF0, s30  }
0x21b: {  	(v2sf) =	vpush v0, $0xC;
	[tilespmem:s12], [sflag:$0x1] =	stream.linear.gather [hbm4b:s11+s1], $0x80, $0x38;
	[tilespmem:$0x8980] =	vst v63  }
0x21c: {  	s31 =	sand.u32 $0x1FFFFFF0, s28;
	s28 =	spop (v2sf);
	s29 =	sadd.s32 s4, s25  }
0x21d: {  	(v2sf) =	vpush v0, $0xD;
	[tilespmem:s26], [sflag:$0x1] =	stream.linear.gather [hbm4b:s29+s1], $0x80, $0x38;
	[tilespmem:$0x8980] =	vst v63  }
0x21e: {  	s11 =	sadd.s32 s4, s31;
	s12 =	sand.u32 $0x1FFFFFF0, s28;
	s30 =	spop (v2sf)  }
0x21f: {  	(v2sf) =	vpush v0, $0xE;
	[tilespmem:s9], [sflag:$0x1] =	stream.linear.gather [hbm4b:s11+s1], $0x80, $0x38;
	[tilespmem:$0x8980] =	vst v63  }
0x220: {  	s12 =	sadd.s32 s4, s12;
	s31 =	sand.u32 $0x1FFFFFF0, s30;
	s13 =	spop (v2sf)  }
0x221: {  	(v2sf) =	vpush v0, $0xF;
	[tilespmem:s6], [sflag:$0x1] =	stream.linear.gather [hbm4b:s12+s1], $0x80, $0x38;
	[tilespmem:$0x8980] =	vst v63  }
0x222: {  	s25 =	sand.u32 $0x1FFFFFF0, s13;
	s26 =	spop (v2sf);
	s9 =	sadd.s32 s4, s31  }
0x223: {  	[tilespmem:s10], [sflag:$0x1] =	stream.linear.gather [hbm4b:s9+s1], $0x80, $0x38;
	[tilespmem:$0x8980] =	vst v63  }
0x224: {  	s28 =	sand.u32 $0x1FFFFFF0, s26;
	s6 =	sadd.s32 s4, s25;
	s29 =	spop (v2sf)  }
0x225: {  	[tilespmem:s5], [sflag:$0x1] =	stream.linear.gather [hbm4b:s6+s1], $0x80, $0x38;
	[tilespmem:$0x8980] =	vst v63  }
0x226: {  	s9 =	sadd.s32 s4, s28;
	s30 =	sand.u32 $0x1FFFFFF0, s29;
	s31 =	spop (v2sf)  }
0x227: {  	[tilespmem:s7], [sflag:$0x1] =	stream.linear.gather [hbm4b:s9+s1], $0x80, $0x38;
	[tilespmem:$0x8980] =	vst v63  }
0x228: {  	s6 =	sand.u32 $0x1FFFFFF0, s31;
	s5 =	sadd.s32 s4, s30;
	s10 =	spop (v2sf)  }
0x229: {  	[tilespmem:s3], [sflag:$0x1] =	stream.linear.gather [hbm4b:s5+s1], $0x80, $0x38;
	[tilespmem:$0x8980] =	vst v63  }
0x22a: {  	s6 =	sadd.s32 s4, s6;
	s11 =	sand.u32 $0x1FFFFFF0, s10;
	s12 =	spop (v2sf)  }
0x22b: {  	[tilespmem:s8], [sflag:$0x1] =	stream.linear.gather [hbm4b:s6+s1], $0x80, $0x38;
	[tilespmem:$0x8980] =	vst v63  }
0x22c: {  	s3 =	sadd.s32 s4, s11;
	s5 =	sand.u32 $0x1FFFFFF0, s12;
	s13 =	spop (v2sf)  }
0x22d: {  	[tilespmem:s24], [sflag:$0x1] =	stream.linear.gather [hbm4b:s3+s1], $0x80, $0x38;
	[tilespmem:$0x8980] =	vst v63  }
0x22e: {  	s5 =	sadd.s32 s4, s5;
	s25 =	spop (v2sf);
	s24 =	sand.u32 $0x1FFFFFF0, s13  }
0x22f: {  	[tilespmem:s0], [sflag:$0x1] =	stream.linear.gather [hbm4b:s5+s1], $0x80, $0x38;
	[tilespmem:$0x8980] =	vst v63  }
0x230: {  	s26 =	sand.u32 $0x1FFFFFF0, s25;
	s28 =	spop (v2sf);
	s3 =	sadd.s32 s4, s24  }
0x231: {  	[tilespmem:s23], [sflag:$0x1] =	stream.linear.gather [hbm4b:s3+s1], $0x80, $0x38;
	[tilespmem:$0x8980] =	vst v63  }
0x232: {  	s30 =	sadd.s32 $0x880, s22;
	s29 =	sand.u32 $0x1FFFFFF0, s28;
	s0 =	sadd.s32 s4, s26  }
0x233: {  	[tilespmem:s30], [sflag:$0x1] =	stream.linear.gather [hbm4b:s0+s1], $0x80, $0x38;
	[tilespmem:$0x8980] =	vst v63  }
0x234: {  	s31 =	sadd.s32 $0x900, s22;
	s3 =	sadd.s32 s4, s29  }
0x235: {  	[tilespmem:s31], [sflag:$0x1] =	stream.linear.gather [hbm4b:s3+s1], $0x80, $0x38;
	[tilespmem:$0x8980] =	vst v63  }
0x236: {  	_ =	swait.ge [sflag:s19], $0x8800  }
0x237: {  	[sflag:s19] =	ssyncset.done $0x0  }
0x238: {  	s23 =	simm.s32 $0x0;
	[sflag:s19] =	ssyncadd.s32 $0xFFFF7800  }
0x239: {  	[hbm4b:s14+s23] =	stream.linear.scatter [tilespmem:s20], [sflag:$0x2], $0x8800, $0x38;
	[tilespmem:$0x8980] =	vst v63  }
0x23a: {  	_ =	swait.ge [sflag:s18], $0x8800  }
0x23b: {  	[sflag:s18] =	ssyncset.done $0x0  }
0x23c: {  	[sflag:s18] =	ssyncadd.s32 $0xFFFF7800  }
0x23d: {  	[tilespmem:s23], [sflag:$0x2] =	stream.linear.gather [hbm4b:s15+s23], $0x110, $0x38;
	[tilespmem:$0x8980] =	vst v63  }
0x23e: {  	_ =	swait.ge [sflag:s18], $0x110  }
0x23f: {  	[sflag:s18] =	ssyncset.done $0x0  }
0x240: {  	[sflag:s18] =	ssyncadd.s32 $0xFFFFFEF0  }
0x241: {  	v0 =	vld [tilespmem:s23+$0x0];
	_ =	sdelay $0x4  }
0x242: {  	v0 =	vshll.u32 v0, $0x4  }
0x243: {  	(v2sf) =	vpush v0, $0x0  }
0x244: {  	(v2sf) =	vpush v0, $0x1  }
0x245: {  	(v2sf) =	vpush v0, $0x2;
	_ =	sdelay $0x1  }
0x246: {  	(v2sf) =	vpush v0, $0x4;
	_ =	sdelay $0x1  }
0x247: {  	(v2sf) =	vpush v0, $0x3  }
0x248: {  	(v2sf) =	vpush v0, $0x5  }
0x249: {  	s22 =	simm.s32 $0x0;
	s24 =	simm.s32 $0x2000;
	(v2sf) =	vpush v0, $0x6  }
.LBB2_12:
0x24a: {  	p0 =	sne.s32 s24, $0x20000  }
0x24b: {  	s6 =	sadd.s32 $0x200, s22;
	s29 =	sadd.s32 $0x700, s22;
	s25 =	smov.u32 s24  }
0x24c: {  	s24 =	sadd.s32 $0x2000, s24;
	s0 =	sadd.s32 $0x500, s22;
	s26 =	sadd.s32 $0x780, s22;
	(v2sf) =	vpush v0, $0x7  }
0x24d: {  	s5 =	sadd.s32 $0x400, s22;
	s31 =	sadd.s32 $0x580, s22;
	s28 =	sadd.s32 $0x800, s22  }
0x24e: {  	s7 =	sadd.s32 $0x180, s22;
	s8 =	sadd.s32 $0x380, s22;
	(v2sf) =	vpush v0, $0x8  }
0x24f: {  	s9 =	sadd.s32 $0x480, s22;
	s23 =	sadd.s32 $0x10, s23  }
0x250: {  	s10 =	sadd.s32 $0x280, s22;
	s30 =	sadd.s32 $0x680, s22;
	s3 =	spop (v2sf);
	(v2sf) =	vpush v0, $0x9  }
0x251: {  	s11 =	sand.u32 $0x1FFFFFF0, s3;
	s3 =	sadd.s32 $0x600, s22;
	s12 =	spop (v2sf)  }
0x252: {  	s11 =	sadd.s32 s4, s11;
	s12 =	sand.u32 $0x1FFFFFF0, s12;
	s13 =	spop (v2sf);
	(v2sf) =	vpush v0, $0xA  }
0x253: {  	[tilespmem:s7], [sflag:$0x1] =	stream.linear.gather [hbm4b:s11+s1], $0x80, $0x38;
	[tilespmem:$0x8980] =	vst v63  }
0x254: {  	s7 =	sadd.s32 s4, s12;
	s11 =	sadd.s32 $0x300, s22;
	s12 =	spop (v2sf);
	(v2sf) =	vpush v0, $0xB  }
0x255: {  	[tilespmem:s6], [sflag:$0x1] =	stream.linear.gather [hbm4b:s7+s1], $0x80, $0x38;
	[tilespmem:$0x8980] =	vst v63  }
0x256: {  	s6 =	sand.u32 $0x1FFFFFF0, s13;
	s7 =	sand.u32 $0x1FFFFFF0, s12;
	s12 =	spop (v2sf);
	(v2sf) =	vpush v0, $0xC  }
0x257: {  	s6 =	sadd.s32 s4, s6;
	s12 =	sand.u32 $0x1FFFFFF0, s12;
	s13 =	spop (v2sf)  }
0x258: {  	[tilespmem:s10], [sflag:$0x1] =	stream.linear.gather [hbm4b:s6+s1], $0x80, $0x38;
	(v2sf) =	vpush v0, $0xD;
	[tilespmem:$0x8980] =	vst v63  }
0x259: {  	s6 =	sadd.s32 s4, s12;
	s10 =	sand.u32 $0x1FFFFFF0, s13;
	s12 =	spop (v2sf)  }
0x25a: {  	[tilespmem:s11], [sflag:$0x1] =	stream.linear.gather [hbm4b:s6+s1], $0x80, $0x38;
	(v2sf) =	vpush v0, $0xE;
	[tilespmem:$0x8980] =	vst v63  }
0x25b: {  	s6 =	sadd.s32 s4, s7;
	s7 =	sand.u32 $0x1FFFFFF0, s12;
	s11 =	spop (v2sf)  }
0x25c: {  	[tilespmem:s8], [sflag:$0x1] =	stream.linear.gather [hbm4b:s6+s1], $0x80, $0x38;
	(v2sf) =	vpush v0, $0xF;
	[tilespmem:$0x8980] =	vst v63  }
0x25d: {  	s6 =	sadd.s32 s4, s10;
	s8 =	sand.u32 $0x1FFFFFF0, s11;
	s10 =	spop (v2sf)  }
0x25e: {  	[tilespmem:s5], [sflag:$0x1] =	stream.linear.gather [hbm4b:s6+s1], $0x80, $0x38;
	[tilespmem:$0x8980] =	vst v63  }
0x25f: {  	s5 =	sadd.s32 s4, s7;
	s6 =	sand.u32 $0x1FFFFFF0, s10;
	s7 =	spop (v2sf)  }
0x260: {  	[tilespmem:s9], [sflag:$0x1] =	stream.linear.gather [hbm4b:s5+s1], $0x80, $0x38;
	[tilespmem:$0x8980] =	vst v63  }
0x261: {  	s5 =	sadd.s32 s4, s8;
	s7 =	sand.u32 $0x1FFFFFF0, s7;
	s8 =	spop (v2sf)  }
0x262: {  	[tilespmem:s0], [sflag:$0x1] =	stream.linear.gather [hbm4b:s5+s1], $0x80, $0x38;
	[tilespmem:$0x8980] =	vst v63  }
0x263: {  	s0 =	sadd.s32 s4, s6;
	s5 =	sand.u32 $0x1FFFFFF0, s8;
	s6 =	spop (v2sf)  }
0x264: {  	[tilespmem:s31], [sflag:$0x1] =	stream.linear.gather [hbm4b:s0+s1], $0x80, $0x38;
	[tilespmem:$0x8980] =	vst v63  }
0x265: {  	s0 =	sadd.s32 s4, s7;
	s6 =	sand.u32 $0x1FFFFFF0, s6;
	s7 =	spop (v2sf)  }
0x266: {  	[tilespmem:s3], [sflag:$0x1] =	stream.linear.gather [hbm4b:s0+s1], $0x80, $0x38;
	[tilespmem:$0x8980] =	vst v63  }
0x267: {  	s0 =	sadd.s32 s4, s5;
	s3 =	sand.u32 $0x1FFFFFF0, s7;
	s5 =	spop (v2sf)  }
0x268: {  	[tilespmem:s30], [sflag:$0x1] =	stream.linear.gather [hbm4b:s0+s1], $0x80, $0x38;
	[tilespmem:$0x8980] =	vst v63  }
0x269: {  	s0 =	sadd.s32 s4, s6;
	s5 =	sand.u32 $0x1FFFFFF0, s5;
	s6 =	spop (v2sf)  }
0x26a: {  	[tilespmem:s29], [sflag:$0x1] =	stream.linear.gather [hbm4b:s0+s1], $0x80, $0x38;
	[tilespmem:$0x8980] =	vst v63  }
0x26b: {  	s0 =	sadd.s32 s4, s3;
	s3 =	sand.u32 $0x1FFFFFF0, s6;
	s6 =	spop (v2sf)  }
0x26c: {  	[tilespmem:s26], [sflag:$0x1] =	stream.linear.gather [hbm4b:s0+s1], $0x80, $0x38;
	[tilespmem:$0x8980] =	vst v63  }
0x26d: {  	s0 =	sadd.s32 s4, s5;
	s5 =	sand.u32 $0x1FFFFFF0, s6  }
0x26e: {  	[tilespmem:s28], [sflag:$0x1] =	stream.linear.gather [hbm4b:s0+s1], $0x80, $0x38;
	[tilespmem:$0x8980] =	vst v63  }
0x26f: {  	s3 =	sadd.s32 s4, s3;
	s0 =	sadd.s32 $0x880, s22  }
0x270: {  	[tilespmem:s0], [sflag:$0x1] =	stream.linear.gather [hbm4b:s3+s1], $0x80, $0x38;
	[tilespmem:$0x8980] =	vst v63  }
0x271: {  	s0 =	sadd.s32 $0x900, s22;
	s3 =	sadd.s32 s4, s5  }
0x272: {  	[tilespmem:s0], [sflag:$0x1] =	stream.linear.gather [hbm4b:s3+s1], $0x80, $0x38;
	[tilespmem:$0x8980] =	vst v63  }
0x273: {  	v0 =	vld [tilespmem:s23+$0x0];
	_ =	sdelay $0x4  }
0x274: {  	v0 =	vshll.u32 v0, $0x4  }
0x275: {  	(v2sf) =	vpush v0, $0x0  }
0x276: {  	(v2sf) =	vpush v0, $0x1  }
0x277: {  	(v2sf) =	vpush v0, $0x2;
	_ =	sdelay $0x1  }
0x278: {  	(v2sf) =	vpush v0, $0x4  }
.Ltmp5:
0x279: {  	(pc) =	sbr.rel @p0 .LBB2_12-.Ltmp5, $3  }
0x27a: {  	(v2sf) =	vpush v0, $0x3  }
0x27b: {  	(v2sf) =	vpush v0, $0x5;
	_ =	sdelay $0x1  }
0x27c: {  	s22 =	sshra.s32 s25, $0x2;
	(v2sf) =	vpush v0, $0x6  }
0x27d: {  	_ =	sdelay $0x1  }
0x27e: {  	s3 =	sadd.s32 $0x200, s22;
	s24 =	sadd.s32 $0x700, s22  }
0x27f: {  	s5 =	sadd.s32 $0x500, s22;
	s0 =	sadd.s32 $0x780, s22;
	(v2sf) =	vpush v0, $0x7;
	s6 =	sadd.s32 $0x400, s22  }
0x280: {  	s7 =	sadd.s32 $0x580, s22;
	s23 =	sadd.s32 $0x800, s22;
	s8 =	sadd.s32 $0x180, s22  }
0x281: {  	s9 =	sadd.s32 $0x380, s22;
	s10 =	sadd.s32 $0x480, s22;
	(v2sf) =	vpush v0, $0x8;
	s11 =	spop (v2sf)  }
0x282: {  	s12 =	sadd.s32 $0x280, s22;
	s11 =	sand.u32 $0x1FFFFFF0, s11;
	s13 =	spop (v2sf)  }
0x283: {  	(v2sf) =	vpush v0, $0x9;
	s11 =	sadd.s32 s4, s11;
	s13 =	sand.u32 $0x1FFFFFF0, s13;
	s25 =	spop (v2sf)  }
0x284: {  	[tilespmem:s8], [sflag:$0x1] =	stream.linear.gather [hbm4b:s11+s1], $0x80, $0x38;
	[tilespmem:$0x8980] =	vst v63  }
0x285: {  	(v2sf) =	vpush v0, $0xA;
	s26 =	sadd.s32 s4, s13;
	s29 =	sand.u32 $0x1FFFFFF0, s25;
	s28 =	spop (v2sf)  }
0x286: {  	[tilespmem:s3], [sflag:$0x1] =	stream.linear.gather [hbm4b:s26+s1], $0x80, $0x38;
	[tilespmem:$0x8980] =	vst v63  }
0x287: {  	s8 =	sadd.s32 $0x680, s22;
	(v2sf) =	vpush v0, $0xB;
	s11 =	sadd.s32 s4, s29;
	s30 =	spop (v2sf)  }
0x288: {  	s3 =	sadd.s32 $0x600, s22;
	s26 =	sadd.s32 $0x300, s22;
	s25 =	sand.u32 $0x1FFFFFF0, s30  }
0x289: {  	(v2sf) =	vpush v0, $0xC;
	[tilespmem:s12], [sflag:$0x1] =	stream.linear.gather [hbm4b:s11+s1], $0x80, $0x38;
	[tilespmem:$0x8980] =	vst v63  }
0x28a: {  	s31 =	sand.u32 $0x1FFFFFF0, s28;
	s28 =	spop (v2sf);
	s29 =	sadd.s32 s4, s25  }
0x28b: {  	(v2sf) =	vpush v0, $0xD;
	[tilespmem:s26], [sflag:$0x1] =	stream.linear.gather [hbm4b:s29+s1], $0x80, $0x38;
	[tilespmem:$0x8980] =	vst v63  }
0x28c: {  	s11 =	sadd.s32 s4, s31;
	s12 =	sand.u32 $0x1FFFFFF0, s28;
	s30 =	spop (v2sf)  }
0x28d: {  	(v2sf) =	vpush v0, $0xE;
	[tilespmem:s9], [sflag:$0x1] =	stream.linear.gather [hbm4b:s11+s1], $0x80, $0x38;
	[tilespmem:$0x8980] =	vst v63  }
0x28e: {  	s12 =	sadd.s32 s4, s12;
	s31 =	sand.u32 $0x1FFFFFF0, s30;
	s13 =	spop (v2sf)  }
0x28f: {  	(v2sf) =	vpush v0, $0xF;
	[tilespmem:s6], [sflag:$0x1] =	stream.linear.gather [hbm4b:s12+s1], $0x80, $0x38;
	[tilespmem:$0x8980] =	vst v63  }
0x290: {  	s25 =	sand.u32 $0x1FFFFFF0, s13;
	s26 =	spop (v2sf);
	s9 =	sadd.s32 s4, s31  }
0x291: {  	[tilespmem:s10], [sflag:$0x1] =	stream.linear.gather [hbm4b:s9+s1], $0x80, $0x38;
	[tilespmem:$0x8980] =	vst v63  }
0x292: {  	s28 =	sand.u32 $0x1FFFFFF0, s26;
	s6 =	sadd.s32 s4, s25;
	s29 =	spop (v2sf)  }
0x293: {  	[tilespmem:s5], [sflag:$0x1] =	stream.linear.gather [hbm4b:s6+s1], $0x80, $0x38;
	[tilespmem:$0x8980] =	vst v63  }
0x294: {  	s9 =	sadd.s32 s4, s28;
	s30 =	sand.u32 $0x1FFFFFF0, s29;
	s31 =	spop (v2sf)  }
0x295: {  	[tilespmem:s7], [sflag:$0x1] =	stream.linear.gather [hbm4b:s9+s1], $0x80, $0x38;
	[tilespmem:$0x8980] =	vst v63  }
0x296: {  	s6 =	sand.u32 $0x1FFFFFF0, s31;
	s5 =	sadd.s32 s4, s30;
	s10 =	spop (v2sf)  }
0x297: {  	[tilespmem:s3], [sflag:$0x1] =	stream.linear.gather [hbm4b:s5+s1], $0x80, $0x38;
	[tilespmem:$0x8980] =	vst v63  }
0x298: {  	s6 =	sadd.s32 s4, s6;
	s11 =	sand.u32 $0x1FFFFFF0, s10;
	s12 =	spop (v2sf)  }
0x299: {  	[tilespmem:s8], [sflag:$0x1] =	stream.linear.gather [hbm4b:s6+s1], $0x80, $0x38;
	[tilespmem:$0x8980] =	vst v63  }
0x29a: {  	s3 =	sadd.s32 s4, s11;
	s5 =	sand.u32 $0x1FFFFFF0, s12;
	s13 =	spop (v2sf)  }
0x29b: {  	[tilespmem:s24], [sflag:$0x1] =	stream.linear.gather [hbm4b:s3+s1], $0x80, $0x38;
	[tilespmem:$0x8980] =	vst v63  }
0x29c: {  	s5 =	sadd.s32 s4, s5;
	s25 =	spop (v2sf);
	s24 =	sand.u32 $0x1FFFFFF0, s13  }
0x29d: {  	[tilespmem:s0], [sflag:$0x1] =	stream.linear.gather [hbm4b:s5+s1], $0x80, $0x38;
	[tilespmem:$0x8980] =	vst v63  }
0x29e: {  	s26 =	sand.u32 $0x1FFFFFF0, s25;
	s28 =	spop (v2sf);
	s3 =	sadd.s32 s4, s24  }
0x29f: {  	[tilespmem:s23], [sflag:$0x1] =	stream.linear.gather [hbm4b:s3+s1], $0x80, $0x38;
	[tilespmem:$0x8980] =	vst v63  }
0x2a0: {  	s30 =	sadd.s32 $0x880, s22;
	s29 =	sand.u32 $0x1FFFFFF0, s28;
	s0 =	sadd.s32 s4, s26  }
0x2a1: {  	[tilespmem:s30], [sflag:$0x1] =	stream.linear.gather [hbm4b:s0+s1], $0x80, $0x38;
	[tilespmem:$0x8980] =	vst v63  }
0x2a2: {  	s31 =	sadd.s32 $0x900, s22;
	s3 =	sadd.s32 s4, s29  }
0x2a3: {  	[tilespmem:s31], [sflag:$0x1] =	stream.linear.gather [hbm4b:s3+s1], $0x80, $0x38;
	[tilespmem:$0x8980] =	vst v63  }
0x2a4: {  	s21 =	sadd.s32 $0x1, s21;
	_ =	swait.ge [sflag:s19], $0x8800  }
0x2a5: {  	p0 =	sne.s32 s21, s17;
	[sflag:s19] =	ssyncset.done $0x0  }
.Ltmp6:
0x2a6: {  	[sflag:s19] =	ssyncadd.s32 $0xFFFF7800;
	(pc) =	sbr.rel @p0 .LBB2_1-.Ltmp6, $4  }
0x2a7: {  	[hbm4b:s16+s1] =	stream.linear.scatter [tilespmem:s20], [sflag:$0x2], $0x8800, $0x38;
	[tilespmem:$0x8980] =	vst v63  }
0x2a8: {  	_ =	swait.ge [sflag:s18], $0x8800  }
0x2a9: {  	[sflag:s18] =	ssyncset.done $0x0  }
0x2aa: {  	[sflag:s18] =	ssyncadd.s32 $0xFFFF7800  }
0x2ab: {  	_ =	sfence.sel $0x180000  }
0x2ac: {  	[bflag:$0x0] =	sbarrier.arrive $0xFFFF  }
0x2ad: {  	_ =	strace $0x90000047  }
0x2ae: {  	s0 =	stileid.u32;
	[bflag:$0x2] =	sbarrier.arrive $0xFFFF  }
0x2af: {  	p0 =	sne.s32 s0, $0x0;
	s0 =	rddreg [dreg:$0x1]  }
0x2b0: {  	s0 =	sadd.s32 @!p0 $0x100000, s0  }
0x2b1: {  	[sflag:s0] =	ssyncadd.tile.s32 @!p0 $0x1;
	_ =	shalt  }
.Lfunc_end2:
_tile_overlayer_lowered:
.L_overlay_start_2:
0x2b2: {  	(tag) =	ssettag $0x2  }
0x2b3: {  	s0 =	rddreg [dreg:$0x0];
	s2 =	stileid.u32  }
0x2b4: {  	s1 =	rddreg [dreg:$0x1];
	p0 =	sne.s32 s2, $0x0  }
0x2b5: {  	s3 =	rddreg [dreg:$0x2];
	[bflag:$0x3] =	sbarrier.arrive $0xFFFF;
	s2 =	simm.s32 @!p0 $0x1C02  }
0x2b6: {  	[timem:s3], [sflag:s2] =	dma.local @!p0 [hbm:s0], s1  }
0x2b7: {  	s0 =	simm.s32 @!p0 $0x2  }
0x2b8: {  	_ =	swait.ge @!p0 [sflag:s0], s1  }
0x2b9: {  	s1 =	ssub.s32 @!p0 $0x0, s1;
	[sflag:s0] =	ssyncset.done @!p0 $0x0  }
0x2ba: {  	[sflag:s0] =	ssyncadd.s32 @!p0 s1  }
0x2bb: {  	[bflag:$0x3] =	sbarrier.arrive $0xFFFF  }
0x2bc: {  	_ =	shalt  }

</sc_bundles>
